<compile_context>
chip_gen: v7x
topology: tpu7x:2x2x1
jax: 0.10.2.dev20260603
libtpu: 0.0.44.dev20260713+nightly
codegen_flags: <defaults>
</compile_context>

<pallas_src>
import functools

import jax
import jax.numpy as jnp
from jax import lax
from jax.experimental import pallas as pl
from jax.experimental.pallas import tpu as pltpu
from jax.experimental.pallas import tpu_sc as plsc

E = 8
TOPK = 2
D = 768
F = 768
M = 2048
P = M * TOPK
T = 512
NT = P // T + E
R = NT * T

NW = 32
CHUNK = P // NW
NVEC = CHUNK // 16
MT = M // NW
D2 = D // 2

_MESH = plsc.VectorSubcoreMesh(core_axis_name="c", subcore_axis_name="s")
_SC_PARAMS = pltpu.CompilerParams(needs_layout_passes=False)


def _wid():
    return lax.axis_index("s") * 2 + lax.axis_index("c")


@functools.partial(
    pl.kernel,
    out_type=jax.ShapeDtypeStruct((NW, 16), jnp.int32),
    mesh=_MESH,
    compiler_params=_SC_PARAMS,
    scratch_types=[
        pltpu.VMEM((CHUNK,), jnp.int32),
        pltpu.VMEM((16,), jnp.int32),
    ],
)
def _phase_a1(ids_hbm, cnt_hbm, ids_v, cnt_v):
    w = _wid()
    pltpu.sync_copy(ids_hbm.at[pl.ds(w * CHUNK, CHUNK)], ids_v)
    lanes = lax.iota(jnp.int32, 16)

    def vbody(vi, cnt):
        v = ids_v[pl.ds(vi * 16, 16)]

        def ebody(e, cnt):
            pc = plsc.all_reduce_population_count(v == e)
            return cnt + jnp.where(lanes == e, pc, 0)

        return lax.fori_loop(0, E, ebody, cnt)

    cnt_v[...] = lax.fori_loop(0, NVEC, vbody, jnp.zeros((16,), jnp.int32))
    pltpu.sync_copy(cnt_v, cnt_hbm.at[w])


@functools.partial(
    pl.kernel,
    out_type=(
        jax.ShapeDtypeStruct((P,), jnp.int32),
        jax.ShapeDtypeStruct((R, D2), jnp.int32),
        jax.ShapeDtypeStruct((64,), jnp.int32),
    ),
    mesh=_MESH,
    compiler_params=_SC_PARAMS,
    scratch_types=[
        pltpu.VMEM((CHUNK,), jnp.int32),
        pltpu.VMEM((NW, 16), jnp.int32),
        pltpu.VMEM((CHUNK,), jnp.int32),
        pltpu.VMEM((CHUNK,), jnp.int32),
        pltpu.VMEM((CHUNK, D2), jnp.int32),
        pltpu.VMEM((64,), jnp.int32),
        pltpu.SemaphoreType.DMA,
        pltpu.SemaphoreType.DMA,
    ],
)
def _phase_a2(ids_hbm, cnt_hbm, hid_hbm,
              pos_hbm, xg_hbm, meta_hbm,
              ids_v, allcnt_v, rowbuf_v, tok_v,
              xrows_v, meta_v, gsem, ssem):
    w = _wid()
    base = w * CHUNK
    lanes = lax.iota(jnp.int32, 16)
    zero16 = jnp.zeros((16,), jnp.int32)

    def tbody(vi, _):
        jvec = base + vi * 16 + lanes
        tok_v[pl.ds(vi * 16, 16)] = jvec >> 1
        return _

    lax.fori_loop(0, NVEC, tbody, 0)
    gcp = pltpu.async_copy(hid_hbm.at[tok_v], xrows_v, gsem)
    cp_ids = pltpu.async_copy(ids_hbm.at[pl.ds(base, CHUNK)], ids_v, ssem)
    cp_cnt = pltpu.async_copy(cnt_hbm, allcnt_v, ssem)
    cp_ids.wait()
    cp_cnt.wait()

    def accbody(i, carry):
        pre, tot = carry
        row = allcnt_v[i, :]
        pre = pre + jnp.where(i < w, row, 0)
        return pre, tot + row

    pre, tot = lax.fori_loop(0, NW, accbody, (zero16, zero16))

    ntiles = (tot + (T - 1)) >> 9
    incl = plsc.cumsum(ntiles)
    tstart = incl - ntiles
    mybase = tstart * T + pre

    ntot = jnp.sum(ntiles)

    @pl.when(w == 0)
    def _():
        def half_body(half, _):
            ivec = lanes + half * 16

            def ebody(e, acc):
                ts_e = jnp.sum(jnp.where(lanes == e, tstart, 0))
                return acc + jnp.where(ivec >= ts_e, 1, 0)

            cntv = lax.fori_loop(0, E, ebody, zero16)
            meta_v[pl.ds(half * 16, 16)] = cntv - 1
            meta_v[pl.ds(32 + half * 16, 16)] = jnp.where(ivec < ntot, 1, 0)
            return _

        lax.fori_loop(0, 2, half_body, 0)
        tailv = meta_v[pl.ds(48, 16)]
        meta_v[pl.ds(48, 16)] = jnp.where(lanes == 15, ntot, tailv)
        pltpu.sync_copy(meta_v, meta_hbm)

    def vbody(vi, curbase):
        v = ids_v[pl.ds(vi * 16, 16)]

        def ebody(e, ec):
            curbase, posv = ec
            m = v == e
            mi = jnp.where(m, 1, 0)
            excl = plsc.cumsum(mi) - mi
            be = jnp.sum(jnp.where(lanes == e, curbase, 0))
            posv = jnp.where(m, be + excl, posv)
            curbase = curbase + jnp.where(
                lanes == e, plsc.all_reduce_population_count(m), 0)
            return curbase, posv

        curbase, posv = lax.fori_loop(0, E, ebody, (curbase, zero16))
        rowbuf_v[pl.ds(vi * 16, 16)] = posv
        return curbase

    lax.fori_loop(0, NVEC, vbody, mybase)

    gcp.wait()
    cp1 = pltpu.async_copy(rowbuf_v, pos_hbm.at[pl.ds(base, CHUNK)], ssem)
    cp2 = pltpu.async_copy(xrows_v, xg_hbm.at[rowbuf_v], ssem)
    cp1.wait()
    cp2.wait()


def _phase_b_body(meta_ref, xg_ref, w1_ref, w2_ref, y_ref):
    i = pl.program_id(0)

    @pl.when(meta_ref[32 + i] == 1)
    def _():
        xp = xg_ref[...]
        lo = lax.bitcast_convert_type(xp << 16, jnp.float32)
        hi = lax.bitcast_convert_type(
            xp & jnp.int32(-65536), jnp.float32)
        x = jnp.concatenate([lo, hi], axis=1)
        h = lax.dot_general(x, w1_ref[0], (((1,), (1,)), ((), ())),
                            preferred_element_type=jnp.float32)
        gate = h[:, :F]
        up = h[:, F:]
        act = gate * jax.nn.sigmoid(gate) * up
        y_ref[...] = lax.dot_general(act, w2_ref[0], (((1,), (1,)), ((), ())),
                                     preferred_element_type=jnp.float32)


def _phase_b(meta, xg, w1, w2):
    def live(i, m):
        return jnp.minimum(i, m[63] - 1)

    grid_spec = pltpu.PrefetchScalarGridSpec(
        num_scalar_prefetch=1,
        grid=(NT,),
        in_specs=[
            pl.BlockSpec((T, D2), lambda i, m: (live(i, m), 0)),
            pl.BlockSpec((1, 2 * F, D), lambda i, m: (m[live(i, m)], 0, 0)),
            pl.BlockSpec((1, D, F), lambda i, m: (m[live(i, m)], 0, 0)),
        ],
        out_specs=pl.BlockSpec((T, D), lambda i, m: (live(i, m), 0)),
    )
    return pl.pallas_call(
        _phase_b_body,
        grid_spec=grid_spec,
        out_shape=jax.ShapeDtypeStruct((R, D), jnp.float32),
        compiler_params=pltpu.CompilerParams(
            vmem_limit_bytes=100 * 1024 * 1024),
    )(meta, xg, w1, w2)


@functools.partial(
    pl.kernel,
    out_type=jax.ShapeDtypeStruct((M, D), jnp.float32),
    mesh=_MESH,
    compiler_params=_SC_PARAMS,
    scratch_types=[
        pltpu.VMEM((2 * MT,), jnp.int32),
        pltpu.VMEM((2 * MT,), jnp.float32),
        pltpu.VMEM((MT,), jnp.int32),
        pltpu.VMEM((MT,), jnp.int32),
        pltpu.VMEM((MT,), jnp.float32),
        pltpu.VMEM((MT,), jnp.float32),
        pltpu.VMEM((MT, D), jnp.float32),
        pltpu.VMEM((MT, D), jnp.float32),
        pltpu.SemaphoreType.DMA,
        pltpu.SemaphoreType.DMA,
    ],
)
def _phase_c(ybuf_hbm, pos_hbm, tw_hbm, out_hbm,
             pch_v, twch_v, idx0_v, idx1_v, w0_v, w1_v, acc_v, buf_v,
             sem0, sem1):
    w = _wid()
    t0 = w * MT
    cpa = pltpu.async_copy(pos_hbm.at[pl.ds(2 * t0, 2 * MT)], pch_v, sem0)
    cpb = pltpu.async_copy(tw_hbm.at[pl.ds(2 * t0, 2 * MT)], twch_v, sem1)
    cpa.wait()
    cpb.wait()
    lanes = lax.iota(jnp.int32, 16)
    for g in range(MT // 16):
        ev = lanes * 2 + g * 32
        od = ev + 1
        idx0_v[pl.ds(g * 16, 16)] = plsc.load_gather(pch_v, [ev])
        idx1_v[pl.ds(g * 16, 16)] = plsc.load_gather(pch_v, [od])
        w0_v[pl.ds(g * 16, 16)] = plsc.load_gather(twch_v, [ev])
        w1_v[pl.ds(g * 16, 16)] = plsc.load_gather(twch_v, [od])
    cp0 = pltpu.async_copy(ybuf_hbm.at[idx0_v], acc_v, sem0)
    cp1 = pltpu.async_copy(ybuf_hbm.at[idx1_v], buf_v, sem1)
    cp0.wait()
    cp1.wait()

    def rbody(r, _):
        rv = jnp.full((16,), r, jnp.int32)
        w0b = plsc.load_gather(w0_v, [rv])
        w1b = plsc.load_gather(w1_v, [rv])
        for cc in range(D // 16):
            sl = pl.ds(cc * 16, 16)
            acc_v[r, sl] = acc_v[r, sl] * w0b + buf_v[r, sl] * w1b
        return _

    lax.fori_loop(0, MT, rbody, 0)
    pltpu.sync_copy(acc_v, out_hbm.at[pl.ds(t0, MT)])


def kernel(hidden_states, w1, w2, topk_weights, topk_ids):
    ids = topk_ids.astype(jnp.int32).reshape(P)
    tw = topk_weights.astype(jnp.float32).reshape(P)
    cnt = _phase_a1(ids)
    hb = hidden_states.astype(jnp.bfloat16)
    hid_packed = lax.bitcast_convert_type(
        jnp.stack([hb[:, :D2], hb[:, D2:]], axis=-1), jnp.int32)
    pos, xg, meta = _phase_a2(ids, cnt, hid_packed)
    ybuf = _phase_b(meta, xg, w1, w2)
    return _phase_c(ybuf, pos, tw)

# --- scband reference (transcript-rebuilt; emitter-appended) ---
"""Pipeline reference for scband-fused-mo-emodular-kernel-16707422781658 (READ-ONLY COPY).

The authoritative reference and input builder live on the scoring server;
editing this copy changes nothing except your own understanding.
"""

import jax, jax.numpy as jnp
import numpy as np

NUM_EXPERTS = 8
TOP_K = 2
D_MODEL = 768
D_FF = 768
M_TOKENS = 2048


def setup_inputs(seed: int = 0) -> dict:
    key = jax.random.key(seed)
    k1, k2, k3, k4, k5 = jax.random.split(key, 5)
    hidden_states = jax.random.normal(k1, (M_TOKENS, D_MODEL), dtype=jnp.float32)
    # w1: fused gate+up projection [E, 2*d_ff, d_model]; w2: down projection [E, d_model, d_ff]
    w1 = jax.random.normal(k2, (NUM_EXPERTS, 2 * D_FF, D_MODEL), dtype=jnp.float32) * 0.05
    w2 = jax.random.normal(k3, (NUM_EXPERTS, D_MODEL, D_FF), dtype=jnp.float32) * 0.05
    tw = jax.random.uniform(k4, (M_TOKENS, TOP_K), dtype=jnp.float32, minval=0.01, maxval=1.0)
    topk_weights = tw / jnp.sum(tw, axis=-1, keepdims=True)
    topk_ids = jax.random.randint(k5, (M_TOKENS, TOP_K), 0, NUM_EXPERTS, dtype=jnp.int64)
    return {
        "hidden_states": hidden_states,
        "w1": w1,
        "w2": w2,
        "topk_weights": topk_weights,
        "topk_ids": topk_ids,
    }


def reference(hidden_states, w1, w2, topk_weights, topk_ids):
    """Faithful dense-equivalent of FusedMoEModularKernel.forward with the
    standard (non-quantized) experts: permute -> per-expert
    SiLU-and-mul MLP -> unpermute + TopKWeightAndReduce combine.
    Equivalent formulation: for each expert e, run every token through
    expert e's MLP and scale by that token's combined routing weight for e
    (zero if e not in the token's top-k), then sum over experts.
    """
    M, K = hidden_states.shape
    E, N, _ = w1.shape  # N = 2 * d_ff (fused gate/up)
    d_ff = N // 2
    out = jnp.zeros((M, K), dtype=hidden_states.dtype)
    for e in range(E):
        # combined routing weight of expert e per token (sum over top-k slots)
        cw = jnp.sum(jnp.where(topk_ids == e, topk_weights, 0.0), axis=1)  # [M]
        h = hidden_states @ w1[e].T  # [M, 2*d_ff]
        gate = h[:, :d_ff]
        up = h[:, d_ff:]
        act = jax.nn.silu(gate) * up  # SiLU-and-mul activation
        y = act @ w2[e].T  # [M, d_model]
        out = out + y * cw[:, None]
    return out

if __name__ == "__main__":
    import jax
    _d = setup_inputs()
    print(jax.jit(kernel)(*tuple(_d.values())))

</pallas_src>

<mosaic_0001>
#map = affine_map<(d0, d1) -> (0)>
#map1 = affine_map<(d0, d1) -> (0, 0)>
module attributes {stable_mosaic.version = 14 : i64} {
  func.func @_phase_a2(%arg0: i32, %arg1: i32, %arg2: memref<4096xi32, #tpu.memory_space<hbm>>, %arg3: memref<32x16xi32, #tpu.memory_space<hbm>>, %arg4: memref<2048x384xi32, #tpu.memory_space<hbm>>, %arg5: memref<4096xi32, #tpu.memory_space<hbm>>, %arg6: memref<8192x384xi32, #tpu.memory_space<hbm>>, %arg7: memref<64xi32, #tpu.memory_space<hbm>>, %arg8: memref<128xi32, #tpu.memory_space<vmem>>, %arg9: memref<32x16xi32, #tpu.memory_space<vmem>>, %arg10: memref<128xi32, #tpu.memory_space<vmem>>, %arg11: memref<128xi32, #tpu.memory_space<vmem>>, %arg12: memref<128x384xi32, #tpu.memory_space<vmem>>, %arg13: memref<64xi32, #tpu.memory_space<vmem>>, %arg14: memref<!tpu.dma_semaphore, #tpu.memory_space<semaphore_mem>>, %arg15: memref<!tpu.dma_semaphore, #tpu.memory_space<semaphore_mem>>) attributes {dimension_semantics = [#tpu.dimension_semantics<core_parallel>, #tpu.dimension_semantics<subcore_parallel>], iteration_bounds = array<i64: 2, 16>, scalar_prefetch = 0 : i64, scratch_operands = 8 : i64, tpu.core_type = #tpu.core_type<sc_vector_subcore>, window_params = [{transform_indices = #map}, {transform_indices = #map1}, {transform_indices = #map1}, {transform_indices = #map}, {transform_indices = #map1}, {transform_indices = #map}]} {
    %mul3A = arith.constant 2 : i32
    %mul3A_0 = arith.muli %arg1, %mul3A : i32
    %add3A = arith.addi %mul3A_0, %arg0 : i32
    %mul3A_1 = arith.constant 128 : i32
    %mul3A_2 = arith.muli %add3A, %mul3A_1 : i32
    %iota3A = tpu.iota {dimensions = array<i32: 0>} : vector<16xi32>
    %broadcast_in_dim3A = arith.constant 0 : i32
    %broadcast_in_dim3A_3 = vector.broadcast %broadcast_in_dim3A : i32 to vector<16xi32>
    %scan3A = arith.constant 0 : i32
    %scan3A_4 = arith.constant 0 : i32
    %scan3A_5 = arith.constant 8 : i32
    %scan3A_6 = arith.addi %scan3A_4, %scan3A_5 : i32
    %scan3A_7 = arith.constant 1 : i32
    scf.for %scan3A_55 = %scan3A_4 to %scan3A_6 step %scan3A_7  : i32 {
      %mul3A_56 = arith.constant 16 : i32
      %mul3A_57 = arith.muli %scan3A_55, %mul3A_56 : i32
      %add3A_58 = arith.addi %mul3A_2, %mul3A_57 : i32
      %add3A_59 = vector.broadcast %add3A_58 : i32 to vector<16xi32>
      %add3A_60 = arith.addi %add3A_59, %iota3A : vector<16xi32>
      %shift_right_arithmetic3A_61 = arith.constant 1 : i32
      %shift_right_arithmetic3A_62 = vector.broadcast %shift_right_arithmetic3A_61 : i32 to vector<16xi32>
      %shift_right_arithmetic3A_63 = arith.shrsi %add3A_60, %shift_right_arithmetic3A_62 : vector<16xi32>
      %mul3A_64 = arith.constant 16 : i32
      %mul3A_65 = arith.muli %scan3A_55, %mul3A_64 : i32
      %swap3A = arith.index_cast %mul3A_65 : i32 to index
      %swap3A_66 = tpu.vector_load %arg11[%swap3A] {strides = array<i32>} : memref<128xi32, #tpu.memory_space<vmem>>, vector<16xi32>,
      tpu.vector_store %arg11[%swap3A], %shift_right_arithmetic3A_63 {strides = array<i32>} : memref<128xi32, #tpu.memory_space<vmem>>, vector<16xi32>,
    }
    %scan3A_8 = arith.constant 8 : i32
    %dma_start3A = arith.constant 0 : i32
    %dma_start3A_9 = arith.constant 0 : i32
    %dma_start3A_10 = tpu.memref_slice %arg4[%dma_start3A, %dma_start3A_9] : memref<2048x384xi32, #tpu.memory_space<hbm>> -> memref<2048x384xi32, #tpu.memory_space<hbm>>
    tpu.enqueue_indirect_dma source(%dma_start3A_10 : memref<2048x384xi32, #tpu.memory_space<hbm>>) target(%arg12 : memref<128x384xi32, #tpu.memory_space<vmem>>) offsets(%arg11 : memref<128xi32, #tpu.memory_space<vmem>>) semaphore(%arg14 : memref<!tpu.dma_semaphore, #tpu.memory_space<semaphore_mem>>)
    %dma_start3A_11 = tpu.memref_slice %arg2[%mul3A_2] : memref<4096xi32, #tpu.memory_space<hbm>> -> memref<128xi32, #tpu.memory_space<hbm>>
    %dma_start3A_12 = tpu.memref_slice %arg2[%mul3A_2] : memref<4096xi32, #tpu.memory_space<hbm>> -> memref<128xi32, #tpu.memory_space<hbm>>
    tpu.enqueue_dma source(%dma_start3A_12 : memref<128xi32, #tpu.memory_space<hbm>>) target(%arg8 : memref<128xi32, #tpu.memory_space<vmem>>) target_semaphore(%arg15 : memref<!tpu.dma_semaphore, #tpu.memory_space<semaphore_mem>>)
    tpu.enqueue_dma source(%arg3 : memref<32x16xi32, #tpu.memory_space<hbm>>) target(%arg9 : memref<32x16xi32, #tpu.memory_space<vmem>>) target_semaphore(%arg15 : memref<!tpu.dma_semaphore, #tpu.memory_space<semaphore_mem>>)
    %dma_wait3A = tpu.memref_slice %arg2[%mul3A_2] : memref<4096xi32, #tpu.memory_space<hbm>> -> memref<128xi32, #tpu.memory_space<hbm>>
    %dma_wait3A_13 = tpu.memref_slice %arg2[%mul3A_2] : memref<4096xi32, #tpu.memory_space<hbm>> -> memref<128xi32, #tpu.memory_space<hbm>>
    tpu.wait_dma2 semaphore(%arg15 : memref<!tpu.dma_semaphore, #tpu.memory_space<semaphore_mem>>) src(%dma_wait3A_13 : memref<128xi32, #tpu.memory_space<hbm>>) dst(%arg8 : memref<128xi32, #tpu.memory_space<vmem>>)
    tpu.wait_dma2 semaphore(%arg15 : memref<!tpu.dma_semaphore, #tpu.memory_space<semaphore_mem>>) src(%arg3 : memref<32x16xi32, #tpu.memory_space<hbm>>) dst(%arg9 : memref<32x16xi32, #tpu.memory_space<vmem>>)
    %scan3A_14 = arith.constant 0 : i32
    %scan3A_15 = arith.constant 32 : i32
    %scan3A_16 = arith.addi %scan3A_14, %scan3A_15 : i32
    %scan3A_17 = arith.constant 1 : i32
    %scan3A_18:2 = scf.for %scan3A_55 = %scan3A_14 to %scan3A_16 step %scan3A_17 iter_args(%scan3A_56 = %broadcast_in_dim3A_3, %scan3A_57 = %broadcast_in_dim3A_3) -> (vector<16xi32>, vector<16xi32>)  : i32 {
      %get3A = arith.index_cast %scan3A_55 : i32 to index
      %get3A_58 = arith.constant 0 : index
      %get3A_59 = tpu.vector_load %arg9[%get3A, %get3A_58] {strides = array<i32>} : memref<32x16xi32, #tpu.memory_space<vmem>>, vector<16xi32>,
      %lt3A = arith.cmpi slt, %scan3A_55, %add3A : i32
      %jit3A = arith.constant 0 : i32
      %broadcast_in_dim3A_60 = vector.broadcast %jit3A : i32 to vector<16xi32>
      %select_n3A = arith.select %lt3A, %get3A_59, %broadcast_in_dim3A_60 : vector<16xi32>
      %add3A_61 = arith.addi %scan3A_56, %select_n3A : vector<16xi32>
      %add3A_62 = arith.addi %scan3A_57, %get3A_59 : vector<16xi32>
      scf.yield %add3A_61, %add3A_62 : vector<16xi32>, vector<16xi32>
    }
    %scan3A_19 = arith.constant 32 : i32
    %add3A_20 = arith.constant 511 : i32
    %add3A_21 = vector.broadcast %add3A_20 : i32 to vector<16xi32>
    %add3A_22 = arith.addi %scan3A_18#1, %add3A_21 : vector<16xi32>
    %shift_right_arithmetic3A = arith.constant 9 : i32
    %shift_right_arithmetic3A_23 = vector.broadcast %shift_right_arithmetic3A : i32 to vector<16xi32>
    %shift_right_arithmetic3A_24 = arith.shrsi %add3A_22, %shift_right_arithmetic3A_23 : vector<16xi32>
    %broadcast_in_dim3A_25 = arith.constant true
    %broadcast_in_dim3A_26 = vector.broadcast %broadcast_in_dim3A_25 : i1 to vector<16xi1>
    %masked_cumsum3A = tpu.scan <sum>, %shift_right_arithmetic3A_24 masked %broadcast_in_dim3A_26 : vector<16xi32>, vector<16xi1> -> vector<16xi32>
    %sub3A = arith.subi %masked_cumsum3A, %shift_right_arithmetic3A_24 : vector<16xi32>
    %mul3A_27 = arith.constant 512 : i32
    %mul3A_28 = vector.broadcast %mul3A_27 : i32 to vector<16xi32>
    %mul3A_29 = arith.muli %sub3A, %mul3A_28 : vector<16xi32>
    %add3A_30 = arith.addi %mul3A_29, %scan3A_18#0 : vector<16xi32>
    %reduce_sum3A = arith.constant true
    %reduce_sum3A_31 = vector.broadcast %reduce_sum3A : i1 to vector<16xi1>
    %reduce_sum3A_32 = tpu.scan <sum>, %shift_right_arithmetic3A_24 masked %reduce_sum3A_31 : vector<16xi32>, vector<16xi1> -> vector<16xi32>
    %reduce_sum3A_33 = vector.extract %reduce_sum3A_32[15] : i32 from vector<16xi32>
    %eq3A = arith.constant 0 : i32
    %eq3A_34 = arith.cmpi eq, %add3A, %eq3A : i32
    %convert_element_type3A = arith.extui %eq3A_34 : i1 to i32
    %cond3A = arith.constant 0 : i32
    %cond3A_35 = arith.cmpi ne, %convert_element_type3A, %cond3A : i32
    scf.if %cond3A_35 {
      %scan3A_55 = arith.constant 0 : i32
      %scan3A_56 = arith.constant 0 : i32
      %scan3A_57 = arith.constant 2 : i32
      %scan3A_58 = arith.addi %scan3A_56, %scan3A_57 : i32
      %scan3A_59 = arith.constant 1 : i32
      scf.for %scan3A_67 = %scan3A_56 to %scan3A_58 step %scan3A_59  : i32 {
        %mul3A_68 = arith.constant 16 : i32
        %mul3A_69 = arith.muli %scan3A_67, %mul3A_68 : i32
        %add3A_70 = vector.broadcast %mul3A_69 : i32 to vector<16xi32>
        %add3A_71 = arith.addi %iota3A, %add3A_70 : vector<16xi32>
        %scan3A_72 = arith.constant 0 : i32
        %scan3A_73 = arith.constant 8 : i32
        %scan3A_74 = arith.addi %scan3A_72, %scan3A_73 : i32
        %scan3A_75 = arith.constant 1 : i32
        %scan3A_76 = scf.for %scan3A_96 = %scan3A_72 to %scan3A_74 step %scan3A_75 iter_args(%scan3A_97 = %broadcast_in_dim3A_3) -> (vector<16xi32>)  : i32 {
          %eq3A_98 = vector.broadcast %scan3A_96 : i32 to vector<16xi32>
          %eq3A_99 = arith.cmpi eq, %iota3A, %eq3A_98 : vector<16xi32>
          %jit3A_100 = arith.constant 0 : i32
          %broadcast_in_dim3A_101 = vector.broadcast %jit3A_100 : i32 to vector<16xi32>
          %select_n3A_102 = arith.select %eq3A_99, %sub3A, %broadcast_in_dim3A_101 : vector<16xi1>, vector<16xi32>
          %reduce_sum3A_103 = arith.constant true
          %reduce_sum3A_104 = vector.broadcast %reduce_sum3A_103 : i1 to vector<16xi1>
          %reduce_sum3A_105 = tpu.scan <sum>, %select_n3A_102 masked %reduce_sum3A_104 : vector<16xi32>, vector<16xi1> -> vector<16xi32>
          %reduce_sum3A_106 = vector.extract %reduce_sum3A_105[15] : i32 from vector<16xi32>
          %ge3A = vector.broadcast %reduce_sum3A_106 : i32 to vector<16xi32>
          %ge3A_107 = arith.cmpi sge, %add3A_71, %ge3A : vector<16xi32>
          %jit3A_108 = arith.constant 1 : i32
          %jit3A_109 = arith.constant 0 : i32
          %broadcast_in_dim3A_110 = vector.broadcast %jit3A_108 : i32 to vector<16xi32>
          %broadcast_in_dim3A_111 = vector.broadcast %jit3A_109 : i32 to vector<16xi32>
          %select_n3A_112 = arith.select %ge3A_107, %broadcast_in_dim3A_110, %broadcast_in_dim3A_111 : vector<16xi1>, vector<16xi32>
          %add3A_113 = arith.addi %scan3A_97, %select_n3A_112 : vector<16xi32>
          scf.yield %add3A_113 : vector<16xi32>
        }
        %scan3A_77 = arith.constant 8 : i32
        %sub3A_78 = arith.constant 1 : i32
        %sub3A_79 = vector.broadcast %sub3A_78 : i32 to vector<16xi32>
        %sub3A_80 = arith.subi %scan3A_76, %sub3A_79 : vector<16xi32>
        %mul3A_81 = arith.constant 16 : i32
        %mul3A_82 = arith.muli %scan3A_67, %mul3A_81 : i32
        %swap3A_83 = arith.index_cast %mul3A_82 : i32 to index
        %swap3A_84 = tpu.vector_load %arg13[%swap3A_83] {strides = array<i32>} : memref<64xi32, #tpu.memory_space<vmem>>, vector<16xi32>,
        tpu.vector_store %arg13[%swap3A_83], %sub3A_80 {strides = array<i32>} : memref<64xi32, #tpu.memory_space<vmem>>, vector<16xi32>,
        %lt3A = vector.broadcast %reduce_sum3A_33 : i32 to vector<16xi32>
        %lt3A_85 = arith.cmpi slt, %add3A_71, %lt3A : vector<16xi32>
        %jit3A = arith.constant 1 : i32
        %jit3A_86 = arith.constant 0 : i32
        %broadcast_in_dim3A_87 = vector.broadcast %jit3A : i32 to vector<16xi32>
        %broadcast_in_dim3A_88 = vector.broadcast %jit3A_86 : i32 to vector<16xi32>
        %select_n3A_89 = arith.select %lt3A_85, %broadcast_in_dim3A_87, %broadcast_in_dim3A_88 : vector<16xi1>, vector<16xi32>
        %mul3A_90 = arith.constant 16 : i32
        %mul3A_91 = arith.muli %scan3A_67, %mul3A_90 : i32
        %add3A_92 = arith.constant 32 : i32
        %add3A_93 = arith.addi %add3A_92, %mul3A_91 : i32
        %swap3A_94 = arith.index_cast %add3A_93 : i32 to index
        %swap3A_95 = tpu.vector_load %arg13[%swap3A_94] {strides = array<i32>} : memref<64xi32, #tpu.memory_space<vmem>>, vector<16xi32>,
        tpu.vector_store %arg13[%swap3A_94], %select_n3A_89 {strides = array<i32>} : memref<64xi32, #tpu.memory_space<vmem>>, vector<16xi32>,
      }
      %scan3A_60 = arith.constant 2 : i32
      %get3A = arith.constant 48 : index
      %get3A_61 = tpu.vector_load %arg13[%get3A] {strides = array<i32>} : memref<64xi32, #tpu.memory_space<vmem>>, vector<16xi32>,
      %eq3A_62 = arith.constant 15 : i32
      %eq3A_63 = vector.broadcast %eq3A_62 : i32 to vector<16xi32>
      %eq3A_64 = arith.cmpi eq, %iota3A, %eq3A_63 : vector<16xi32>
      %broadcast_in_dim3A_65 = vector.broadcast %reduce_sum3A_33 : i32 to vector<16xi32>
      %select_n3A = arith.select %eq3A_64, %broadcast_in_dim3A_65, %get3A_61 : vector<16xi1>, vector<16xi32>
      %swap3A = arith.constant 48 : index
      %swap3A_66 = tpu.vector_load %arg13[%swap3A] {strides = array<i32>} : memref<64xi32, #tpu.memory_space<vmem>>, vector<16xi32>,
      tpu.vector_store %arg13[%swap3A], %select_n3A {strides = array<i32>} : memref<64xi32, #tpu.memory_space<vmem>>, vector<16xi32>,
      "tpu.region"() ({
        %run_scoped3A = tpu.sem_alloc : memref<!tpu.dma_semaphore, #tpu.memory_space<semaphore_mem>>
        tpu.enqueue_dma source(%arg13 : memref<64xi32, #tpu.memory_space<vmem>>) target(%arg7 : memref<64xi32, #tpu.memory_space<hbm>>) target_semaphore(%run_scoped3A : memref<!tpu.dma_semaphore, #tpu.memory_space<semaphore_mem>>)
        tpu.wait_dma2 semaphore(%run_scoped3A : memref<!tpu.dma_semaphore, #tpu.memory_space<semaphore_mem>>) src(%arg13 : memref<64xi32, #tpu.memory_space<vmem>>) dst(%arg7 : memref<64xi32, #tpu.memory_space<hbm>>)
        tpu.yield
      }) : () -> ()
    } else {
    }
    %scan3A_36 = arith.constant 0 : i32
    %scan3A_37 = arith.constant 8 : i32
    %scan3A_38 = arith.addi %scan3A_36, %scan3A_37 : i32
    %scan3A_39 = arith.constant 1 : i32
    %scan3A_40 = scf.for %scan3A_55 = %scan3A_36 to %scan3A_38 step %scan3A_39 iter_args(%scan3A_56 = %add3A_30) -> (vector<16xi32>)  : i32 {
      %mul3A_57 = arith.constant 16 : i32
      %mul3A_58 = arith.muli %scan3A_55, %mul3A_57 : i32
      %get3A = arith.index_cast %mul3A_58 : i32 to index
      %get3A_59 = tpu.vector_load %arg8[%get3A] {strides = array<i32>} : memref<128xi32, #tpu.memory_space<vmem>>, vector<16xi32>,
      %scan3A_60 = arith.constant 0 : i32
      %scan3A_61 = arith.constant 8 : i32
      %scan3A_62 = arith.addi %scan3A_60, %scan3A_61 : i32
      %scan3A_63 = arith.constant 1 : i32
      %scan3A_64:2 = scf.for %scan3A_69 = %scan3A_60 to %scan3A_62 step %scan3A_63 iter_args(%scan3A_70 = %scan3A_56, %scan3A_71 = %broadcast_in_dim3A_3) -> (vector<16xi32>, vector<16xi32>)  : i32 {
        %eq3A_72 = vector.broadcast %scan3A_69 : i32 to vector<16xi32>
        %eq3A_73 = arith.cmpi eq, %get3A_59, %eq3A_72 : vector<16xi32>
        %jit3A = arith.constant 1 : i32
        %jit3A_74 = arith.constant 0 : i32
        %broadcast_in_dim3A_75 = vector.broadcast %jit3A : i32 to vector<16xi32>
        %broadcast_in_dim3A_76 = vector.broadcast %jit3A_74 : i32 to vector<16xi32>
        %select_n3A = arith.select %eq3A_73, %broadcast_in_dim3A_75, %broadcast_in_dim3A_76 : vector<16xi1>, vector<16xi32>
        %broadcast_in_dim3A_77 = arith.constant true
        %broadcast_in_dim3A_78 = vector.broadcast %broadcast_in_dim3A_77 : i1 to vector<16xi1>
        %masked_cumsum3A_79 = tpu.scan <sum>, %select_n3A masked %broadcast_in_dim3A_78 : vector<16xi32>, vector<16xi1> -> vector<16xi32>
        %sub3A_80 = arith.subi %masked_cumsum3A_79, %select_n3A : vector<16xi32>
        %eq3A_81 = vector.broadcast %scan3A_69 : i32 to vector<16xi32>
        %eq3A_82 = arith.cmpi eq, %iota3A, %eq3A_81 : vector<16xi32>
        %jit3A_83 = arith.constant 0 : i32
        %broadcast_in_dim3A_84 = vector.broadcast %jit3A_83 : i32 to vector<16xi32>
        %select_n3A_85 = arith.select %eq3A_82, %scan3A_70, %broadcast_in_dim3A_84 : vector<16xi1>, vector<16xi32>
        %reduce_sum3A_86 = arith.constant true
        %reduce_sum3A_87 = vector.broadcast %reduce_sum3A_86 : i1 to vector<16xi1>
        %reduce_sum3A_88 = tpu.scan <sum>, %select_n3A_85 masked %reduce_sum3A_87 : vector<16xi32>, vector<16xi1> -> vector<16xi32>
        %reduce_sum3A_89 = vector.extract %reduce_sum3A_88[15] : i32 from vector<16xi32>
        %add3A_90 = vector.broadcast %reduce_sum3A_89 : i32 to vector<16xi32>
        %add3A_91 = arith.addi %add3A_90, %sub3A_80 : vector<16xi32>
        %select_n3A_92 = arith.select %eq3A_73, %add3A_91, %scan3A_71 : vector<16xi1>, vector<16xi32>
        %eq3A_93 = vector.broadcast %scan3A_69 : i32 to vector<16xi32>
        %eq3A_94 = arith.cmpi eq, %iota3A, %eq3A_93 : vector<16xi32>
        %all_reduce_population_count3A = tpu.all_reduce %eq3A_73 {dim = 0 : i64, kind = #tpu.reduction_kind<sum>} : vector<16xi1> -> vector<16xi32>
        %jit3A_95 = arith.constant 0 : i32
        %broadcast_in_dim3A_96 = vector.broadcast %jit3A_95 : i32 to vector<16xi32>
        %select_n3A_97 = arith.select %eq3A_94, %all_reduce_population_count3A, %broadcast_in_dim3A_96 : vector<16xi1>, vector<16xi32>
        %add3A_98 = arith.addi %scan3A_70, %select_n3A_97 : vector<16xi32>
        scf.yield %add3A_98, %select_n3A_92 : vector<16xi32>, vector<16xi32>
      }
      %scan3A_65 = arith.constant 8 : i32
      %mul3A_66 = arith.constant 16 : i32
      %mul3A_67 = arith.muli %scan3A_55, %mul3A_66 : i32
      %swap3A = arith.index_cast %mul3A_67 : i32 to index
      %swap3A_68 = tpu.vector_load %arg10[%swap3A] {strides = array<i32>} : memref<128xi32, #tpu.memory_space<vmem>>, vector<16xi32>,
      tpu.vector_store %arg10[%swap3A], %scan3A_64#1 {strides = array<i32>} : memref<128xi32, #tpu.memory_space<vmem>>, vector<16xi32>,
      scf.yield %scan3A_64#0 : vector<16xi32>
    }
    %scan3A_41 = arith.constant 8 : i32
    %dma_wait3A_42 = arith.constant 0 : i32
    %dma_wait3A_43 = arith.constant 0 : i32
    %dma_wait3A_44 = tpu.memref_slice %arg4[%dma_wait3A_42, %dma_wait3A_43] : memref<2048x384xi32, #tpu.memory_space<hbm>> -> memref<2048x384xi32, #tpu.memory_space<hbm>>
    tpu.wait_indirect_dma semaphore(%arg14 : memref<!tpu.dma_semaphore, #tpu.memory_space<semaphore_mem>>) src(%dma_wait3A_44 : memref<2048x384xi32, #tpu.memory_space<hbm>>) dst(%arg12 : memref<128x384xi32, #tpu.memory_space<vmem>>)
    %dma_start3A_45 = tpu.memref_slice %arg5[%mul3A_2] : memref<4096xi32, #tpu.memory_space<hbm>> -> memref<128xi32, #tpu.memory_space<hbm>>
    %dma_start3A_46 = tpu.memref_slice %arg5[%mul3A_2] : memref<4096xi32, #tpu.memory_space<hbm>> -> memref<128xi32, #tpu.memory_space<hbm>>
    tpu.enqueue_dma source(%arg10 : memref<128xi32, #tpu.memory_space<vmem>>) target(%dma_start3A_46 : memref<128xi32, #tpu.memory_space<hbm>>) target_semaphore(%arg15 : memref<!tpu.dma_semaphore, #tpu.memory_space<semaphore_mem>>)
    %dma_start3A_47 = arith.constant 0 : i32
    %dma_start3A_48 = arith.constant 0 : i32
    %dma_start3A_49 = tpu.memref_slice %arg6[%dma_start3A_47, %dma_start3A_48] : memref<8192x384xi32, #tpu.memory_space<hbm>> -> memref<8192x384xi32, #tpu.memory_space<hbm>>
    tpu.enqueue_indirect_dma source(%arg12 : memref<128x384xi32, #tpu.memory_space<vmem>>) target(%dma_start3A_49 : memref<8192x384xi32, #tpu.memory_space<hbm>>) offsets(%arg10 : memref<128xi32, #tpu.memory_space<vmem>>) semaphore(%arg15 : memref<!tpu.dma_semaphore, #tpu.memory_space<semaphore_mem>>)
    %dma_wait3A_50 = tpu.memref_slice %arg5[%mul3A_2] : memref<4096xi32, #tpu.memory_space<hbm>> -> memref<128xi32, #tpu.memory_space<hbm>>
    %dma_wait3A_51 = tpu.memref_slice %arg5[%mul3A_2] : memref<4096xi32, #tpu.memory_space<hbm>> -> memref<128xi32, #tpu.memory_space<hbm>>
    tpu.wait_dma2 semaphore(%arg15 : memref<!tpu.dma_semaphore, #tpu.memory_space<semaphore_mem>>) src(%arg10 : memref<128xi32, #tpu.memory_space<vmem>>) dst(%dma_wait3A_51 : memref<128xi32, #tpu.memory_space<hbm>>)
    %dma_wait3A_52 = arith.constant 0 : i32
    %dma_wait3A_53 = arith.constant 0 : i32
    %dma_wait3A_54 = tpu.memref_slice %arg6[%dma_wait3A_52, %dma_wait3A_53] : memref<8192x384xi32, #tpu.memory_space<hbm>> -> memref<8192x384xi32, #tpu.memory_space<hbm>>
    tpu.wait_indirect_dma semaphore(%arg15 : memref<!tpu.dma_semaphore, #tpu.memory_space<semaphore_mem>>) src(%arg12 : memref<128x384xi32, #tpu.memory_space<vmem>>) dst(%dma_wait3A_54 : memref<8192x384xi32, #tpu.memory_space<hbm>>)
    return
  }
}

#map = affine_map<(d0, d1) -> (0, 0)>
#map1 = affine_map<(d0, d1) -> (0)>
module attributes {stable_mosaic.version = 14 : i64} {
  func.func @_phase_c(%arg0: i32, %arg1: i32, %arg2: memref<8192x768xf32, #tpu.memory_space<hbm>>, %arg3: memref<4096xi32, #tpu.memory_space<hbm>>, %arg4: memref<4096xf32, #tpu.memory_space<hbm>>, %arg5: memref<2048x768xf32, #tpu.memory_space<hbm>>, %arg6: memref<128xi32, #tpu.memory_space<vmem>>, %arg7: memref<128xf32, #tpu.memory_space<vmem>>, %arg8: memref<64xi32, #tpu.memory_space<vmem>>, %arg9: memref<64xi32, #tpu.memory_space<vmem>>, %arg10: memref<64xf32, #tpu.memory_space<vmem>>, %arg11: memref<64xf32, #tpu.memory_space<vmem>>, %arg12: memref<64x768xf32, #tpu.memory_space<vmem>>, %arg13: memref<64x768xf32, #tpu.memory_space<vmem>>, %arg14: memref<!tpu.dma_semaphore, #tpu.memory_space<semaphore_mem>>, %arg15: memref<!tpu.dma_semaphore, #tpu.memory_space<semaphore_mem>>) attributes {dimension_semantics = [#tpu.dimension_semantics<core_parallel>, #tpu.dimension_semantics<subcore_parallel>], iteration_bounds = array<i64: 2, 16>, scalar_prefetch = 0 : i64, scratch_operands = 10 : i64, tpu.core_type = #tpu.core_type<sc_vector_subcore>, window_params = [{transform_indices = #map}, {transform_indices = #map1}, {transform_indices = #map1}, {transform_indices = #map}]} {
    %mul3A = arith.constant 2 : i32
    %mul3A_0 = arith.muli %arg1, %mul3A : i32
    %add3A = arith.addi %mul3A_0, %arg0 : i32
    %mul3A_1 = arith.constant 64 : i32
    %mul3A_2 = arith.muli %add3A, %mul3A_1 : i32
    %mul3A_3 = arith.constant 2 : i32
    %mul3A_4 = arith.muli %mul3A_3, %mul3A_2 : i32
    %dma_start3A = tpu.memref_slice %arg3[%mul3A_4] : memref<4096xi32, #tpu.memory_space<hbm>> -> memref<128xi32, #tpu.memory_space<hbm>>
    %dma_start3A_5 = tpu.memref_slice %arg3[%mul3A_4] : memref<4096xi32, #tpu.memory_space<hbm>> -> memref<128xi32, #tpu.memory_space<hbm>>
    tpu.enqueue_dma source(%dma_start3A_5 : memref<128xi32, #tpu.memory_space<hbm>>) target(%arg6 : memref<128xi32, #tpu.memory_space<vmem>>) target_semaphore(%arg14 : memref<!tpu.dma_semaphore, #tpu.memory_space<semaphore_mem>>)
    %mul3A_6 = arith.constant 2 : i32
    %mul3A_7 = arith.muli %mul3A_6, %mul3A_2 : i32
    %dma_start3A_8 = tpu.memref_slice %arg4[%mul3A_7] : memref<4096xf32, #tpu.memory_space<hbm>> -> memref<128xf32, #tpu.memory_space<hbm>>
    %dma_start3A_9 = tpu.memref_slice %arg4[%mul3A_7] : memref<4096xf32, #tpu.memory_space<hbm>> -> memref<128xf32, #tpu.memory_space<hbm>>
    tpu.enqueue_dma source(%dma_start3A_9 : memref<128xf32, #tpu.memory_space<hbm>>) target(%arg7 : memref<128xf32, #tpu.memory_space<vmem>>) target_semaphore(%arg15 : memref<!tpu.dma_semaphore, #tpu.memory_space<semaphore_mem>>)
    %dma_wait3A = tpu.memref_slice %arg3[%mul3A_4] : memref<4096xi32, #tpu.memory_space<hbm>> -> memref<128xi32, #tpu.memory_space<hbm>>
    %dma_wait3A_10 = tpu.memref_slice %arg3[%mul3A_4] : memref<4096xi32, #tpu.memory_space<hbm>> -> memref<128xi32, #tpu.memory_space<hbm>>
    tpu.wait_dma2 semaphore(%arg14 : memref<!tpu.dma_semaphore, #tpu.memory_space<semaphore_mem>>) src(%dma_wait3A_10 : memref<128xi32, #tpu.memory_space<hbm>>) dst(%arg6 : memref<128xi32, #tpu.memory_space<vmem>>)
    %dma_wait3A_11 = tpu.memref_slice %arg4[%mul3A_7] : memref<4096xf32, #tpu.memory_space<hbm>> -> memref<128xf32, #tpu.memory_space<hbm>>
    %dma_wait3A_12 = tpu.memref_slice %arg4[%mul3A_7] : memref<4096xf32, #tpu.memory_space<hbm>> -> memref<128xf32, #tpu.memory_space<hbm>>
    tpu.wait_dma2 semaphore(%arg15 : memref<!tpu.dma_semaphore, #tpu.memory_space<semaphore_mem>>) src(%dma_wait3A_12 : memref<128xf32, #tpu.memory_space<hbm>>) dst(%arg7 : memref<128xf32, #tpu.memory_space<vmem>>)
    %iota3A = tpu.iota {dimensions = array<i32: 0>} : vector<16xi32>
    %mul3A_13 = arith.constant 2 : i32
    %mul3A_14 = vector.broadcast %mul3A_13 : i32 to vector<16xi32>
    %mul3A_15 = arith.muli %iota3A, %mul3A_14 : vector<16xi32>
    %add3A_16 = arith.constant 0 : i32
    %add3A_17 = vector.broadcast %add3A_16 : i32 to vector<16xi32>
    %add3A_18 = arith.addi %mul3A_15, %add3A_17 : vector<16xi32>
    %add3A_19 = arith.constant 1 : i32
    %add3A_20 = vector.broadcast %add3A_19 : i32 to vector<16xi32>
    %add3A_21 = arith.addi %add3A_18, %add3A_20 : vector<16xi32>
    %gather3A = tpu.vector_load_idx %arg6[%add3A_18] : memref<128xi32, #tpu.memory_space<vmem>>[vector<16xi32>], vector<16xi32>,
    %swap3A = arith.constant 0 : index
    %swap3A_22 = tpu.vector_load %arg8[%swap3A] {strides = array<i32>} : memref<64xi32, #tpu.memory_space<vmem>>, vector<16xi32>,
    tpu.vector_store %arg8[%swap3A], %gather3A {strides = array<i32>} : memref<64xi32, #tpu.memory_space<vmem>>, vector<16xi32>,
    %gather3A_23 = tpu.vector_load_idx %arg6[%add3A_21] : memref<128xi32, #tpu.memory_space<vmem>>[vector<16xi32>], vector<16xi32>,
    %swap3A_24 = arith.constant 0 : index
    %swap3A_25 = tpu.vector_load %arg9[%swap3A_24] {strides = array<i32>} : memref<64xi32, #tpu.memory_space<vmem>>, vector<16xi32>,
    tpu.vector_store %arg9[%swap3A_24], %gather3A_23 {strides = array<i32>} : memref<64xi32, #tpu.memory_space<vmem>>, vector<16xi32>,
    %gather3A_26 = tpu.vector_load_idx %arg7[%add3A_18] : memref<128xf32, #tpu.memory_space<vmem>>[vector<16xi32>], vector<16xf32>,
    %swap3A_27 = arith.constant 0 : index
    %swap3A_28 = tpu.vector_load %arg10[%swap3A_27] {strides = array<i32>} : memref<64xf32, #tpu.memory_space<vmem>>, vector<16xf32>,
    tpu.vector_store %arg10[%swap3A_27], %gather3A_26 {strides = array<i32>} : memref<64xf32, #tpu.memory_space<vmem>>, vector<16xf32>,
    %gather3A_29 = tpu.vector_load_idx %arg7[%add3A_21] : memref<128xf32, #tpu.memory_space<vmem>>[vector<16xi32>], vector<16xf32>,
    %swap3A_30 = arith.constant 0 : index
    %swap3A_31 = tpu.vector_load %arg11[%swap3A_30] {strides = array<i32>} : memref<64xf32, #tpu.memory_space<vmem>>, vector<16xf32>,
    tpu.vector_store %arg11[%swap3A_30], %gather3A_29 {strides = array<i32>} : memref<64xf32, #tpu.memory_space<vmem>>, vector<16xf32>,
    %mul3A_32 = arith.constant 2 : i32
    %mul3A_33 = vector.broadcast %mul3A_32 : i32 to vector<16xi32>
    %mul3A_34 = arith.muli %iota3A, %mul3A_33 : vector<16xi32>
    %add3A_35 = arith.constant 32 : i32
    %add3A_36 = vector.broadcast %add3A_35 : i32 to vector<16xi32>
    %add3A_37 = arith.addi %mul3A_34, %add3A_36 : vector<16xi32>
    %add3A_38 = arith.constant 1 : i32
    %add3A_39 = vector.broadcast %add3A_38 : i32 to vector<16xi32>
    %add3A_40 = arith.addi %add3A_37, %add3A_39 : vector<16xi32>
    %gather3A_41 = tpu.vector_load_idx %arg6[%add3A_37] : memref<128xi32, #tpu.memory_space<vmem>>[vector<16xi32>], vector<16xi32>,
    %swap3A_42 = arith.constant 16 : index
    %swap3A_43 = tpu.vector_load %arg8[%swap3A_42] {strides = array<i32>} : memref<64xi32, #tpu.memory_space<vmem>>, vector<16xi32>,
    tpu.vector_store %arg8[%swap3A_42], %gather3A_41 {strides = array<i32>} : memref<64xi32, #tpu.memory_space<vmem>>, vector<16xi32>,
    %gather3A_44 = tpu.vector_load_idx %arg6[%add3A_40] : memref<128xi32, #tpu.memory_space<vmem>>[vector<16xi32>], vector<16xi32>,
    %swap3A_45 = arith.constant 16 : index
    %swap3A_46 = tpu.vector_load %arg9[%swap3A_45] {strides = array<i32>} : memref<64xi32, #tpu.memory_space<vmem>>, vector<16xi32>,
    tpu.vector_store %arg9[%swap3A_45], %gather3A_44 {strides = array<i32>} : memref<64xi32, #tpu.memory_space<vmem>>, vector<16xi32>,
    %gather3A_47 = tpu.vector_load_idx %arg7[%add3A_37] : memref<128xf32, #tpu.memory_space<vmem>>[vector<16xi32>], vector<16xf32>,
    %swap3A_48 = arith.constant 16 : index
    %swap3A_49 = tpu.vector_load %arg10[%swap3A_48] {strides = array<i32>} : memref<64xf32, #tpu.memory_space<vmem>>, vector<16xf32>,
    tpu.vector_store %arg10[%swap3A_48], %gather3A_47 {strides = array<i32>} : memref<64xf32, #tpu.memory_space<vmem>>, vector<16xf32>,
    %gather3A_50 = tpu.vector_load_idx %arg7[%add3A_40] : memref<128xf32, #tpu.memory_space<vmem>>[vector<16xi32>], vector<16xf32>,
    %swap3A_51 = arith.constant 16 : index
    %swap3A_52 = tpu.vector_load %arg11[%swap3A_51] {strides = array<i32>} : memref<64xf32, #tpu.memory_space<vmem>>, vector<16xf32>,
    tpu.vector_store %arg11[%swap3A_51], %gather3A_50 {strides = array<i32>} : memref<64xf32, #tpu.memory_space<vmem>>, vector<16xf32>,
    %mul3A_53 = arith.constant 2 : i32
    %mul3A_54 = vector.broadcast %mul3A_53 : i32 to vector<16xi32>
    %mul3A_55 = arith.muli %iota3A, %mul3A_54 : vector<16xi32>
    %add3A_56 = arith.constant 64 : i32
    %add3A_57 = vector.broadcast %add3A_56 : i32 to vector<16xi32>
    %add3A_58 = arith.addi %mul3A_55, %add3A_57 : vector<16xi32>
    %add3A_59 = arith.constant 1 : i32
    %add3A_60 = vector.broadcast %add3A_59 : i32 to vector<16xi32>
    %add3A_61 = arith.addi %add3A_58, %add3A_60 : vector<16xi32>
    %gather3A_62 = tpu.vector_load_idx %arg6[%add3A_58] : memref<128xi32, #tpu.memory_space<vmem>>[vector<16xi32>], vector<16xi32>,
    %swap3A_63 = arith.constant 32 : index
    %swap3A_64 = tpu.vector_load %arg8[%swap3A_63] {strides = array<i32>} : memref<64xi32, #tpu.memory_space<vmem>>, vector<16xi32>,
    tpu.vector_store %arg8[%swap3A_63], %gather3A_62 {strides = array<i32>} : memref<64xi32, #tpu.memory_space<vmem>>, vector<16xi32>,
    %gather3A_65 = tpu.vector_load_idx %arg6[%add3A_61] : memref<128xi32, #tpu.memory_space<vmem>>[vector<16xi32>], vector<16xi32>,
    %swap3A_66 = arith.constant 32 : index
    %swap3A_67 = tpu.vector_load %arg9[%swap3A_66] {strides = array<i32>} : memref<64xi32, #tpu.memory_space<vmem>>, vector<16xi32>,
    tpu.vector_store %arg9[%swap3A_66], %gather3A_65 {strides = array<i32>} : memref<64xi32, #tpu.memory_space<vmem>>, vector<16xi32>,
    %gather3A_68 = tpu.vector_load_idx %arg7[%add3A_58] : memref<128xf32, #tpu.memory_space<vmem>>[vector<16xi32>], vector<16xf32>,
    %swap3A_69 = arith.constant 32 : index
    %swap3A_70 = tpu.vector_load %arg10[%swap3A_69] {strides = array<i32>} : memref<64xf32, #tpu.memory_space<vmem>>, vector<16xf32>,
    tpu.vector_store %arg10[%swap3A_69], %gather3A_68 {strides = array<i32>} : memref<64xf32, #tpu.memory_space<vmem>>, vector<16xf32>,
    %gather3A_71 = tpu.vector_load_idx %arg7[%add3A_61] : memref<128xf32, #tpu.memory_space<vmem>>[vector<16xi32>], vector<16xf32>,
    %swap3A_72 = arith.constant 32 : index
    %swap3A_73 = tpu.vector_load %arg11[%swap3A_72] {strides = array<i32>} : memref<64xf32, #tpu.memory_space<vmem>>, vector<16xf32>,
    tpu.vector_store %arg11[%swap3A_72], %gather3A_71 {strides = array<i32>} : memref<64xf32, #tpu.memory_space<vmem>>, vector<16xf32>,
    %mul3A_74 = arith.constant 2 : i32
    %mul3A_75 = vector.broadcast %mul3A_74 : i32 to vector<16xi32>
    %mul3A_76 = arith.muli %iota3A, %mul3A_75 : vector<16xi32>
    %add3A_77 = arith.constant 96 : i32
    %add3A_78 = vector.broadcast %add3A_77 : i32 to vector<16xi32>
    %add3A_79 = arith.addi %mul3A_76, %add3A_78 : vector<16xi32>
    %add3A_80 = arith.constant 1 : i32
    %add3A_81 = vector.broadcast %add3A_80 : i32 to vector<16xi32>
    %add3A_82 = arith.addi %add3A_79, %add3A_81 : vector<16xi32>
    %gather3A_83 = tpu.vector_load_idx %arg6[%add3A_79] : memref<128xi32, #tpu.memory_space<vmem>>[vector<16xi32>], vector<16xi32>,
    %swap3A_84 = arith.constant 48 : index
    %swap3A_85 = tpu.vector_load %arg8[%swap3A_84] {strides = array<i32>} : memref<64xi32, #tpu.memory_space<vmem>>, vector<16xi32>,
    tpu.vector_store %arg8[%swap3A_84], %gather3A_83 {strides = array<i32>} : memref<64xi32, #tpu.memory_space<vmem>>, vector<16xi32>,
    %gather3A_86 = tpu.vector_load_idx %arg6[%add3A_82] : memref<128xi32, #tpu.memory_space<vmem>>[vector<16xi32>], vector<16xi32>,
    %swap3A_87 = arith.constant 48 : index
    %swap3A_88 = tpu.vector_load %arg9[%swap3A_87] {strides = array<i32>} : memref<64xi32, #tpu.memory_space<vmem>>, vector<16xi32>,
    tpu.vector_store %arg9[%swap3A_87], %gather3A_86 {strides = array<i32>} : memref<64xi32, #tpu.memory_space<vmem>>, vector<16xi32>,
    %gather3A_89 = tpu.vector_load_idx %arg7[%add3A_79] : memref<128xf32, #tpu.memory_space<vmem>>[vector<16xi32>], vector<16xf32>,
    %swap3A_90 = arith.constant 48 : index
    %swap3A_91 = tpu.vector_load %arg10[%swap3A_90] {strides = array<i32>} : memref<64xf32, #tpu.memory_space<vmem>>, vector<16xf32>,
    tpu.vector_store %arg10[%swap3A_90], %gather3A_89 {strides = array<i32>} : memref<64xf32, #tpu.memory_space<vmem>>, vector<16xf32>,
    %gather3A_92 = tpu.vector_load_idx %arg7[%add3A_82] : memref<128xf32, #tpu.memory_space<vmem>>[vector<16xi32>], vector<16xf32>,
    %swap3A_93 = arith.constant 48 : index
    %swap3A_94 = tpu.vector_load %arg11[%swap3A_93] {strides = array<i32>} : memref<64xf32, #tpu.memory_space<vmem>>, vector<16xf32>,
    tpu.vector_store %arg11[%swap3A_93], %gather3A_92 {strides = array<i32>} : memref<64xf32, #tpu.memory_space<vmem>>, vector<16xf32>,
    %dma_start3A_95 = arith.constant 0 : i32
    %dma_start3A_96 = arith.constant 0 : i32
    %dma_start3A_97 = tpu.memref_slice %arg2[%dma_start3A_95, %dma_start3A_96] : memref<8192x768xf32, #tpu.memory_space<hbm>> -> memref<8192x768xf32, #tpu.memory_space<hbm>>
    tpu.enqueue_indirect_dma source(%dma_start3A_97 : memref<8192x768xf32, #tpu.memory_space<hbm>>) target(%arg12 : memref<64x768xf32, #tpu.memory_space<vmem>>) offsets(%arg8 : memref<64xi32, #tpu.memory_space<vmem>>) semaphore(%arg14 : memref<!tpu.dma_semaphore, #tpu.memory_space<semaphore_mem>>)
    %dma_start3A_98 = arith.constant 0 : i32
    %dma_start3A_99 = arith.constant 0 : i32
    %dma_start3A_100 = tpu.memref_slice %arg2[%dma_start3A_98, %dma_start3A_99] : memref<8192x768xf32, #tpu.memory_space<hbm>> -> memref<8192x768xf32, #tpu.memory_space<hbm>>
    tpu.enqueue_indirect_dma source(%dma_start3A_100 : memref<8192x768xf32, #tpu.memory_space<hbm>>) target(%arg13 : memref<64x768xf32, #tpu.memory_space<vmem>>) offsets(%arg9 : memref<64xi32, #tpu.memory_space<vmem>>) semaphore(%arg15 : memref<!tpu.dma_semaphore, #tpu.memory_space<semaphore_mem>>)
    %dma_wait3A_101 = arith.constant 0 : i32
    %dma_wait3A_102 = arith.constant 0 : i32
    %dma_wait3A_103 = tpu.memref_slice %arg2[%dma_wait3A_101, %dma_wait3A_102] : memref<8192x768xf32, #tpu.memory_space<hbm>> -> memref<8192x768xf32, #tpu.memory_space<hbm>>
    tpu.wait_indirect_dma semaphore(%arg14 : memref<!tpu.dma_semaphore, #tpu.memory_space<semaphore_mem>>) src(%dma_wait3A_103 : memref<8192x768xf32, #tpu.memory_space<hbm>>) dst(%arg12 : memref<64x768xf32, #tpu.memory_space<vmem>>)
    %dma_wait3A_104 = arith.constant 0 : i32
    %dma_wait3A_105 = arith.constant 0 : i32
    %dma_wait3A_106 = tpu.memref_slice %arg2[%dma_wait3A_104, %dma_wait3A_105] : memref<8192x768xf32, #tpu.memory_space<hbm>> -> memref<8192x768xf32, #tpu.memory_space<hbm>>
    tpu.wait_indirect_dma semaphore(%arg15 : memref<!tpu.dma_semaphore, #tpu.memory_space<semaphore_mem>>) src(%dma_wait3A_106 : memref<8192x768xf32, #tpu.memory_space<hbm>>) dst(%arg13 : memref<64x768xf32, #tpu.memory_space<vmem>>)
    %scan3A = arith.constant 0 : i32
    %scan3A_107 = arith.constant 0 : i32
    %scan3A_108 = arith.constant 64 : i32
    %scan3A_109 = arith.addi %scan3A_107, %scan3A_108 : i32
    %scan3A_110 = arith.constant 1 : i32
    scf.for %scan3A_112 = %scan3A_107 to %scan3A_109 step %scan3A_110  : i32 {
      %broadcast_in_dim3A = vector.broadcast %scan3A_112 : i32 to vector<16xi32>
      %gather3A_113 = tpu.vector_load_idx %arg10[%broadcast_in_dim3A] : memref<64xf32, #tpu.memory_space<vmem>>[vector<16xi32>], vector<16xf32>,
      %gather3A_114 = tpu.vector_load_idx %arg11[%broadcast_in_dim3A] : memref<64xf32, #tpu.memory_space<vmem>>[vector<16xi32>], vector<16xf32>,
      %get3A = arith.index_cast %scan3A_112 : i32 to index
      %get3A_115 = arith.constant 0 : index
      %get3A_116 = tpu.vector_load %arg12[%get3A, %get3A_115] {strides = array<i32>} : memref<64x768xf32, #tpu.memory_space<vmem>>, vector<16xf32>,
      %mul3A_117 = arith.mulf %get3A_116, %gather3A_113 : vector<16xf32>
      %get3A_118 = arith.index_cast %scan3A_112 : i32 to index
      %get3A_119 = arith.constant 0 : index
      %get3A_120 = tpu.vector_load %arg13[%get3A_118, %get3A_119] {strides = array<i32>} : memref<64x768xf32, #tpu.memory_space<vmem>>, vector<16xf32>,
      %mul3A_121 = arith.mulf %get3A_120, %gather3A_114 : vector<16xf32>
      %add3A_122 = arith.addf %mul3A_117, %mul3A_121 : vector<16xf32>
      %swap3A_123 = arith.index_cast %scan3A_112 : i32 to index
      %swap3A_124 = arith.constant 0 : index
      %swap3A_125 = tpu.vector_load %arg12[%swap3A_123, %swap3A_124] {strides = array<i32>} : memref<64x768xf32, #tpu.memory_space<vmem>>, vector<16xf32>,
      tpu.vector_store %arg12[%swap3A_123, %swap3A_124], %add3A_122 {strides = array<i32>} : memref<64x768xf32, #tpu.memory_space<vmem>>, vector<16xf32>,
      %get3A_126 = arith.index_cast %scan3A_112 : i32 to index
      %get3A_127 = arith.constant 16 : index
      %get3A_128 = tpu.vector_load %arg12[%get3A_126, %get3A_127] {strides = array<i32>} : memref<64x768xf32, #tpu.memory_space<vmem>>, vector<16xf32>,
      %mul3A_129 = arith.mulf %get3A_128, %gather3A_113 : vector<16xf32>
      %get3A_130 = arith.index_cast %scan3A_112 : i32 to index
      %get3A_131 = arith.constant 16 : index
      %get3A_132 = tpu.vector_load %arg13[%get3A_130, %get3A_131] {strides = array<i32>} : memref<64x768xf32, #tpu.memory_space<vmem>>, vector<16xf32>,
      %mul3A_133 = arith.mulf %get3A_132, %gather3A_114 : vector<16xf32>
      %add3A_134 = arith.addf %mul3A_129, %mul3A_133 : vector<16xf32>
      %swap3A_135 = arith.index_cast %scan3A_112 : i32 to index
      %swap3A_136 = arith.constant 16 : index
      %swap3A_137 = tpu.vector_load %arg12[%swap3A_135, %swap3A_136] {strides = array<i32>} : memref<64x768xf32, #tpu.memory_space<vmem>>, vector<16xf32>,
      tpu.vector_store %arg12[%swap3A_135, %swap3A_136], %add3A_134 {strides = array<i32>} : memref<64x768xf32, #tpu.memory_space<vmem>>, vector<16xf32>,
      %get3A_138 = arith.index_cast %scan3A_112 : i32 to index
      %get3A_139 = arith.constant 32 : index
      %get3A_140 = tpu.vector_load %arg12[%get3A_138, %get3A_139] {strides = array<i32>} : memref<64x768xf32, #tpu.memory_space<vmem>>, vector<16xf32>,
      %mul3A_141 = arith.mulf %get3A_140, %gather3A_113 : vector<16xf32>
      %get3A_142 = arith.index_cast %scan3A_112 : i32 to index
      %get3A_143 = arith.constant 32 : index
      %get3A_144 = tpu.vector_load %arg13[%get3A_142, %get3A_143] {strides = array<i32>} : memref<64x768xf32, #tpu.memory_space<vmem>>, vector<16xf32>,
      %mul3A_145 = arith.mulf %get3A_144, %gather3A_114 : vector<16xf32>
      %add3A_146 = arith.addf %mul3A_141, %mul3A_145 : vector<16xf32>
      %swap3A_147 = arith.index_cast %scan3A_112 : i32 to index
      %swap3A_148 = arith.constant 32 : index
      %swap3A_149 = tpu.vector_load %arg12[%swap3A_147, %swap3A_148] {strides = array<i32>} : memref<64x768xf32, #tpu.memory_space<vmem>>, vector<16xf32>,
      tpu.vector_store %arg12[%swap3A_147, %swap3A_148], %add3A_146 {strides = array<i32>} : memref<64x768xf32, #tpu.memory_space<vmem>>, vector<16xf32>,
      %get3A_150 = arith.index_cast %scan3A_112 : i32 to index
      %get3A_151 = arith.constant 48 : index
      %get3A_152 = tpu.vector_load %arg12[%get3A_150, %get3A_151] {strides = array<i32>} : memref<64x768xf32, #tpu.memory_space<vmem>>, vector<16xf32>,
      %mul3A_153 = arith.mulf %get3A_152, %gather3A_113 : vector<16xf32>
      %get3A_154 = arith.index_cast %scan3A_112 : i32 to index
      %get3A_155 = arith.constant 48 : index
      %get3A_156 = tpu.vector_load %arg13[%get3A_154, %get3A_155] {strides = array<i32>} : memref<64x768xf32, #tpu.memory_space<vmem>>, vector<16xf32>,
      %mul3A_157 = arith.mulf %get3A_156, %gather3A_114 : vector<16xf32>
      %add3A_158 = arith.addf %mul3A_153, %mul3A_157 : vector<16xf32>
      %swap3A_159 = arith.index_cast %scan3A_112 : i32 to index
      %swap3A_160 = arith.constant 48 : index
      %swap3A_161 = tpu.vector_load %arg12[%swap3A_159, %swap3A_160] {strides = array<i32>} : memref<64x768xf32, #tpu.memory_space<vmem>>, vector<16xf32>,
      tpu.vector_store %arg12[%swap3A_159, %swap3A_160], %add3A_158 {strides = array<i32>} : memref<64x768xf32, #tpu.memory_space<vmem>>, vector<16xf32>,
      %get3A_162 = arith.index_cast %scan3A_112 : i32 to index
      %get3A_163 = arith.constant 64 : index
      %get3A_164 = tpu.vector_load %arg12[%get3A_162, %get3A_163] {strides = array<i32>} : memref<64x768xf32, #tpu.memory_space<vmem>>, vector<16xf32>,
      %mul3A_165 = arith.mulf %get3A_164, %gather3A_113 : vector<16xf32>
      %get3A_166 = arith.index_cast %scan3A_112 : i32 to index
      %get3A_167 = arith.constant 64 : index
      %get3A_168 = tpu.vector_load %arg13[%get3A_166, %get3A_167] {strides = array<i32>} : memref<64x768xf32, #tpu.memory_space<vmem>>, vector<16xf32>,
      %mul3A_169 = arith.mulf %get3A_168, %gather3A_114 : vector<16xf32>
      %add3A_170 = arith.addf %mul3A_165, %mul3A_169 : vector<16xf32>
      %swap3A_171 = arith.index_cast %scan3A_112 : i32 to index
      %swap3A_172 = arith.constant 64 : index
      %swap3A_173 = tpu.vector_load %arg12[%swap3A_171, %swap3A_172] {strides = array<i32>} : memref<64x768xf32, #tpu.memory_space<vmem>>, vector<16xf32>,
      tpu.vector_store %arg12[%swap3A_171, %swap3A_172], %add3A_170 {strides = array<i32>} : memref<64x768xf32, #tpu.memory_space<vmem>>, vector<16xf32>,
      %get3A_174 = arith.index_cast %scan3A_112 : i32 to index
      %get3A_175 = arith.constant 80 : index
      %get3A_176 = tpu.vector_load %arg12[%get3A_174, %get3A_175] {strides = array<i32>} : memref<64x768xf32, #tpu.memory_space<vmem>>, vector<16xf32>,
      %mul3A_177 = arith.mulf %get3A_176, %gather3A_113 : vector<16xf32>
      %get3A_178 = arith.index_cast %scan3A_112 : i32 to index
      %get3A_179 = arith.constant 80 : index
      %get3A_180 = tpu.vector_load %arg13[%get3A_178, %get3A_179] {strides = array<i32>} : memref<64x768xf32, #tpu.memory_space<vmem>>, vector<16xf32>,
      %mul3A_181 = arith.mulf %get3A_180, %gather3A_114 : vector<16xf32>
      %add3A_182 = arith.addf %mul3A_177, %mul3A_181 : vector<16xf32>
      %swap3A_183 = arith.index_cast %scan3A_112 : i32 to index
      %swap3A_184 = arith.constant 80 : index
      %swap3A_185 = tpu.vector_load %arg12[%swap3A_183, %swap3A_184] {strides = array<i32>} : memref<64x768xf32, #tpu.memory_space<vmem>>, vector<16xf32>,
      tpu.vector_store %arg12[%swap3A_183, %swap3A_184], %add3A_182 {strides = array<i32>} : memref<64x768xf32, #tpu.memory_space<vmem>>, vector<16xf32>,
      %get3A_186 = arith.index_cast %scan3A_112 : i32 to index
      %get3A_187 = arith.constant 96 : index
      %get3A_188 = tpu.vector_load %arg12[%get3A_186, %get3A_187] {strides = array<i32>} : memref<64x768xf32, #tpu.memory_space<vmem>>, vector<16xf32>,
      %mul3A_189 = arith.mulf %get3A_188, %gather3A_113 : vector<16xf32>
      %get3A_190 = arith.index_cast %scan3A_112 : i32 to index
      %get3A_191 = arith.constant 96 : index
      %get3A_192 = tpu.vector_load %arg13[%get3A_190, %get3A_191] {strides = array<i32>} : memref<64x768xf32, #tpu.memory_space<vmem>>, vector<16xf32>,
      %mul3A_193 = arith.mulf %get3A_192, %gather3A_114 : vector<16xf32>
      %add3A_194 = arith.addf %mul3A_189, %mul3A_193 : vector<16xf32>
      %swap3A_195 = arith.index_cast %scan3A_112 : i32 to index
      %swap3A_196 = arith.constant 96 : index
      %swap3A_197 = tpu.vector_load %arg12[%swap3A_195, %swap3A_196] {strides = array<i32>} : memref<64x768xf32, #tpu.memory_space<vmem>>, vector<16xf32>,
      tpu.vector_store %arg12[%swap3A_195, %swap3A_196], %add3A_194 {strides = array<i32>} : memref<64x768xf32, #tpu.memory_space<vmem>>, vector<16xf32>,
      %get3A_198 = arith.index_cast %scan3A_112 : i32 to index
      %get3A_199 = arith.constant 112 : index
      %get3A_200 = tpu.vector_load %arg12[%get3A_198, %get3A_199] {strides = array<i32>} : memref<64x768xf32, #tpu.memory_space<vmem>>, vector<16xf32>,
      %mul3A_201 = arith.mulf %get3A_200, %gather3A_113 : vector<16xf32>
      %get3A_202 = arith.index_cast %scan3A_112 : i32 to index
      %get3A_203 = arith.constant 112 : index
      %get3A_204 = tpu.vector_load %arg13[%get3A_202, %get3A_203] {strides = array<i32>} : memref<64x768xf32, #tpu.memory_space<vmem>>, vector<16xf32>,
      %mul3A_205 = arith.mulf %get3A_204, %gather3A_114 : vector<16xf32>
      %add3A_206 = arith.addf %mul3A_201, %mul3A_205 : vector<16xf32>
      %swap3A_207 = arith.index_cast %scan3A_112 : i32 to index
      %swap3A_208 = arith.constant 112 : index
      %swap3A_209 = tpu.vector_load %arg12[%swap3A_207, %swap3A_208] {strides = array<i32>} : memref<64x768xf32, #tpu.memory_space<vmem>>, vector<16xf32>,
      tpu.vector_store %arg12[%swap3A_207, %swap3A_208], %add3A_206 {strides = array<i32>} : memref<64x768xf32, #tpu.memory_space<vmem>>, vector<16xf32>,
      %get3A_210 = arith.index_cast %scan3A_112 : i32 to index
      %get3A_211 = arith.constant 128 : index
      %get3A_212 = tpu.vector_load %arg12[%get3A_210, %get3A_211] {strides = array<i32>} : memref<64x768xf32, #tpu.memory_space<vmem>>, vector<16xf32>,
      %mul3A_213 = arith.mulf %get3A_212, %gather3A_113 : vector<16xf32>
      %get3A_214 = arith.index_cast %scan3A_112 : i32 to index
      %get3A_215 = arith.constant 128 : index
      %get3A_216 = tpu.vector_load %arg13[%get3A_214, %get3A_215] {strides = array<i32>} : memref<64x768xf32, #tpu.memory_space<vmem>>, vector<16xf32>,
      %mul3A_217 = arith.mulf %get3A_216, %gather3A_114 : vector<16xf32>
      %add3A_218 = arith.addf %mul3A_213, %mul3A_217 : vector<16xf32>
      %swap3A_219 = arith.index_cast %scan3A_112 : i32 to index
      %swap3A_220 = arith.constant 128 : index
      %swap3A_221 = tpu.vector_load %arg12[%swap3A_219, %swap3A_220] {strides = array<i32>} : memref<64x768xf32, #tpu.memory_space<vmem>>, vector<16xf32>,
      tpu.vector_store %arg12[%swap3A_219, %swap3A_220], %add3A_218 {strides = array<i32>} : memref<64x768xf32, #tpu.memory_space<vmem>>, vector<16xf32>,
      %get3A_222 = arith.index_cast %scan3A_112 : i32 to index
      %get3A_223 = arith.constant 144 : index
      %get3A_224 = tpu.vector_load %arg12[%get3A_222, %get3A_223] {strides = array<i32>} : memref<64x768xf32, #tpu.memory_space<vmem>>, vector<16xf32>,
      %mul3A_225 = arith.mulf %get3A_224, %gather3A_113 : vector<16xf32>
      %get3A_226 = arith.index_cast %scan3A_112 : i32 to index
      %get3A_227 = arith.constant 144 : index
      %get3A_228 = tpu.vector_load %arg13[%get3A_226, %get3A_227] {strides = array<i32>} : memref<64x768xf32, #tpu.memory_space<vmem>>, vector<16xf32>,
      %mul3A_229 = arith.mulf %get3A_228, %gather3A_114 : vector<16xf32>
      %add3A_230 = arith.addf %mul3A_225, %mul3A_229 : vector<16xf32>
      %swap3A_231 = arith.index_cast %scan3A_112 : i32 to index
      %swap3A_232 = arith.constant 144 : index
      %swap3A_233 = tpu.vector_load %arg12[%swap3A_231, %swap3A_232] {strides = array<i32>} : memref<64x768xf32, #tpu.memory_space<vmem>>, vector<16xf32>,
      tpu.vector_store %arg12[%swap3A_231, %swap3A_232], %add3A_230 {strides = array<i32>} : memref<64x768xf32, #tpu.memory_space<vmem>>, vector<16xf32>,
      %get3A_234 = arith.index_cast %scan3A_112 : i32 to index
      %get3A_235 = arith.constant 160 : index
      %get3A_236 = tpu.vector_load %arg12[%get3A_234, %get3A_235] {strides = array<i32>} : memref<64x768xf32, #tpu.memory_space<vmem>>, vector<16xf32>,
      %mul3A_237 = arith.mulf %get3A_236, %gather3A_113 : vector<16xf32>
      %get3A_238 = arith.index_cast %scan3A_112 : i32 to index
      %get3A_239 = arith.constant 160 : index
      %get3A_240 = tpu.vector_load %arg13[%get3A_238, %get3A_239] {strides = array<i32>} : memref<64x768xf32, #tpu.memory_space<vmem>>, vector<16xf32>,
      %mul3A_241 = arith.mulf %get3A_240, %gather3A_114 : vector<16xf32>
      %add3A_242 = arith.addf %mul3A_237, %mul3A_241 : vector<16xf32>
      %swap3A_243 = arith.index_cast %scan3A_112 : i32 to index
      %swap3A_244 = arith.constant 160 : index
      %swap3A_245 = tpu.vector_load %arg12[%swap3A_243, %swap3A_244] {strides = array<i32>} : memref<64x768xf32, #tpu.memory_space<vmem>>, vector<16xf32>,
      tpu.vector_store %arg12[%swap3A_243, %swap3A_244], %add3A_242 {strides = array<i32>} : memref<64x768xf32, #tpu.memory_space<vmem>>, vector<16xf32>,
      %get3A_246 = arith.index_cast %scan3A_112 : i32 to index
      %get3A_247 = arith.constant 176 : index
      %get3A_248 = tpu.vector_load %arg12[%get3A_246, %get3A_247] {strides = array<i32>} : memref<64x768xf32, #tpu.memory_space<vmem>>, vector<16xf32>,
      %mul3A_249 = arith.mulf %get3A_248, %gather3A_113 : vector<16xf32>
      %get3A_250 = arith.index_cast %scan3A_112 : i32 to index
      %get3A_251 = arith.constant 176 : index
      %get3A_252 = tpu.vector_load %arg13[%get3A_250, %get3A_251] {strides = array<i32>} : memref<64x768xf32, #tpu.memory_space<vmem>>, vector<16xf32>,
      %mul3A_253 = arith.mulf %get3A_252, %gather3A_114 : vector<16xf32>
      %add3A_254 = arith.addf %mul3A_249, %mul3A_253 : vector<16xf32>
      %swap3A_255 = arith.index_cast %scan3A_112 : i32 to index
      %swap3A_256 = arith.constant 176 : index
      %swap3A_257 = tpu.vector_load %arg12[%swap3A_255, %swap3A_256] {strides = array<i32>} : memref<64x768xf32, #tpu.memory_space<vmem>>, vector<16xf32>,
      tpu.vector_store %arg12[%swap3A_255, %swap3A_256], %add3A_254 {strides = array<i32>} : memref<64x768xf32, #tpu.memory_space<vmem>>, vector<16xf32>,
      %get3A_258 = arith.index_cast %scan3A_112 : i32 to index
      %get3A_259 = arith.constant 192 : index
      %get3A_260 = tpu.vector_load %arg12[%get3A_258, %get3A_259] {strides = array<i32>} : memref<64x768xf32, #tpu.memory_space<vmem>>, vector<16xf32>,
      %mul3A_261 = arith.mulf %get3A_260, %gather3A_113 : vector<16xf32>
      %get3A_262 = arith.index_cast %scan3A_112 : i32 to index
      %get3A_263 = arith.constant 192 : index
      %get3A_264 = tpu.vector_load %arg13[%get3A_262, %get3A_263] {strides = array<i32>} : memref<64x768xf32, #tpu.memory_space<vmem>>, vector<16xf32>,
      %mul3A_265 = arith.mulf %get3A_264, %gather3A_114 : vector<16xf32>
      %add3A_266 = arith.addf %mul3A_261, %mul3A_265 : vector<16xf32>
      %swap3A_267 = arith.index_cast %scan3A_112 : i32 to index
      %swap3A_268 = arith.constant 192 : index
      %swap3A_269 = tpu.vector_load %arg12[%swap3A_267, %swap3A_268] {strides = array<i32>} : memref<64x768xf32, #tpu.memory_space<vmem>>, vector<16xf32>,
      tpu.vector_store %arg12[%swap3A_267, %swap3A_268], %add3A_266 {strides = array<i32>} : memref<64x768xf32, #tpu.memory_space<vmem>>, vector<16xf32>,
      %get3A_270 = arith.index_cast %scan3A_112 : i32 to index
      %get3A_271 = arith.constant 208 : index
      %get3A_272 = tpu.vector_load %arg12[%get3A_270, %get3A_271] {strides = array<i32>} : memref<64x768xf32, #tpu.memory_space<vmem>>, vector<16xf32>,
      %mul3A_273 = arith.mulf %get3A_272, %gather3A_113 : vector<16xf32>
      %get3A_274 = arith.index_cast %scan3A_112 : i32 to index
      %get3A_275 = arith.constant 208 : index
      %get3A_276 = tpu.vector_load %arg13[%get3A_274, %get3A_275] {strides = array<i32>} : memref<64x768xf32, #tpu.memory_space<vmem>>, vector<16xf32>,
      %mul3A_277 = arith.mulf %get3A_276, %gather3A_114 : vector<16xf32>
      %add3A_278 = arith.addf %mul3A_273, %mul3A_277 : vector<16xf32>
      %swap3A_279 = arith.index_cast %scan3A_112 : i32 to index
      %swap3A_280 = arith.constant 208 : index
      %swap3A_281 = tpu.vector_load %arg12[%swap3A_279, %swap3A_280] {strides = array<i32>} : memref<64x768xf32, #tpu.memory_space<vmem>>, vector<16xf32>,
      tpu.vector_store %arg12[%swap3A_279, %swap3A_280], %add3A_278 {strides = array<i32>} : memref<64x768xf32, #tpu.memory_space<vmem>>, vector<16xf32>,
      %get3A_282 = arith.index_cast %scan3A_112 : i32 to index
      %get3A_283 = arith.constant 224 : index
      %get3A_284 = tpu.vector_load %arg12[%get3A_282, %get3A_283] {strides = array<i32>} : memref<64x768xf32, #tpu.memory_space<vmem>>, vector<16xf32>,
      %mul3A_285 = arith.mulf %get3A_284, %gather3A_113 : vector<16xf32>
      %get3A_286 = arith.index_cast %scan3A_112 : i32 to index
      %get3A_287 = arith.constant 224 : index
      %get3A_288 = tpu.vector_load %arg13[%get3A_286, %get3A_287] {strides = array<i32>} : memref<64x768xf32, #tpu.memory_space<vmem>>, vector<16xf32>,
      %mul3A_289 = arith.mulf %get3A_288, %gather3A_114 : vector<16xf32>
      %add3A_290 = arith.addf %mul3A_285, %mul3A_289 : vector<16xf32>
      %swap3A_291 = arith.index_cast %scan3A_112 : i32 to index
      %swap3A_292 = arith.constant 224 : index
      %swap3A_293 = tpu.vector_load %arg12[%swap3A_291, %swap3A_292] {strides = array<i32>} : memref<64x768xf32, #tpu.memory_space<vmem>>, vector<16xf32>,
      tpu.vector_store %arg12[%swap3A_291, %swap3A_292], %add3A_290 {strides = array<i32>} : memref<64x768xf32, #tpu.memory_space<vmem>>, vector<16xf32>,
      %get3A_294 = arith.index_cast %scan3A_112 : i32 to index
      %get3A_295 = arith.constant 240 : index
      %get3A_296 = tpu.vector_load %arg12[%get3A_294, %get3A_295] {strides = array<i32>} : memref<64x768xf32, #tpu.memory_space<vmem>>, vector<16xf32>,
      %mul3A_297 = arith.mulf %get3A_296, %gather3A_113 : vector<16xf32>
      %get3A_298 = arith.index_cast %scan3A_112 : i32 to index
      %get3A_299 = arith.constant 240 : index
      %get3A_300 = tpu.vector_load %arg13[%get3A_298, %get3A_299] {strides = array<i32>} : memref<64x768xf32, #tpu.memory_space<vmem>>, vector<16xf32>,
      %mul3A_301 = arith.mulf %get3A_300, %gather3A_114 : vector<16xf32>
      %add3A_302 = arith.addf %mul3A_297, %mul3A_301 : vector<16xf32>
      %swap3A_303 = arith.index_cast %scan3A_112 : i32 to index
      %swap3A_304 = arith.constant 240 : index
      %swap3A_305 = tpu.vector_load %arg12[%swap3A_303, %swap3A_304] {strides = array<i32>} : memref<64x768xf32, #tpu.memory_space<vmem>>, vector<16xf32>,
      tpu.vector_store %arg12[%swap3A_303, %swap3A_304], %add3A_302 {strides = array<i32>} : memref<64x768xf32, #tpu.memory_space<vmem>>, vector<16xf32>,
      %get3A_306 = arith.index_cast %scan3A_112 : i32 to index
      %get3A_307 = arith.constant 256 : index
      %get3A_308 = tpu.vector_load %arg12[%get3A_306, %get3A_307] {strides = array<i32>} : memref<64x768xf32, #tpu.memory_space<vmem>>, vector<16xf32>,
      %mul3A_309 = arith.mulf %get3A_308, %gather3A_113 : vector<16xf32>
      %get3A_310 = arith.index_cast %scan3A_112 : i32 to index
      %get3A_311 = arith.constant 256 : index
      %get3A_312 = tpu.vector_load %arg13[%get3A_310, %get3A_311] {strides = array<i32>} : memref<64x768xf32, #tpu.memory_space<vmem>>, vector<16xf32>,
      %mul3A_313 = arith.mulf %get3A_312, %gather3A_114 : vector<16xf32>
      %add3A_314 = arith.addf %mul3A_309, %mul3A_313 : vector<16xf32>
      %swap3A_315 = arith.index_cast %scan3A_112 : i32 to index
      %swap3A_316 = arith.constant 256 : index
      %swap3A_317 = tpu.vector_load %arg12[%swap3A_315, %swap3A_316] {strides = array<i32>} : memref<64x768xf32, #tpu.memory_space<vmem>>, vector<16xf32>,
      tpu.vector_store %arg12[%swap3A_315, %swap3A_316], %add3A_314 {strides = array<i32>} : memref<64x768xf32, #tpu.memory_space<vmem>>, vector<16xf32>,
      %get3A_318 = arith.index_cast %scan3A_112 : i32 to index
      %get3A_319 = arith.constant 272 : index
      %get3A_320 = tpu.vector_load %arg12[%get3A_318, %get3A_319] {strides = array<i32>} : memref<64x768xf32, #tpu.memory_space<vmem>>, vector<16xf32>,
      %mul3A_321 = arith.mulf %get3A_320, %gather3A_113 : vector<16xf32>
      %get3A_322 = arith.index_cast %scan3A_112 : i32 to index
      %get3A_323 = arith.constant 272 : index
      %get3A_324 = tpu.vector_load %arg13[%get3A_322, %get3A_323] {strides = array<i32>} : memref<64x768xf32, #tpu.memory_space<vmem>>, vector<16xf32>,
      %mul3A_325 = arith.mulf %get3A_324, %gather3A_114 : vector<16xf32>
      %add3A_326 = arith.addf %mul3A_321, %mul3A_325 : vector<16xf32>
      %swap3A_327 = arith.index_cast %scan3A_112 : i32 to index
      %swap3A_328 = arith.constant 272 : index
      %swap3A_329 = tpu.vector_load %arg12[%swap3A_327, %swap3A_328] {strides = array<i32>} : memref<64x768xf32, #tpu.memory_space<vmem>>, vector<16xf32>,
      tpu.vector_store %arg12[%swap3A_327, %swap3A_328], %add3A_326 {strides = array<i32>} : memref<64x768xf32, #tpu.memory_space<vmem>>, vector<16xf32>,
      %get3A_330 = arith.index_cast %scan3A_112 : i32 to index
      %get3A_331 = arith.constant 288 : index
      %get3A_332 = tpu.vector_load %arg12[%get3A_330, %get3A_331] {strides = array<i32>} : memref<64x768xf32, #tpu.memory_space<vmem>>, vector<16xf32>,
      %mul3A_333 = arith.mulf %get3A_332, %gather3A_113 : vector<16xf32>
      %get3A_334 = arith.index_cast %scan3A_112 : i32 to index
      %get3A_335 = arith.constant 288 : index
      %get3A_336 = tpu.vector_load %arg13[%get3A_334, %get3A_335] {strides = array<i32>} : memref<64x768xf32, #tpu.memory_space<vmem>>, vector<16xf32>,
      %mul3A_337 = arith.mulf %get3A_336, %gather3A_114 : vector<16xf32>
      %add3A_338 = arith.addf %mul3A_333, %mul3A_337 : vector<16xf32>
      %swap3A_339 = arith.index_cast %scan3A_112 : i32 to index
      %swap3A_340 = arith.constant 288 : index
      %swap3A_341 = tpu.vector_load %arg12[%swap3A_339, %swap3A_340] {strides = array<i32>} : memref<64x768xf32, #tpu.memory_space<vmem>>, vector<16xf32>,
      tpu.vector_store %arg12[%swap3A_339, %swap3A_340], %add3A_338 {strides = array<i32>} : memref<64x768xf32, #tpu.memory_space<vmem>>, vector<16xf32>,
      %get3A_342 = arith.index_cast %scan3A_112 : i32 to index
      %get3A_343 = arith.constant 304 : index
      %get3A_344 = tpu.vector_load %arg12[%get3A_342, %get3A_343] {strides = array<i32>} : memref<64x768xf32, #tpu.memory_space<vmem>>, vector<16xf32>,
      %mul3A_345 = arith.mulf %get3A_344, %gather3A_113 : vector<16xf32>
      %get3A_346 = arith.index_cast %scan3A_112 : i32 to index
      %get3A_347 = arith.constant 304 : index
      %get3A_348 = tpu.vector_load %arg13[%get3A_346, %get3A_347] {strides = array<i32>} : memref<64x768xf32, #tpu.memory_space<vmem>>, vector<16xf32>,
      %mul3A_349 = arith.mulf %get3A_348, %gather3A_114 : vector<16xf32>
      %add3A_350 = arith.addf %mul3A_345, %mul3A_349 : vector<16xf32>
      %swap3A_351 = arith.index_cast %scan3A_112 : i32 to index
      %swap3A_352 = arith.constant 304 : index
      %swap3A_353 = tpu.vector_load %arg12[%swap3A_351, %swap3A_352] {strides = array<i32>} : memref<64x768xf32, #tpu.memory_space<vmem>>, vector<16xf32>,
      tpu.vector_store %arg12[%swap3A_351, %swap3A_352], %add3A_350 {strides = array<i32>} : memref<64x768xf32, #tpu.memory_space<vmem>>, vector<16xf32>,
      %get3A_354 = arith.index_cast %scan3A_112 : i32 to index
      %get3A_355 = arith.constant 320 : index
      %get3A_356 = tpu.vector_load %arg12[%get3A_354, %get3A_355] {strides = array<i32>} : memref<64x768xf32, #tpu.memory_space<vmem>>, vector<16xf32>,
      %mul3A_357 = arith.mulf %get3A_356, %gather3A_113 : vector<16xf32>
      %get3A_358 = arith.index_cast %scan3A_112 : i32 to index
      %get3A_359 = arith.constant 320 : index
      %get3A_360 = tpu.vector_load %arg13[%get3A_358, %get3A_359] {strides = array<i32>} : memref<64x768xf32, #tpu.memory_space<vmem>>, vector<16xf32>,
      %mul3A_361 = arith.mulf %get3A_360, %gather3A_114 : vector<16xf32>
      %add3A_362 = arith.addf %mul3A_357, %mul3A_361 : vector<16xf32>
      %swap3A_363 = arith.index_cast %scan3A_112 : i32 to index
      %swap3A_364 = arith.constant 320 : index
      %swap3A_365 = tpu.vector_load %arg12[%swap3A_363, %swap3A_364] {strides = array<i32>} : memref<64x768xf32, #tpu.memory_space<vmem>>, vector<16xf32>,
      tpu.vector_store %arg12[%swap3A_363, %swap3A_364], %add3A_362 {strides = array<i32>} : memref<64x768xf32, #tpu.memory_space<vmem>>, vector<16xf32>,
      %get3A_366 = arith.index_cast %scan3A_112 : i32 to index
      %get3A_367 = arith.constant 336 : index
      %get3A_368 = tpu.vector_load %arg12[%get3A_366, %get3A_367] {strides = array<i32>} : memref<64x768xf32, #tpu.memory_space<vmem>>, vector<16xf32>,
      %mul3A_369 = arith.mulf %get3A_368, %gather3A_113 : vector<16xf32>
      %get3A_370 = arith.index_cast %scan3A_112 : i32 to index
      %get3A_371 = arith.constant 336 : index
      %get3A_372 = tpu.vector_load %arg13[%get3A_370, %get3A_371] {strides = array<i32>} : memref<64x768xf32, #tpu.memory_space<vmem>>, vector<16xf32>,
      %mul3A_373 = arith.mulf %get3A_372, %gather3A_114 : vector<16xf32>
      %add3A_374 = arith.addf %mul3A_369, %mul3A_373 : vector<16xf32>
      %swap3A_375 = arith.index_cast %scan3A_112 : i32 to index
      %swap3A_376 = arith.constant 336 : index
      %swap3A_377 = tpu.vector_load %arg12[%swap3A_375, %swap3A_376] {strides = array<i32>} : memref<64x768xf32, #tpu.memory_space<vmem>>, vector<16xf32>,
      tpu.vector_store %arg12[%swap3A_375, %swap3A_376], %add3A_374 {strides = array<i32>} : memref<64x768xf32, #tpu.memory_space<vmem>>, vector<16xf32>,
      %get3A_378 = arith.index_cast %scan3A_112 : i32 to index
      %get3A_379 = arith.constant 352 : index
      %get3A_380 = tpu.vector_load %arg12[%get3A_378, %get3A_379] {strides = array<i32>} : memref<64x768xf32, #tpu.memory_space<vmem>>, vector<16xf32>,
      %mul3A_381 = arith.mulf %get3A_380, %gather3A_113 : vector<16xf32>
      %get3A_382 = arith.index_cast %scan3A_112 : i32 to index
      %get3A_383 = arith.constant 352 : index
      %get3A_384 = tpu.vector_load %arg13[%get3A_382, %get3A_383] {strides = array<i32>} : memref<64x768xf32, #tpu.memory_space<vmem>>, vector<16xf32>,
      %mul3A_385 = arith.mulf %get3A_384, %gather3A_114 : vector<16xf32>
      %add3A_386 = arith.addf %mul3A_381, %mul3A_385 : vector<16xf32>
      %swap3A_387 = arith.index_cast %scan3A_112 : i32 to index
      %swap3A_388 = arith.constant 352 : index
      %swap3A_389 = tpu.vector_load %arg12[%swap3A_387, %swap3A_388] {strides = array<i32>} : memref<64x768xf32, #tpu.memory_space<vmem>>, vector<16xf32>,
      tpu.vector_store %arg12[%swap3A_387, %swap3A_388], %add3A_386 {strides = array<i32>} : memref<64x768xf32, #tpu.memory_space<vmem>>, vector<16xf32>,
      %get3A_390 = arith.index_cast %scan3A_112 : i32 to index
      %get3A_391 = arith.constant 368 : index
      %get3A_392 = tpu.vector_load %arg12[%get3A_390, %get3A_391] {strides = array<i32>} : memref<64x768xf32, #tpu.memory_space<vmem>>, vector<16xf32>,
      %mul3A_393 = arith.mulf %get3A_392, %gather3A_113 : vector<16xf32>
      %get3A_394 = arith.index_cast %scan3A_112 : i32 to index
      %get3A_395 = arith.constant 368 : index
      %get3A_396 = tpu.vector_load %arg13[%get3A_394, %get3A_395] {strides = array<i32>} : memref<64x768xf32, #tpu.memory_space<vmem>>, vector<16xf32>,
      %mul3A_397 = arith.mulf %get3A_396, %gather3A_114 : vector<16xf32>
      %add3A_398 = arith.addf %mul3A_393, %mul3A_397 : vector<16xf32>
      %swap3A_399 = arith.index_cast %scan3A_112 : i32 to index
      %swap3A_400 = arith.constant 368 : index
      %swap3A_401 = tpu.vector_load %arg12[%swap3A_399, %swap3A_400] {strides = array<i32>} : memref<64x768xf32, #tpu.memory_space<vmem>>, vector<16xf32>,
      tpu.vector_store %arg12[%swap3A_399, %swap3A_400], %add3A_398 {strides = array<i32>} : memref<64x768xf32, #tpu.memory_space<vmem>>, vector<16xf32>,
      %get3A_402 = arith.index_cast %scan3A_112 : i32 to index
      %get3A_403 = arith.constant 384 : index
      %get3A_404 = tpu.vector_load %arg12[%get3A_402, %get3A_403] {strides = array<i32>} : memref<64x768xf32, #tpu.memory_space<vmem>>, vector<16xf32>,
      %mul3A_405 = arith.mulf %get3A_404, %gather3A_113 : vector<16xf32>
      %get3A_406 = arith.index_cast %scan3A_112 : i32 to index
      %get3A_407 = arith.constant 384 : index
      %get3A_408 = tpu.vector_load %arg13[%get3A_406, %get3A_407] {strides = array<i32>} : memref<64x768xf32, #tpu.memory_space<vmem>>, vector<16xf32>,
      %mul3A_409 = arith.mulf %get3A_408, %gather3A_114 : vector<16xf32>
      %add3A_410 = arith.addf %mul3A_405, %mul3A_409 : vector<16xf32>
      %swap3A_411 = arith.index_cast %scan3A_112 : i32 to index
      %swap3A_412 = arith.constant 384 : index
      %swap3A_413 = tpu.vector_load %arg12[%swap3A_411, %swap3A_412] {strides = array<i32>} : memref<64x768xf32, #tpu.memory_space<vmem>>, vector<16xf32>,
      tpu.vector_store %arg12[%swap3A_411, %swap3A_412], %add3A_410 {strides = array<i32>} : memref<64x768xf32, #tpu.memory_space<vmem>>, vector<16xf32>,
      %get3A_414 = arith.index_cast %scan3A_112 : i32 to index
      %get3A_415 = arith.constant 400 : index
      %get3A_416 = tpu.vector_load %arg12[%get3A_414, %get3A_415] {strides = array<i32>} : memref<64x768xf32, #tpu.memory_space<vmem>>, vector<16xf32>,
      %mul3A_417 = arith.mulf %get3A_416, %gather3A_113 : vector<16xf32>
      %get3A_418 = arith.index_cast %scan3A_112 : i32 to index
      %get3A_419 = arith.constant 400 : index
      %get3A_420 = tpu.vector_load %arg13[%get3A_418, %get3A_419] {strides = array<i32>} : memref<64x768xf32, #tpu.memory_space<vmem>>, vector<16xf32>,
      %mul3A_421 = arith.mulf %get3A_420, %gather3A_114 : vector<16xf32>
      %add3A_422 = arith.addf %mul3A_417, %mul3A_421 : vector<16xf32>
      %swap3A_423 = arith.index_cast %scan3A_112 : i32 to index
      %swap3A_424 = arith.constant 400 : index
      %swap3A_425 = tpu.vector_load %arg12[%swap3A_423, %swap3A_424] {strides = array<i32>} : memref<64x768xf32, #tpu.memory_space<vmem>>, vector<16xf32>,
      tpu.vector_store %arg12[%swap3A_423, %swap3A_424], %add3A_422 {strides = array<i32>} : memref<64x768xf32, #tpu.memory_space<vmem>>, vector<16xf32>,
      %get3A_426 = arith.index_cast %scan3A_112 : i32 to index
      %get3A_427 = arith.constant 416 : index
      %get3A_428 = tpu.vector_load %arg12[%get3A_426, %get3A_427] {strides = array<i32>} : memref<64x768xf32, #tpu.memory_space<vmem>>, vector<16xf32>,
      %mul3A_429 = arith.mulf %get3A_428, %gather3A_113 : vector<16xf32>
      %get3A_430 = arith.index_cast %scan3A_112 : i32 to index
      %get3A_431 = arith.constant 416 : index
      %get3A_432 = tpu.vector_load %arg13[%get3A_430, %get3A_431] {strides = array<i32>} : memref<64x768xf32, #tpu.memory_space<vmem>>, vector<16xf32>,
      %mul3A_433 = arith.mulf %get3A_432, %gather3A_114 : vector<16xf32>
      %add3A_434 = arith.addf %mul3A_429, %mul3A_433 : vector<16xf32>
      %swap3A_435 = arith.index_cast %scan3A_112 : i32 to index
      %swap3A_436 = arith.constant 416 : index
      %swap3A_437 = tpu.vector_load %arg12[%swap3A_435, %swap3A_436] {strides = array<i32>} : memref<64x768xf32, #tpu.memory_space<vmem>>, vector<16xf32>,
      tpu.vector_store %arg12[%swap3A_435, %swap3A_436], %add3A_434 {strides = array<i32>} : memref<64x768xf32, #tpu.memory_space<vmem>>, vector<16xf32>,
      %get3A_438 = arith.index_cast %scan3A_112 : i32 to index
      %get3A_439 = arith.constant 432 : index
      %get3A_440 = tpu.vector_load %arg12[%get3A_438, %get3A_439] {strides = array<i32>} : memref<64x768xf32, #tpu.memory_space<vmem>>, vector<16xf32>,
      %mul3A_441 = arith.mulf %get3A_440, %gather3A_113 : vector<16xf32>
      %get3A_442 = arith.index_cast %scan3A_112 : i32 to index
      %get3A_443 = arith.constant 432 : index
      %get3A_444 = tpu.vector_load %arg13[%get3A_442, %get3A_443] {strides = array<i32>} : memref<64x768xf32, #tpu.memory_space<vmem>>, vector<16xf32>,
      %mul3A_445 = arith.mulf %get3A_444, %gather3A_114 : vector<16xf32>
      %add3A_446 = arith.addf %mul3A_441, %mul3A_445 : vector<16xf32>
      %swap3A_447 = arith.index_cast %scan3A_112 : i32 to index
      %swap3A_448 = arith.constant 432 : index
      %swap3A_449 = tpu.vector_load %arg12[%swap3A_447, %swap3A_448] {strides = array<i32>} : memref<64x768xf32, #tpu.memory_space<vmem>>, vector<16xf32>,
      tpu.vector_store %arg12[%swap3A_447, %swap3A_448], %add3A_446 {strides = array<i32>} : memref<64x768xf32, #tpu.memory_space<vmem>>, vector<16xf32>,
      %get3A_450 = arith.index_cast %scan3A_112 : i32 to index
      %get3A_451 = arith.constant 448 : index
      %get3A_452 = tpu.vector_load %arg12[%get3A_450, %get3A_451] {strides = array<i32>} : memref<64x768xf32, #tpu.memory_space<vmem>>, vector<16xf32>,
      %mul3A_453 = arith.mulf %get3A_452, %gather3A_113 : vector<16xf32>
      %get3A_454 = arith.index_cast %scan3A_112 : i32 to index
      %get3A_455 = arith.constant 448 : index
      %get3A_456 = tpu.vector_load %arg13[%get3A_454, %get3A_455] {strides = array<i32>} : memref<64x768xf32, #tpu.memory_space<vmem>>, vector<16xf32>,
      %mul3A_457 = arith.mulf %get3A_456, %gather3A_114 : vector<16xf32>
      %add3A_458 = arith.addf %mul3A_453, %mul3A_457 : vector<16xf32>
      %swap3A_459 = arith.index_cast %scan3A_112 : i32 to index
      %swap3A_460 = arith.constant 448 : index
      %swap3A_461 = tpu.vector_load %arg12[%swap3A_459, %swap3A_460] {strides = array<i32>} : memref<64x768xf32, #tpu.memory_space<vmem>>, vector<16xf32>,
      tpu.vector_store %arg12[%swap3A_459, %swap3A_460], %add3A_458 {strides = array<i32>} : memref<64x768xf32, #tpu.memory_space<vmem>>, vector<16xf32>,
      %get3A_462 = arith.index_cast %scan3A_112 : i32 to index
      %get3A_463 = arith.constant 464 : index
      %get3A_464 = tpu.vector_load %arg12[%get3A_462, %get3A_463] {strides = array<i32>} : memref<64x768xf32, #tpu.memory_space<vmem>>, vector<16xf32>,
      %mul3A_465 = arith.mulf %get3A_464, %gather3A_113 : vector<16xf32>
      %get3A_466 = arith.index_cast %scan3A_112 : i32 to index
      %get3A_467 = arith.constant 464 : index
      %get3A_468 = tpu.vector_load %arg13[%get3A_466, %get3A_467] {strides = array<i32>} : memref<64x768xf32, #tpu.memory_space<vmem>>, vector<16xf32>,
      %mul3A_469 = arith.mulf %get3A_468, %gather3A_114 : vector<16xf32>
      %add3A_470 = arith.addf %mul3A_465, %mul3A_469 : vector<16xf32>
      %swap3A_471 = arith.index_cast %scan3A_112 : i32 to index
      %swap3A_472 = arith.constant 464 : index
      %swap3A_473 = tpu.vector_load %arg12[%swap3A_471, %swap3A_472] {strides = array<i32>} : memref<64x768xf32, #tpu.memory_space<vmem>>, vector<16xf32>,
      tpu.vector_store %arg12[%swap3A_471, %swap3A_472], %add3A_470 {strides = array<i32>} : memref<64x768xf32, #tpu.memory_space<vmem>>, vector<16xf32>,
      %get3A_474 = arith.index_cast %scan3A_112 : i32 to index
      %get3A_475 = arith.constant 480 : index
      %get3A_476 = tpu.vector_load %arg12[%get3A_474, %get3A_475] {strides = array<i32>} : memref<64x768xf32, #tpu.memory_space<vmem>>, vector<16xf32>,
      %mul3A_477 = arith.mulf %get3A_476, %gather3A_113 : vector<16xf32>
      %get3A_478 = arith.index_cast %scan3A_112 : i32 to index
      %get3A_479 = arith.constant 480 : index
      %get3A_480 = tpu.vector_load %arg13[%get3A_478, %get3A_479] {strides = array<i32>} : memref<64x768xf32, #tpu.memory_space<vmem>>, vector<16xf32>,
      %mul3A_481 = arith.mulf %get3A_480, %gather3A_114 : vector<16xf32>
      %add3A_482 = arith.addf %mul3A_477, %mul3A_481 : vector<16xf32>
      %swap3A_483 = arith.index_cast %scan3A_112 : i32 to index
      %swap3A_484 = arith.constant 480 : index
      %swap3A_485 = tpu.vector_load %arg12[%swap3A_483, %swap3A_484] {strides = array<i32>} : memref<64x768xf32, #tpu.memory_space<vmem>>, vector<16xf32>,
      tpu.vector_store %arg12[%swap3A_483, %swap3A_484], %add3A_482 {strides = array<i32>} : memref<64x768xf32, #tpu.memory_space<vmem>>, vector<16xf32>,
      %get3A_486 = arith.index_cast %scan3A_112 : i32 to index
      %get3A_487 = arith.constant 496 : index
      %get3A_488 = tpu.vector_load %arg12[%get3A_486, %get3A_487] {strides = array<i32>} : memref<64x768xf32, #tpu.memory_space<vmem>>, vector<16xf32>,
      %mul3A_489 = arith.mulf %get3A_488, %gather3A_113 : vector<16xf32>
      %get3A_490 = arith.index_cast %scan3A_112 : i32 to index
      %get3A_491 = arith.constant 496 : index
      %get3A_492 = tpu.vector_load %arg13[%get3A_490, %get3A_491] {strides = array<i32>} : memref<64x768xf32, #tpu.memory_space<vmem>>, vector<16xf32>,
      %mul3A_493 = arith.mulf %get3A_492, %gather3A_114 : vector<16xf32>
      %add3A_494 = arith.addf %mul3A_489, %mul3A_493 : vector<16xf32>
      %swap3A_495 = arith.index_cast %scan3A_112 : i32 to index
      %swap3A_496 = arith.constant 496 : index
      %swap3A_497 = tpu.vector_load %arg12[%swap3A_495, %swap3A_496] {strides = array<i32>} : memref<64x768xf32, #tpu.memory_space<vmem>>, vector<16xf32>,
      tpu.vector_store %arg12[%swap3A_495, %swap3A_496], %add3A_494 {strides = array<i32>} : memref<64x768xf32, #tpu.memory_space<vmem>>, vector<16xf32>,
      %get3A_498 = arith.index_cast %scan3A_112 : i32 to index
      %get3A_499 = arith.constant 512 : index
      %get3A_500 = tpu.vector_load %arg12[%get3A_498, %get3A_499] {strides = array<i32>} : memref<64x768xf32, #tpu.memory_space<vmem>>, vector<16xf32>,
      %mul3A_501 = arith.mulf %get3A_500, %gather3A_113 : vector<16xf32>
      %get3A_502 = arith.index_cast %scan3A_112 : i32 to index
      %get3A_503 = arith.constant 512 : index
      %get3A_504 = tpu.vector_load %arg13[%get3A_502, %get3A_503] {strides = array<i32>} : memref<64x768xf32, #tpu.memory_space<vmem>>, vector<16xf32>,
      %mul3A_505 = arith.mulf %get3A_504, %gather3A_114 : vector<16xf32>
      %add3A_506 = arith.addf %mul3A_501, %mul3A_505 : vector<16xf32>
      %swap3A_507 = arith.index_cast %scan3A_112 : i32 to index
      %swap3A_508 = arith.constant 512 : index
      %swap3A_509 = tpu.vector_load %arg12[%swap3A_507, %swap3A_508] {strides = array<i32>} : memref<64x768xf32, #tpu.memory_space<vmem>>, vector<16xf32>,
      tpu.vector_store %arg12[%swap3A_507, %swap3A_508], %add3A_506 {strides = array<i32>} : memref<64x768xf32, #tpu.memory_space<vmem>>, vector<16xf32>,
      %get3A_510 = arith.index_cast %scan3A_112 : i32 to index
      %get3A_511 = arith.constant 528 : index
      %get3A_512 = tpu.vector_load %arg12[%get3A_510, %get3A_511] {strides = array<i32>} : memref<64x768xf32, #tpu.memory_space<vmem>>, vector<16xf32>,
      %mul3A_513 = arith.mulf %get3A_512, %gather3A_113 : vector<16xf32>
      %get3A_514 = arith.index_cast %scan3A_112 : i32 to index
      %get3A_515 = arith.constant 528 : index
      %get3A_516 = tpu.vector_load %arg13[%get3A_514, %get3A_515] {strides = array<i32>} : memref<64x768xf32, #tpu.memory_space<vmem>>, vector<16xf32>,
      %mul3A_517 = arith.mulf %get3A_516, %gather3A_114 : vector<16xf32>
      %add3A_518 = arith.addf %mul3A_513, %mul3A_517 : vector<16xf32>
      %swap3A_519 = arith.index_cast %scan3A_112 : i32 to index
      %swap3A_520 = arith.constant 528 : index
      %swap3A_521 = tpu.vector_load %arg12[%swap3A_519, %swap3A_520] {strides = array<i32>} : memref<64x768xf32, #tpu.memory_space<vmem>>, vector<16xf32>,
      tpu.vector_store %arg12[%swap3A_519, %swap3A_520], %add3A_518 {strides = array<i32>} : memref<64x768xf32, #tpu.memory_space<vmem>>, vector<16xf32>,
      %get3A_522 = arith.index_cast %scan3A_112 : i32 to index
      %get3A_523 = arith.constant 544 : index
      %get3A_524 = tpu.vector_load %arg12[%get3A_522, %get3A_523] {strides = array<i32>} : memref<64x768xf32, #tpu.memory_space<vmem>>, vector<16xf32>,
      %mul3A_525 = arith.mulf %get3A_524, %gather3A_113 : vector<16xf32>
      %get3A_526 = arith.index_cast %scan3A_112 : i32 to index
      %get3A_527 = arith.constant 544 : index
      %get3A_528 = tpu.vector_load %arg13[%get3A_526, %get3A_527] {strides = array<i32>} : memref<64x768xf32, #tpu.memory_space<vmem>>, vector<16xf32>,
      %mul3A_529 = arith.mulf %get3A_528, %gather3A_114 : vector<16xf32>
      %add3A_530 = arith.addf %mul3A_525, %mul3A_529 : vector<16xf32>
      %swap3A_531 = arith.index_cast %scan3A_112 : i32 to index
      %swap3A_532 = arith.constant 544 : index
      %swap3A_533 = tpu.vector_load %arg12[%swap3A_531, %swap3A_532] {strides = array<i32>} : memref<64x768xf32, #tpu.memory_space<vmem>>, vector<16xf32>,
      tpu.vector_store %arg12[%swap3A_531, %swap3A_532], %add3A_530 {strides = array<i32>} : memref<64x768xf32, #tpu.memory_space<vmem>>, vector<16xf32>,
      %get3A_534 = arith.index_cast %scan3A_112 : i32 to index
      %get3A_535 = arith.constant 560 : index
      %get3A_536 = tpu.vector_load %arg12[%get3A_534, %get3A_535] {strides = array<i32>} : memref<64x768xf32, #tpu.memory_space<vmem>>, vector<16xf32>,
      %mul3A_537 = arith.mulf %get3A_536, %gather3A_113 : vector<16xf32>
      %get3A_538 = arith.index_cast %scan3A_112 : i32 to index
      %get3A_539 = arith.constant 560 : index
      %get3A_540 = tpu.vector_load %arg13[%get3A_538, %get3A_539] {strides = array<i32>} : memref<64x768xf32, #tpu.memory_space<vmem>>, vector<16xf32>,
      %mul3A_541 = arith.mulf %get3A_540, %gather3A_114 : vector<16xf32>
      %add3A_542 = arith.addf %mul3A_537, %mul3A_541 : vector<16xf32>
      %swap3A_543 = arith.index_cast %scan3A_112 : i32 to index
      %swap3A_544 = arith.constant 560 : index
      %swap3A_545 = tpu.vector_load %arg12[%swap3A_543, %swap3A_544] {strides = array<i32>} : memref<64x768xf32, #tpu.memory_space<vmem>>, vector<16xf32>,
      tpu.vector_store %arg12[%swap3A_543, %swap3A_544], %add3A_542 {strides = array<i32>} : memref<64x768xf32, #tpu.memory_space<vmem>>, vector<16xf32>,
      %get3A_546 = arith.index_cast %scan3A_112 : i32 to index
      %get3A_547 = arith.constant 576 : index
      %get3A_548 = tpu.vector_load %arg12[%get3A_546, %get3A_547] {strides = array<i32>} : memref<64x768xf32, #tpu.memory_space<vmem>>, vector<16xf32>,
      %mul3A_549 = arith.mulf %get3A_548, %gather3A_113 : vector<16xf32>
      %get3A_550 = arith.index_cast %scan3A_112 : i32 to index
      %get3A_551 = arith.constant 576 : index
      %get3A_552 = tpu.vector_load %arg13[%get3A_550, %get3A_551] {strides = array<i32>} : memref<64x768xf32, #tpu.memory_space<vmem>>, vector<16xf32>,
      %mul3A_553 = arith.mulf %get3A_552, %gather3A_114 : vector<16xf32>
      %add3A_554 = arith.addf %mul3A_549, %mul3A_553 : vector<16xf32>
      %swap3A_555 = arith.index_cast %scan3A_112 : i32 to index
      %swap3A_556 = arith.constant 576 : index
      %swap3A_557 = tpu.vector_load %arg12[%swap3A_555, %swap3A_556] {strides = array<i32>} : memref<64x768xf32, #tpu.memory_space<vmem>>, vector<16xf32>,
      tpu.vector_store %arg12[%swap3A_555, %swap3A_556], %add3A_554 {strides = array<i32>} : memref<64x768xf32, #tpu.memory_space<vmem>>, vector<16xf32>,
      %get3A_558 = arith.index_cast %scan3A_112 : i32 to index
      %get3A_559 = arith.constant 592 : index
      %get3A_560 = tpu.vector_load %arg12[%get3A_558, %get3A_559] {strides = array<i32>} : memref<64x768xf32, #tpu.memory_space<vmem>>, vector<16xf32>,
      %mul3A_561 = arith.mulf %get3A_560, %gather3A_113 : vector<16xf32>
      %get3A_562 = arith.index_cast %scan3A_112 : i32 to index
      %get3A_563 = arith.constant 592 : index
      %get3A_564 = tpu.vector_load %arg13[%get3A_562, %get3A_563] {strides = array<i32>} : memref<64x768xf32, #tpu.memory_space<vmem>>, vector<16xf32>,
      %mul3A_565 = arith.mulf %get3A_564, %gather3A_114 : vector<16xf32>
      %add3A_566 = arith.addf %mul3A_561, %mul3A_565 : vector<16xf32>
      %swap3A_567 = arith.index_cast %scan3A_112 : i32 to index
      %swap3A_568 = arith.constant 592 : index
      %swap3A_569 = tpu.vector_load %arg12[%swap3A_567, %swap3A_568] {strides = array<i32>} : memref<64x768xf32, #tpu.memory_space<vmem>>, vector<16xf32>,
      tpu.vector_store %arg12[%swap3A_567, %swap3A_568], %add3A_566 {strides = array<i32>} : memref<64x768xf32, #tpu.memory_space<vmem>>, vector<16xf32>,
      %get3A_570 = arith.index_cast %scan3A_112 : i32 to index
      %get3A_571 = arith.constant 608 : index
      %get3A_572 = tpu.vector_load %arg12[%get3A_570, %get3A_571] {strides = array<i32>} : memref<64x768xf32, #tpu.memory_space<vmem>>, vector<16xf32>,
      %mul3A_573 = arith.mulf %get3A_572, %gather3A_113 : vector<16xf32>
      %get3A_574 = arith.index_cast %scan3A_112 : i32 to index
      %get3A_575 = arith.constant 608 : index
      %get3A_576 = tpu.vector_load %arg13[%get3A_574, %get3A_575] {strides = array<i32>} : memref<64x768xf32, #tpu.memory_space<vmem>>, vector<16xf32>,
      %mul3A_577 = arith.mulf %get3A_576, %gather3A_114 : vector<16xf32>
      %add3A_578 = arith.addf %mul3A_573, %mul3A_577 : vector<16xf32>
      %swap3A_579 = arith.index_cast %scan3A_112 : i32 to index
      %swap3A_580 = arith.constant 608 : index
      %swap3A_581 = tpu.vector_load %arg12[%swap3A_579, %swap3A_580] {strides = array<i32>} : memref<64x768xf32, #tpu.memory_space<vmem>>, vector<16xf32>,
      tpu.vector_store %arg12[%swap3A_579, %swap3A_580], %add3A_578 {strides = array<i32>} : memref<64x768xf32, #tpu.memory_space<vmem>>, vector<16xf32>,
      %get3A_582 = arith.index_cast %scan3A_112 : i32 to index
      %get3A_583 = arith.constant 624 : index
      %get3A_584 = tpu.vector_load %arg12[%get3A_582, %get3A_583] {strides = array<i32>} : memref<64x768xf32, #tpu.memory_space<vmem>>, vector<16xf32>,
      %mul3A_585 = arith.mulf %get3A_584, %gather3A_113 : vector<16xf32>
      %get3A_586 = arith.index_cast %scan3A_112 : i32 to index
      %get3A_587 = arith.constant 624 : index
      %get3A_588 = tpu.vector_load %arg13[%get3A_586, %get3A_587] {strides = array<i32>} : memref<64x768xf32, #tpu.memory_space<vmem>>, vector<16xf32>,
      %mul3A_589 = arith.mulf %get3A_588, %gather3A_114 : vector<16xf32>
      %add3A_590 = arith.addf %mul3A_585, %mul3A_589 : vector<16xf32>
      %swap3A_591 = arith.index_cast %scan3A_112 : i32 to index
      %swap3A_592 = arith.constant 624 : index
      %swap3A_593 = tpu.vector_load %arg12[%swap3A_591, %swap3A_592] {strides = array<i32>} : memref<64x768xf32, #tpu.memory_space<vmem>>, vector<16xf32>,
      tpu.vector_store %arg12[%swap3A_591, %swap3A_592], %add3A_590 {strides = array<i32>} : memref<64x768xf32, #tpu.memory_space<vmem>>, vector<16xf32>,
      %get3A_594 = arith.index_cast %scan3A_112 : i32 to index
      %get3A_595 = arith.constant 640 : index
      %get3A_596 = tpu.vector_load %arg12[%get3A_594, %get3A_595] {strides = array<i32>} : memref<64x768xf32, #tpu.memory_space<vmem>>, vector<16xf32>,
      %mul3A_597 = arith.mulf %get3A_596, %gather3A_113 : vector<16xf32>
      %get3A_598 = arith.index_cast %scan3A_112 : i32 to index
      %get3A_599 = arith.constant 640 : index
      %get3A_600 = tpu.vector_load %arg13[%get3A_598, %get3A_599] {strides = array<i32>} : memref<64x768xf32, #tpu.memory_space<vmem>>, vector<16xf32>,
      %mul3A_601 = arith.mulf %get3A_600, %gather3A_114 : vector<16xf32>
      %add3A_602 = arith.addf %mul3A_597, %mul3A_601 : vector<16xf32>
      %swap3A_603 = arith.index_cast %scan3A_112 : i32 to index
      %swap3A_604 = arith.constant 640 : index
      %swap3A_605 = tpu.vector_load %arg12[%swap3A_603, %swap3A_604] {strides = array<i32>} : memref<64x768xf32, #tpu.memory_space<vmem>>, vector<16xf32>,
      tpu.vector_store %arg12[%swap3A_603, %swap3A_604], %add3A_602 {strides = array<i32>} : memref<64x768xf32, #tpu.memory_space<vmem>>, vector<16xf32>,
      %get3A_606 = arith.index_cast %scan3A_112 : i32 to index
      %get3A_607 = arith.constant 656 : index
      %get3A_608 = tpu.vector_load %arg12[%get3A_606, %get3A_607] {strides = array<i32>} : memref<64x768xf32, #tpu.memory_space<vmem>>, vector<16xf32>,
      %mul3A_609 = arith.mulf %get3A_608, %gather3A_113 : vector<16xf32>
      %get3A_610 = arith.index_cast %scan3A_112 : i32 to index
      %get3A_611 = arith.constant 656 : index
      %get3A_612 = tpu.vector_load %arg13[%get3A_610, %get3A_611] {strides = array<i32>} : memref<64x768xf32, #tpu.memory_space<vmem>>, vector<16xf32>,
      %mul3A_613 = arith.mulf %get3A_612, %gather3A_114 : vector<16xf32>
      %add3A_614 = arith.addf %mul3A_609, %mul3A_613 : vector<16xf32>
      %swap3A_615 = arith.index_cast %scan3A_112 : i32 to index
      %swap3A_616 = arith.constant 656 : index
      %swap3A_617 = tpu.vector_load %arg12[%swap3A_615, %swap3A_616] {strides = array<i32>} : memref<64x768xf32, #tpu.memory_space<vmem>>, vector<16xf32>,
      tpu.vector_store %arg12[%swap3A_615, %swap3A_616], %add3A_614 {strides = array<i32>} : memref<64x768xf32, #tpu.memory_space<vmem>>, vector<16xf32>,
      %get3A_618 = arith.index_cast %scan3A_112 : i32 to index
      %get3A_619 = arith.constant 672 : index
      %get3A_620 = tpu.vector_load %arg12[%get3A_618, %get3A_619] {strides = array<i32>} : memref<64x768xf32, #tpu.memory_space<vmem>>, vector<16xf32>,
      %mul3A_621 = arith.mulf %get3A_620, %gather3A_113 : vector<16xf32>
      %get3A_622 = arith.index_cast %scan3A_112 : i32 to index
      %get3A_623 = arith.constant 672 : index
      %get3A_624 = tpu.vector_load %arg13[%get3A_622, %get3A_623] {strides = array<i32>} : memref<64x768xf32, #tpu.memory_space<vmem>>, vector<16xf32>,
      %mul3A_625 = arith.mulf %get3A_624, %gather3A_114 : vector<16xf32>
      %add3A_626 = arith.addf %mul3A_621, %mul3A_625 : vector<16xf32>
      %swap3A_627 = arith.index_cast %scan3A_112 : i32 to index
      %swap3A_628 = arith.constant 672 : index
      %swap3A_629 = tpu.vector_load %arg12[%swap3A_627, %swap3A_628] {strides = array<i32>} : memref<64x768xf32, #tpu.memory_space<vmem>>, vector<16xf32>,
      tpu.vector_store %arg12[%swap3A_627, %swap3A_628], %add3A_626 {strides = array<i32>} : memref<64x768xf32, #tpu.memory_space<vmem>>, vector<16xf32>,
      %get3A_630 = arith.index_cast %scan3A_112 : i32 to index
      %get3A_631 = arith.constant 688 : index
      %get3A_632 = tpu.vector_load %arg12[%get3A_630, %get3A_631] {strides = array<i32>} : memref<64x768xf32, #tpu.memory_space<vmem>>, vector<16xf32>,
      %mul3A_633 = arith.mulf %get3A_632, %gather3A_113 : vector<16xf32>
      %get3A_634 = arith.index_cast %scan3A_112 : i32 to index
      %get3A_635 = arith.constant 688 : index
      %get3A_636 = tpu.vector_load %arg13[%get3A_634, %get3A_635] {strides = array<i32>} : memref<64x768xf32, #tpu.memory_space<vmem>>, vector<16xf32>,
      %mul3A_637 = arith.mulf %get3A_636, %gather3A_114 : vector<16xf32>
      %add3A_638 = arith.addf %mul3A_633, %mul3A_637 : vector<16xf32>
      %swap3A_639 = arith.index_cast %scan3A_112 : i32 to index
      %swap3A_640 = arith.constant 688 : index
      %swap3A_641 = tpu.vector_load %arg12[%swap3A_639, %swap3A_640] {strides = array<i32>} : memref<64x768xf32, #tpu.memory_space<vmem>>, vector<16xf32>,
      tpu.vector_store %arg12[%swap3A_639, %swap3A_640], %add3A_638 {strides = array<i32>} : memref<64x768xf32, #tpu.memory_space<vmem>>, vector<16xf32>,
      %get3A_642 = arith.index_cast %scan3A_112 : i32 to index
      %get3A_643 = arith.constant 704 : index
      %get3A_644 = tpu.vector_load %arg12[%get3A_642, %get3A_643] {strides = array<i32>} : memref<64x768xf32, #tpu.memory_space<vmem>>, vector<16xf32>,
      %mul3A_645 = arith.mulf %get3A_644, %gather3A_113 : vector<16xf32>
      %get3A_646 = arith.index_cast %scan3A_112 : i32 to index
      %get3A_647 = arith.constant 704 : index
      %get3A_648 = tpu.vector_load %arg13[%get3A_646, %get3A_647] {strides = array<i32>} : memref<64x768xf32, #tpu.memory_space<vmem>>, vector<16xf32>,
      %mul3A_649 = arith.mulf %get3A_648, %gather3A_114 : vector<16xf32>
      %add3A_650 = arith.addf %mul3A_645, %mul3A_649 : vector<16xf32>
      %swap3A_651 = arith.index_cast %scan3A_112 : i32 to index
      %swap3A_652 = arith.constant 704 : index
      %swap3A_653 = tpu.vector_load %arg12[%swap3A_651, %swap3A_652] {strides = array<i32>} : memref<64x768xf32, #tpu.memory_space<vmem>>, vector<16xf32>,
      tpu.vector_store %arg12[%swap3A_651, %swap3A_652], %add3A_650 {strides = array<i32>} : memref<64x768xf32, #tpu.memory_space<vmem>>, vector<16xf32>,
      %get3A_654 = arith.index_cast %scan3A_112 : i32 to index
      %get3A_655 = arith.constant 720 : index
      %get3A_656 = tpu.vector_load %arg12[%get3A_654, %get3A_655] {strides = array<i32>} : memref<64x768xf32, #tpu.memory_space<vmem>>, vector<16xf32>,
      %mul3A_657 = arith.mulf %get3A_656, %gather3A_113 : vector<16xf32>
      %get3A_658 = arith.index_cast %scan3A_112 : i32 to index
      %get3A_659 = arith.constant 720 : index
      %get3A_660 = tpu.vector_load %arg13[%get3A_658, %get3A_659] {strides = array<i32>} : memref<64x768xf32, #tpu.memory_space<vmem>>, vector<16xf32>,
      %mul3A_661 = arith.mulf %get3A_660, %gather3A_114 : vector<16xf32>
      %add3A_662 = arith.addf %mul3A_657, %mul3A_661 : vector<16xf32>
      %swap3A_663 = arith.index_cast %scan3A_112 : i32 to index
      %swap3A_664 = arith.constant 720 : index
      %swap3A_665 = tpu.vector_load %arg12[%swap3A_663, %swap3A_664] {strides = array<i32>} : memref<64x768xf32, #tpu.memory_space<vmem>>, vector<16xf32>,
      tpu.vector_store %arg12[%swap3A_663, %swap3A_664], %add3A_662 {strides = array<i32>} : memref<64x768xf32, #tpu.memory_space<vmem>>, vector<16xf32>,
      %get3A_666 = arith.index_cast %scan3A_112 : i32 to index
      %get3A_667 = arith.constant 736 : index
      %get3A_668 = tpu.vector_load %arg12[%get3A_666, %get3A_667] {strides = array<i32>} : memref<64x768xf32, #tpu.memory_space<vmem>>, vector<16xf32>,
      %mul3A_669 = arith.mulf %get3A_668, %gather3A_113 : vector<16xf32>
      %get3A_670 = arith.index_cast %scan3A_112 : i32 to index
      %get3A_671 = arith.constant 736 : index
      %get3A_672 = tpu.vector_load %arg13[%get3A_670, %get3A_671] {strides = array<i32>} : memref<64x768xf32, #tpu.memory_space<vmem>>, vector<16xf32>,
      %mul3A_673 = arith.mulf %get3A_672, %gather3A_114 : vector<16xf32>
      %add3A_674 = arith.addf %mul3A_669, %mul3A_673 : vector<16xf32>
      %swap3A_675 = arith.index_cast %scan3A_112 : i32 to index
      %swap3A_676 = arith.constant 736 : index
      %swap3A_677 = tpu.vector_load %arg12[%swap3A_675, %swap3A_676] {strides = array<i32>} : memref<64x768xf32, #tpu.memory_space<vmem>>, vector<16xf32>,
      tpu.vector_store %arg12[%swap3A_675, %swap3A_676], %add3A_674 {strides = array<i32>} : memref<64x768xf32, #tpu.memory_space<vmem>>, vector<16xf32>,
      %get3A_678 = arith.index_cast %scan3A_112 : i32 to index
      %get3A_679 = arith.constant 752 : index
      %get3A_680 = tpu.vector_load %arg12[%get3A_678, %get3A_679] {strides = array<i32>} : memref<64x768xf32, #tpu.memory_space<vmem>>, vector<16xf32>,
      %mul3A_681 = arith.mulf %get3A_680, %gather3A_113 : vector<16xf32>
      %get3A_682 = arith.index_cast %scan3A_112 : i32 to index
      %get3A_683 = arith.constant 752 : index
      %get3A_684 = tpu.vector_load %arg13[%get3A_682, %get3A_683] {strides = array<i32>} : memref<64x768xf32, #tpu.memory_space<vmem>>, vector<16xf32>,
      %mul3A_685 = arith.mulf %get3A_684, %gather3A_114 : vector<16xf32>
      %add3A_686 = arith.addf %mul3A_681, %mul3A_685 : vector<16xf32>
      %swap3A_687 = arith.index_cast %scan3A_112 : i32 to index
      %swap3A_688 = arith.constant 752 : index
      %swap3A_689 = tpu.vector_load %arg12[%swap3A_687, %swap3A_688] {strides = array<i32>} : memref<64x768xf32, #tpu.memory_space<vmem>>, vector<16xf32>,
      tpu.vector_store %arg12[%swap3A_687, %swap3A_688], %add3A_686 {strides = array<i32>} : memref<64x768xf32, #tpu.memory_space<vmem>>, vector<16xf32>,
    }
    %scan3A_111 = arith.constant 64 : i32
    "tpu.region"() ({
      %run_scoped3A = tpu.sem_alloc : memref<!tpu.dma_semaphore, #tpu.memory_space<semaphore_mem>>
      %dma_start3A_112 = arith.constant 0 : i32
      %dma_start3A_113 = tpu.memref_slice %arg5[%mul3A_2, %dma_start3A_112] : memref<2048x768xf32, #tpu.memory_space<hbm>> -> memref<64x768xf32, #tpu.memory_space<hbm>>
      %dma_start3A_114 = arith.constant 0 : i32
      %dma_start3A_115 = tpu.memref_slice %arg5[%mul3A_2, %dma_start3A_114] : memref<2048x768xf32, #tpu.memory_space<hbm>> -> memref<64x768xf32, #tpu.memory_space<hbm>>
      tpu.enqueue_dma source(%arg12 : memref<64x768xf32, #tpu.memory_space<vmem>>) target(%dma_start3A_115 : memref<64x768xf32, #tpu.memory_space<hbm>>) target_semaphore(%run_scoped3A : memref<!tpu.dma_semaphore, #tpu.memory_space<semaphore_mem>>)
      %dma_wait3A_116 = arith.constant 0 : i32
      %dma_wait3A_117 = tpu.memref_slice %arg5[%mul3A_2, %dma_wait3A_116] : memref<2048x768xf32, #tpu.memory_space<hbm>> -> memref<64x768xf32, #tpu.memory_space<hbm>>
      %dma_wait3A_118 = arith.constant 0 : i32
      %dma_wait3A_119 = tpu.memref_slice %arg5[%mul3A_2, %dma_wait3A_118] : memref<2048x768xf32, #tpu.memory_space<hbm>> -> memref<64x768xf32, #tpu.memory_space<hbm>>
      tpu.wait_dma2 semaphore(%run_scoped3A : memref<!tpu.dma_semaphore, #tpu.memory_space<semaphore_mem>>) src(%arg12 : memref<64x768xf32, #tpu.memory_space<vmem>>) dst(%dma_wait3A_119 : memref<64x768xf32, #tpu.memory_space<hbm>>)
      tpu.yield
    }) : () -> ()
    return
  }
}

#map = affine_map<(d0, d1) -> (0)>
#map1 = affine_map<(d0, d1) -> (0, 0)>
module attributes {stable_mosaic.version = 14 : i64} {
  func.func @_phase_a1(%arg0: i32, %arg1: i32, %arg2: memref<4096xi32, #tpu.memory_space<hbm>>, %arg3: memref<32x16xi32, #tpu.memory_space<hbm>>, %arg4: memref<128xi32, #tpu.memory_space<vmem>>, %arg5: memref<16xi32, #tpu.memory_space<vmem>>) attributes {dimension_semantics = [#tpu.dimension_semantics<core_parallel>, #tpu.dimension_semantics<subcore_parallel>], iteration_bounds = array<i64: 2, 16>, scalar_prefetch = 0 : i64, scratch_operands = 2 : i64, tpu.core_type = #tpu.core_type<sc_vector_subcore>, window_params = [{transform_indices = #map}, {transform_indices = #map1}]} {
    %mul3A = arith.constant 2 : i32
    %mul3A_0 = arith.muli %arg1, %mul3A : i32
    %add3A = arith.addi %mul3A_0, %arg0 : i32
    %mul3A_1 = arith.constant 128 : i32
    %mul3A_2 = arith.muli %add3A, %mul3A_1 : i32
    "tpu.region"() ({
      %run_scoped3A = tpu.sem_alloc : memref<!tpu.dma_semaphore, #tpu.memory_space<semaphore_mem>>
      %dma_start3A = tpu.memref_slice %arg2[%mul3A_2] : memref<4096xi32, #tpu.memory_space<hbm>> -> memref<128xi32, #tpu.memory_space<hbm>>
      %dma_start3A_10 = tpu.memref_slice %arg2[%mul3A_2] : memref<4096xi32, #tpu.memory_space<hbm>> -> memref<128xi32, #tpu.memory_space<hbm>>
      tpu.enqueue_dma source(%dma_start3A_10 : memref<128xi32, #tpu.memory_space<hbm>>) target(%arg4 : memref<128xi32, #tpu.memory_space<vmem>>) target_semaphore(%run_scoped3A : memref<!tpu.dma_semaphore, #tpu.memory_space<semaphore_mem>>)
      %dma_wait3A = tpu.memref_slice %arg2[%mul3A_2] : memref<4096xi32, #tpu.memory_space<hbm>> -> memref<128xi32, #tpu.memory_space<hbm>>
      %dma_wait3A_11 = tpu.memref_slice %arg2[%mul3A_2] : memref<4096xi32, #tpu.memory_space<hbm>> -> memref<128xi32, #tpu.memory_space<hbm>>
      tpu.wait_dma2 semaphore(%run_scoped3A : memref<!tpu.dma_semaphore, #tpu.memory_space<semaphore_mem>>) src(%dma_wait3A_11 : memref<128xi32, #tpu.memory_space<hbm>>) dst(%arg4 : memref<128xi32, #tpu.memory_space<vmem>>)
      tpu.yield
    }) : () -> ()
    %iota3A = tpu.iota {dimensions = array<i32: 0>} : vector<16xi32>
    %broadcast_in_dim3A = arith.constant 0 : i32
    %broadcast_in_dim3A_3 = vector.broadcast %broadcast_in_dim3A : i32 to vector<16xi32>
    %scan3A = arith.constant 0 : i32
    %scan3A_4 = arith.constant 8 : i32
    %scan3A_5 = arith.addi %scan3A, %scan3A_4 : i32
    %scan3A_6 = arith.constant 1 : i32
    %scan3A_7 = scf.for %scan3A_10 = %scan3A to %scan3A_5 step %scan3A_6 iter_args(%scan3A_11 = %broadcast_in_dim3A_3) -> (vector<16xi32>)  : i32 {
      %mul3A_12 = arith.constant 16 : i32
      %mul3A_13 = arith.muli %scan3A_10, %mul3A_12 : i32
      %get3A = arith.index_cast %mul3A_13 : i32 to index
      %get3A_14 = tpu.vector_load %arg4[%get3A] {strides = array<i32>} : memref<128xi32, #tpu.memory_space<vmem>>, vector<16xi32>,
      %scan3A_15 = arith.constant 0 : i32
      %scan3A_16 = arith.constant 8 : i32
      %scan3A_17 = arith.addi %scan3A_15, %scan3A_16 : i32
      %scan3A_18 = arith.constant 1 : i32
      %scan3A_19 = scf.for %scan3A_21 = %scan3A_15 to %scan3A_17 step %scan3A_18 iter_args(%scan3A_22 = %scan3A_11) -> (vector<16xi32>)  : i32 {
        %eq3A = vector.broadcast %scan3A_21 : i32 to vector<16xi32>
        %eq3A_23 = arith.cmpi eq, %get3A_14, %eq3A : vector<16xi32>
        %all_reduce_population_count3A = tpu.all_reduce %eq3A_23 {dim = 0 : i64, kind = #tpu.reduction_kind<sum>} : vector<16xi1> -> vector<16xi32>
        %eq3A_24 = vector.broadcast %scan3A_21 : i32 to vector<16xi32>
        %eq3A_25 = arith.cmpi eq, %iota3A, %eq3A_24 : vector<16xi32>
        %jit3A = arith.constant 0 : i32
        %broadcast_in_dim3A_26 = vector.broadcast %jit3A : i32 to vector<16xi32>
        %select_n3A = arith.select %eq3A_25, %all_reduce_population_count3A, %broadcast_in_dim3A_26 : vector<16xi1>, vector<16xi32>
        %add3A_27 = arith.addi %scan3A_22, %select_n3A : vector<16xi32>
        scf.yield %add3A_27 : vector<16xi32>
      }
      %scan3A_20 = arith.constant 8 : i32
      scf.yield %scan3A_19 : vector<16xi32>
    }
    %scan3A_8 = arith.constant 8 : i32
    %swap3A = arith.constant 0 : index
    %swap3A_9 = tpu.vector_load %arg5[%swap3A] {strides = array<i32>} : memref<16xi32, #tpu.memory_space<vmem>>, vector<16xi32>,
    tpu.vector_store %arg5[%swap3A], %scan3A_7 {strides = array<i32>} : memref<16xi32, #tpu.memory_space<vmem>>, vector<16xi32>,
    "tpu.region"() ({
      %run_scoped3A = tpu.sem_alloc : memref<!tpu.dma_semaphore, #tpu.memory_space<semaphore_mem>>
      %dma_start3A = arith.constant 0 : i32
      %dma_start3A_10 = tpu.memref_slice %arg3[%add3A, %dma_start3A] : memref<32x16xi32, #tpu.memory_space<hbm>> -> memref<1x16xi32, #tpu.memory_space<hbm>>
      %dma_start3A_11 = tpu.memref_squeeze %dma_start3A_10 : memref<1x16xi32, #tpu.memory_space<hbm>> -> memref<16xi32, #tpu.memory_space<hbm>>
      %dma_start3A_12 = arith.constant 0 : i32
      %dma_start3A_13 = tpu.memref_slice %arg3[%add3A, %dma_start3A_12] : memref<32x16xi32, #tpu.memory_space<hbm>> -> memref<1x16xi32, #tpu.memory_space<hbm>>
      %dma_start3A_14 = tpu.memref_squeeze %dma_start3A_13 : memref<1x16xi32, #tpu.memory_space<hbm>> -> memref<16xi32, #tpu.memory_space<hbm>>
      tpu.enqueue_dma source(%arg5 : memref<16xi32, #tpu.memory_space<vmem>>) target(%dma_start3A_14 : memref<16xi32, #tpu.memory_space<hbm>>) target_semaphore(%run_scoped3A : memref<!tpu.dma_semaphore, #tpu.memory_space<semaphore_mem>>)
      %dma_wait3A = arith.constant 0 : i32
      %dma_wait3A_15 = tpu.memref_slice %arg3[%add3A, %dma_wait3A] : memref<32x16xi32, #tpu.memory_space<hbm>> -> memref<1x16xi32, #tpu.memory_space<hbm>>
      %dma_wait3A_16 = tpu.memref_squeeze %dma_wait3A_15 : memref<1x16xi32, #tpu.memory_space<hbm>> -> memref<16xi32, #tpu.memory_space<hbm>>
      %dma_wait3A_17 = arith.constant 0 : i32
      %dma_wait3A_18 = tpu.memref_slice %arg3[%add3A, %dma_wait3A_17] : memref<32x16xi32, #tpu.memory_space<hbm>> -> memref<1x16xi32, #tpu.memory_space<hbm>>
      %dma_wait3A_19 = tpu.memref_squeeze %dma_wait3A_18 : memref<1x16xi32, #tpu.memory_space<hbm>> -> memref<16xi32, #tpu.memory_space<hbm>>
      tpu.wait_dma2 semaphore(%run_scoped3A : memref<!tpu.dma_semaphore, #tpu.memory_space<semaphore_mem>>) src(%arg5 : memref<16xi32, #tpu.memory_space<vmem>>) dst(%dma_wait3A_19 : memref<16xi32, #tpu.memory_space<hbm>>)
      tpu.yield
    }) : () -> ()
    return
  }
}

module attributes {stable_mosaic.version = 14 : i64} {
  func.func @_phase_b_body(%arg0: i32, %arg1: memref<64xi32, #tpu.memory_space<smem>>, %arg2: memref<512x384xi32, #tpu.memory_space<vmem>>, %arg3: memref<1x1536x768xf32, #tpu.memory_space<vmem>>, %arg4: memref<1x768x768xf32, #tpu.memory_space<vmem>>, %arg5: memref<512x768xf32, #tpu.memory_space<vmem>>) attributes {dimension_semantics = [#tpu.dimension_semantics<arbitrary>], iteration_bounds = array<i64: 16>, scalar_prefetch = 1 : i64, scratch_operands = 0 : i64, tpu.core_type = #tpu.core_type<tc>, window_params = [{transform_indices = @transform_0, window_bounds = array<i64: 512, 384>}, {transform_indices = @transform_1, window_bounds = array<i64: 1, 1536, 768>}, {transform_indices = @transform_2, window_bounds = array<i64: 1, 768, 768>}, {transform_indices = @transform_3, window_bounds = array<i64: 512, 768>}]} {
    %add3A = arith.constant 32 : i32
    %add3A_0 = arith.addi %add3A, %arg0 : i32
    %get3A = arith.index_cast %add3A_0 : i32 to index
    %get3A_1 = memref.load %arg1[%get3A] : memref<64xi32, #tpu.memory_space<smem>>
    %eq3A = arith.constant 1 : i32
    %eq3A_2 = arith.cmpi eq, %get3A_1, %eq3A : i32
    %convert_element_type3A = arith.extui %eq3A_2 : i1 to i32
    %cond3A = arith.constant 0 : i32
    %cond3A_3 = arith.cmpi ne, %convert_element_type3A, %cond3A : i32
    scf.if %cond3A_3 {
      %get3A_4 = arith.constant 0 : index
      %get3A_5 = arith.constant 0 : index
      %get3A_6 = vector.load %arg2[%get3A_4, %get3A_5] : memref<512x384xi32, #tpu.memory_space<vmem>>, vector<512x384xi32>
      %shift_left3A = arith.constant 16 : i32
      %shift_left3A_7 = vector.broadcast %shift_left3A : i32 to vector<512x384xi32>
      %shift_left3A_8 = arith.shli %get3A_6, %shift_left3A_7 : vector<512x384xi32>
      %bitcast_convert_type3A = tpu.bitcast %shift_left3A_8 : vector<512x384xi32> -> vector<512x384xf32>
      %and3A = arith.constant -65536 : i32
      %and3A_9 = vector.broadcast %and3A : i32 to vector<512x384xi32>
      %and3A_10 = arith.andi %get3A_6, %and3A_9 : vector<512x384xi32>
      %bitcast_convert_type3A_11 = tpu.bitcast %and3A_10 : vector<512x384xi32> -> vector<512x384xf32>
      %concatenate3A = tpu.concatenate %bitcast_convert_type3A, %bitcast_convert_type3A_11 in 1 : vector<512x384xf32>, vector<512x384xf32> -> vector<512x768xf32>
      %get3A_12 = arith.constant 0 : index
      %get3A_13 = arith.constant 0 : index
      %get3A_14 = arith.constant 0 : index
      %get3A_15 = vector.load %arg3[%get3A_12, %get3A_13, %get3A_14] : memref<1x1536x768xf32, #tpu.memory_space<vmem>>, vector<1x1536x768xf32>
      %get3A_16 = vector.shape_cast %get3A_15 : vector<1x1536x768xf32> to vector<1536x768xf32>
      %dot_general3A = arith.constant dense<0.000000e+00> : vector<512x1536xf32>
      %dot_general3A_17 = tpu.matmul %concatenate3A, %get3A_16, %dot_general3A {dimension_numbers = #tpu.dot_dimension_numbers<[1], [1], [0], [0], [0, 0, 1, 0], [], []>, transpose_lhs_hint = false} : vector<512x768xf32>, vector<1536x768xf32>, vector<512x1536xf32> -> vector<512x1536xf32>
      %slice3A = vector.extract_strided_slice %dot_general3A_17 {offsets = [0, 0], sizes = [512, 768], strides = [1, 1]} : vector<512x1536xf32> to vector<512x768xf32>
      %slice3A_18 = vector.extract_strided_slice %dot_general3A_17 {offsets = [0, 768], sizes = [512, 768], strides = [1, 1]} : vector<512x1536xf32> to vector<512x768xf32>
      %logistic3A = arith.negf %slice3A : vector<512x768xf32>
      %logistic3A_19 = math.exp %logistic3A : vector<512x768xf32>
      %logistic3A_20 = arith.constant 1.000000e+00 : f32
      %logistic3A_21 = vector.broadcast %logistic3A_20 : f32 to vector<512x768xf32>
      %logistic3A_22 = arith.addf %logistic3A_21, %logistic3A_19 : vector<512x768xf32>
      %logistic3A_23 = arith.divf %logistic3A_21, %logistic3A_22 : vector<512x768xf32>
      %mul3A = arith.mulf %slice3A, %logistic3A_23 : vector<512x768xf32>
      %mul3A_24 = arith.mulf %mul3A, %slice3A_18 : vector<512x768xf32>
      %get3A_25 = arith.constant 0 : index
      %get3A_26 = arith.constant 0 : index
      %get3A_27 = arith.constant 0 : index
      %get3A_28 = vector.load %arg4[%get3A_25, %get3A_26, %get3A_27] : memref<1x768x768xf32, #tpu.memory_space<vmem>>, vector<1x768x768xf32>
      %get3A_29 = vector.shape_cast %get3A_28 : vector<1x768x768xf32> to vector<768x768xf32>
      %dot_general3A_30 = arith.constant dense<0.000000e+00> : vector<512x768xf32>
      %dot_general3A_31 = tpu.matmul %mul3A_24, %get3A_29, %dot_general3A_30 {dimension_numbers = #tpu.dot_dimension_numbers<[1], [1], [0], [0], [0, 0, 1, 0], [], []>, transpose_lhs_hint = false} : vector<512x768xf32>, vector<768x768xf32>, vector<512x768xf32> -> vector<512x768xf32>
      %swap3A = arith.constant 0 : index
      %swap3A_32 = arith.constant 0 : index
      %swap3A_33 = vector.load %arg5[%swap3A, %swap3A_32] : memref<512x768xf32, #tpu.memory_space<vmem>>, vector<512x768xf32>
      tpu.vector_store %arg5[%swap3A, %swap3A_32], %dot_general3A_31 {strides = array<i32>} : memref<512x768xf32, #tpu.memory_space<vmem>>, vector<512x768xf32>,
    } else {
    }
    return
  }
  func.func @transform_0(%arg0: i32, %arg1: memref<64xi32, #tpu.memory_space<smem>>) -> (i32, i32) {
    %get3A = arith.constant 63 : index
    %get3A_0 = memref.load %arg1[%get3A] : memref<64xi32, #tpu.memory_space<smem>>
    %sub3A = arith.constant 1 : i32
    %sub3A_1 = arith.subi %get3A_0, %sub3A : i32
    %min3A = arith.minsi %arg0, %sub3A_1 : i32
    %c0_i32 = arith.constant 0 : i32
    %c0_i32_2 = arith.constant 0 : i32
    return %min3A, %c0_i32 : i32, i32
  }
  func.func @transform_1(%arg0: i32, %arg1: memref<64xi32, #tpu.memory_space<smem>>) -> (i32, i32, i32) {
    %get3A = arith.constant 63 : index
    %get3A_0 = memref.load %arg1[%get3A] : memref<64xi32, #tpu.memory_space<smem>>
    %sub3A = arith.constant 1 : i32
    %sub3A_1 = arith.subi %get3A_0, %sub3A : i32
    %min3A = arith.minsi %arg0, %sub3A_1 : i32
    %get3A_2 = arith.index_cast %min3A : i32 to index
    %get3A_3 = memref.load %arg1[%get3A_2] : memref<64xi32, #tpu.memory_space<smem>>
    %c0_i32 = arith.constant 0 : i32
    %c0_i32_4 = arith.constant 0 : i32
    %c0_i32_5 = arith.constant 0 : i32
    return %get3A_3, %c0_i32, %c0_i32_4 : i32, i32, i32
  }
  func.func @transform_2(%arg0: i32, %arg1: memref<64xi32, #tpu.memory_space<smem>>) -> (i32, i32, i32) {
    %get3A = arith.constant 63 : index
    %get3A_0 = memref.load %arg1[%get3A] : memref<64xi32, #tpu.memory_space<smem>>
    %sub3A = arith.constant 1 : i32
    %sub3A_1 = arith.subi %get3A_0, %sub3A : i32
    %min3A = arith.minsi %arg0, %sub3A_1 : i32
    %get3A_2 = arith.index_cast %min3A : i32 to index
    %get3A_3 = memref.load %arg1[%get3A_2] : memref<64xi32, #tpu.memory_space<smem>>
    %c0_i32 = arith.constant 0 : i32
    %c0_i32_4 = arith.constant 0 : i32
    %c0_i32_5 = arith.constant 0 : i32
    return %get3A_3, %c0_i32, %c0_i32_4 : i32, i32, i32
  }
  func.func @transform_3(%arg0: i32, %arg1: memref<64xi32, #tpu.memory_space<smem>>) -> (i32, i32) {
    %get3A = arith.constant 63 : index
    %get3A_0 = memref.load %arg1[%get3A] : memref<64xi32, #tpu.memory_space<smem>>
    %sub3A = arith.constant 1 : i32
    %sub3A_1 = arith.subi %get3A_0, %sub3A : i32
    %min3A = arith.minsi %arg0, %sub3A_1 : i32
    %c0_i32 = arith.constant 0 : i32
    %c0_i32_2 = arith.constant 0 : i32
    return %min3A, %c0_i32 : i32, i32
  }
}

</mosaic_0001>

<sc_bundles>
// kernel: kernel.12.cloned.1.call-start
scs
__scs_entry_jumppad:
0x0: {  	(pc) =	sbr.rel $0x88, $3  }
0x1: {  	(tag) =	ssettag $0x0;
	lr =	simm.s32 $0x1  }
0x2: {  	[smem:$0x3F9C] =	sst lr;
	_ =	strace $0xD0000000  }
0x3: {  	_ = 	snop  }
0x4: {  	_ = 	snop  }
0x5: {  	_ = 	snop  }
0x6: {  	_ = 	snop  }
0x7: {  	_ = 	snop  }
__scs_overlays_trampoline_lowered:
0x8: {  	[smem:$0x3FAB] =	sst s0  }
0x9: {  	[smem:$0x3FAC] =	sst s1  }
0xa: {  	[smem:$0x3FAD] =	sst s2  }
0xb: {  	[smem:$0x3FAE] =	sst s3  }
0xc: {  	[smem:$0x3FAF] =	sst s4  }
0xd: {  	[smem:$0x3FB0] =	sst s5  }
0xe: {  	[smem:$0x3FB1] =	sst s6  }
0xf: {  	[smem:$0x3FB2] =	sst s7  }
0x10: {  	[smem:$0x3FB3] =	sst s8  }
0x11: {  	[smem:$0x3FB4] =	sst s9;
	s0 =	simm.s32 @!p0 $0x0  }
0x12: {  	s1 =	sld [smem:$0x3F9A];
	s0 =	simm.s32 @p0 $0x1  }
0x13: {  	[smem:$0x3FB5] =	sst s0;
	s0 =	simm.s32 @!p1 $0x0  }
0x14: {  	s2 =	sld [smem:$0x3F99];
	s0 =	simm.s32 @p1 $0x1  }
0x15: {  	[smem:$0x3FB6] =	sst s0;
	s0 =	simm.s32 @!p2 $0x0  }
0x16: {  	s3 =	sld [smem:$0x3FDB];
	s0 =	simm.s32 @p2 $0x1  }
0x17: {  	s4 =	simm.s32 $0x1BF5;
	[smem:$0x3FB8] =	sst s0  }
0x18: {  	s0 =	sld [smem:$0x3F9B];
	_ =	swait.ge [sflag:s4], $0x0  }
0x19: {  	s7 =	sld [smem:$0x3F9C]  }
0x1a: {  	s8 =	sadd.s32 $0xFFFFE003, lr  }
0x1b: {  	s9 =	sadd.s32 $0xFFFFFEF7, lr;
	s5 =	simm.s32 $0xFFFFFFFF;
	p2 =	slt.u32 s8, $0xFFFFF086  }
0x1c: {  	p1 =	slt.u32 s9, $0xF7A;
	s5 =	simm.s32 @!p2 $0x0  }
0x1d: {  	s5 =	simm.s32 @p1 $0x1;
	p0 =	seq.s32 s7, s2  }
0x1e: {  	s7 =	smul.u32 @!p0 $0xF7A, s2;
	p2 =	seq.s32 @!p0 s5, $0x0  }
0x1f: {  	s9 =	smul.u32 $0xF7A, s1;
	s8 =	simm.s32 @!p0 $0x1BF5;
	p2 =	por !p2, p0  }
0x20: {  	[sflag:s8] =	ssyncset.s32 @!p0 $0xFFFFF086;
	s6 =	sadd.s32 @!p0 s3, s7;
	s7 =	simm.s32 @!p0 $0x108  }
0x21: {  	s3 =	sadd.s32 s3, s9;
	s6 =	sadd.s32 @!p0 $0x88, s6;
	s7 =	simm.s32 @p2 $0x1082  }
0x22: {  	[simem:s7], [sflag:s8] =	dma.local @!p0 [hbm:s6], $0xF7A  }
0x23: {  	s9 =	sor.u32 $0xD0000000, s2;
	s6 =	simm.s32 $0x108;
	_ =	swait.ge @!p0 [sflag:s8], $0x0  }
0x24: {  	s3 =	sadd.s32 $0x88, s3;
	s6 =	simm.s32 @!p1 $0x1082;
	[sflag:s4] =	ssyncset.s32 $0xFFFFF086  }
0x25: {  	[simem:s6], [sflag:s4] =	dma.local [hbm:s3], $0xF7A  }
0x26: {  	[smem:$0x3F9C] =	sst s1;
	(tag) =	ssettag s2;
	_ =	strace s9  }
0x27: {  	s1 =	sld [smem:$0x3FAC]  }
0x28: {  	s2 =	sld [smem:$0x3FAD]  }
0x29: {  	s4 =	sld [smem:$0x3FAF]  }
0x2a: {  	p0 =	seq.s32 s5, $0x0;
	s5 =	sld [smem:$0x3FB0]  }
0x2b: {  	s6 =	sld [smem:$0x3FB1]  }
0x2c: {  	s7 =	sld [smem:$0x3FB2]  }
0x2d: {  	s3 =	simm.s32 $0x108;
	s8 =	sld [smem:$0x3FB3]  }
0x2e: {  	s3 =	simm.s32 @!p0 $0x1082;
	s9 =	sld [smem:$0x3FB4]  }
0x2f: {  	lr =	sadd.s32 s0, s3;
	s0 =	sld [smem:$0x3FAB]  }
0x30: {  	s3 =	sld [smem:$0x3FAE]  }
0x31: {  	[smem:$0x3FB7] =	sst s10  }
0x32: {  	s10 =	sld [smem:$0x3FB5];
	_ =	sdelay $0x3  }
0x33: {  	p0 =	seq.s32 s10, $0x1;
	s10 =	sld [smem:$0x3FB7];
	_ =	sdelay $0x3  }
0x34: {  	[smem:$0x3FB7] =	sst s10  }
0x35: {  	s10 =	sld [smem:$0x3FB6];
	_ =	sdelay $0x3  }
0x36: {  	p1 =	seq.s32 s10, $0x1;
	s10 =	sld [smem:$0x3FB7];
	_ =	sdelay $0x3  }
0x37: {  	[smem:$0x3FB7] =	sst s10  }
0x38: {  	s10 =	sld [smem:$0x3FB8]  }
0x39: {  	_ = 	snop;
	(pc) =	sbr.ind lr, $3  }
0x3a: {  	_ = 	snop  }
0x3b: {  	_ = 	snop  }
0x3c: {  	p2 =	seq.s32 s10, $0x1;
	s10 =	sld [smem:$0x3FB7]  }
0x3d: {  	_ =	shalt  }
0x3e: {  	_ =	shalt  }
0x3f: {  	_ =	shalt  }
0x40: {  	_ =	shalt  }
0x41: {  	_ =	shalt  }
0x42: {  	_ =	shalt  }
0x43: {  	_ =	shalt  }
0x44: {  	_ =	shalt  }
0x45: {  	_ =	shalt  }
0x46: {  	_ =	shalt  }
0x47: {  	_ =	shalt  }
0x48: {  	_ =	shalt  }
0x49: {  	_ =	shalt  }
0x4a: {  	_ =	shalt  }
0x4b: {  	_ =	shalt  }
0x4c: {  	_ =	shalt  }
0x4d: {  	_ =	shalt  }
0x4e: {  	_ =	shalt  }
0x4f: {  	_ =	shalt  }
0x50: {  	_ =	shalt  }
0x51: {  	_ =	shalt  }
0x52: {  	_ =	shalt  }
0x53: {  	_ =	shalt  }
0x54: {  	_ =	shalt  }
0x55: {  	_ =	shalt  }
0x56: {  	_ =	shalt  }
0x57: {  	_ =	shalt  }
0x58: {  	_ =	shalt  }
0x59: {  	_ =	shalt  }
0x5a: {  	_ =	shalt  }
0x5b: {  	_ =	shalt  }
0x5c: {  	_ =	shalt  }
0x5d: {  	_ =	shalt  }
0x5e: {  	_ =	shalt  }
0x5f: {  	_ =	shalt  }
0x60: {  	_ =	shalt  }
0x61: {  	_ =	shalt  }
0x62: {  	_ =	shalt  }
0x63: {  	_ =	shalt  }
0x64: {  	_ =	shalt  }
0x65: {  	_ =	shalt  }
0x66: {  	_ =	shalt  }
0x67: {  	_ =	shalt  }
0x68: {  	_ =	shalt  }
0x69: {  	_ =	shalt  }
0x6a: {  	_ =	shalt  }
0x6b: {  	_ =	shalt  }
0x6c: {  	_ =	shalt  }
0x6d: {  	_ =	shalt  }
0x6e: {  	_ =	shalt  }
0x6f: {  	_ =	shalt  }
0x70: {  	_ =	shalt  }
0x71: {  	_ =	shalt  }
0x72: {  	_ =	shalt  }
0x73: {  	_ =	shalt  }
0x74: {  	_ =	shalt  }
0x75: {  	_ =	shalt  }
0x76: {  	_ =	shalt  }
0x77: {  	_ =	shalt  }
0x78: {  	_ =	shalt  }
0x79: {  	_ =	shalt  }
0x7a: {  	_ =	shalt  }
0x7b: {  	_ =	shalt  }
0x7c: {  	_ =	shalt  }
0x7d: {  	_ =	shalt  }
0x7e: {  	_ =	shalt  }
0x7f: {  	_ =	shalt  }
0x80: {  	_ =	shalt  }
0x81: {  	_ =	shalt  }
0x82: {  	_ =	shalt  }
0x83: {  	_ =	shalt  }
0x84: {  	_ =	shalt  }
0x85: {  	_ =	shalt  }
0x86: {  	_ =	shalt  }
0x87: {  	_ =	shalt  }
.Lfunc_end0:
.L_simem_size_0:
called_computation.2_lowered:
.L_overlay_start_0:
0x88: {  	s2 =	sld [smem:$0x3FD9]  }
0x89: {  	s3 =	sld [smem:$0x3FFE];
	_ =	sdelay $0x1  }
0x8a: {  	s1 =	srdreg.scid  }
0x8b: {  	s0 =	sand.u32 $0x1, s1  }
0x8c: {  	s17 =	sshll.u32 s0, $0xA;
	s2 =	sadd.s32 s3, s2  }
0x8d: {  	s2 =	sadd.s32 s2, s17  }
0x8e: {  	[smem:$0x3FC3] =	sst s2  }
0x8f: {  	_ = 	snop  }
0x90: {  	s2 =	sld [smem:$0x3FD0];
	(tm) =	ssettm $0x1  }
0x91: {  	s18 =	sld [smem:$0x3FFB];
	_ =	sdelay $0x3  }
0x92: {  	_ =	strace s18  }
0x93: {  	s3 =	sld [smem:$0x3FFC];
	_ =	sdelay $0x3  }
0x94: {  	_ =	strace s3  }
0x95: {  	s3 =	sld [smem:$0x3FFD];
	_ =	sdelay $0x3  }
0x96: {  	_ =	strace s3  }
0x97: {  	_ =	strace $0x8FFFFFFF  }
0x98: {  	s19 =	sld [smem:$0x3FDB];
	_ =	sdelay $0x1  }
0x99: {  	s4 =	simm.s32 $_scs_section_size  }
0x9a: {  	s5 =	simm.s32 $_size__tile_overlayer_lowered;
	s6 =	simm.s32 $_tile_overlayer_lowered  }
0x9b: {  	s22 =	simm.s32 $0x1BFF;
	s21 =	sshll.u32 s6, $0x1;
	s3 =	sadd.s32 s4, s19  }
0x9c: {  	s7 =	simm.s32 $0x0;
	s20 =	sshll.u32 s5, $0x1;
	s5 =	sadd.s32 s21, s3  }
0x9d: {  	[timem:s7], [sflag:s22] =	dma.local [hbm:s5], s20  }
0x9e: {  	_ =	swait.ge [sflag:s22], s20  }
0x9f: {  	s4 =	ssub.s32 $0x0, s20;
	[sflag:s22] =	ssyncset.done $0x0  }
0xa0: {  	[sflag:s22] =	ssyncadd.s32 s4;
	_ =	sdelay $0x1  }
0xa1: {  	s23 =	simm.s32 $0x1B8B  }
0xa2: {  	_ =	swait.ge [sflag:s23], $0x1  }
0xa3: {  	[sflag:s23] =	ssyncset.done $0x0  }
0xa4: {  	s25 =	simm.s32 $0x1B8E;
	s24 =	sld [smem:$0x3FFE];
	[sflag:s23] =	ssyncadd.s32 $0xFFFFFFFF  }
0xa5: {  	s26 =	simm.s32 $execute0_lowered;
	[smem:$0x3FD2] =	sst s25  }
0xa6: {  	s5 =	sshll.u32 s26, $0x1;
	_ =	strace $0x8000004C;
	[dreg:$0x1] =	wrdreg $0xFFFFFFFF  }
0xa7: {  	s28 =	simm.s32 $_size_execute0_lowered;
	s3 =	sadd.s32 s3, s5;
	[dreg:$0x0] =	wrdreg $0x0  }
0xa8: {  	s5 =	sshll.u32 s28, $0x1;
	[dreg:$0x2] =	wrdreg s3  }
0xa9: {  	[dreg:$0x3] =	wrdreg s5  }
0xaa: {  	[dreg:$0x4] =	wrdreg $0xC0  }
0xab: {  	_ =	task [dreg:s7], $0x5FFFF  }
0xac: {  	[dreg:$0x1] =	wrdreg $0xFFFFFFFF  }
0xad: {  	[dreg:$0x0] =	wrdreg $0x60  }
0xae: {  	[dreg:$0x2] =	wrdreg s24  }
0xaf: {  	[dreg:$0x3] =	wrdreg s2  }
0xb0: {  	[dreg:$0x4] =	wrdreg $0x9  }
0xb1: {  	_ =	task.clear_ibuf [dreg:s7], $0x5FFFF;
	_ =	strace $0x9000004C  }
0xb2: {  	s29 =	simm.s32 $0x9;
	_ =	strace $0x8000004E  }
0xb3: {  	_ =	swait.ge [sflag:s29], $0x1  }
0xb4: {  	[sflag:s29] =	ssyncadd.s32 $0xFFFFFFFF  }
0xb5: {  	_ =	strace $0x9000004E  }
0xb6: {  	_ =	sfence  }
0xb7: {  	s30 =	sld [smem:$0x0];
	_ =	sdelay $0x2  }
0xb8: {  	s31 =	sshll.u32 s1, $0xD;
	s1 =	sshrl.u32 s1, $0x2  }
0xb9: {  	s3 =	sand.u32 $0x4000, s31;
	s1 =	sadd.s32 s1, s30  }
0xba: {  	s0 =	sor.u32 s3, s0;
	s1 =	sshll.u32 s1, $0x11  }
0xbb: {  	s0 =	sor.u32 s1, s0  }
0xbc: {  	s0 =	sadd.s32 $0x8F2B, s0  }
0xbd: {  	[sflag:s0] =	ssyncadd.remote.s32 $0x1  }
0xbe: {  	_ =	sfence.sel $0xFFFF  }
0xbf: {  	[dreg:$0x0] =	wrdreg $0xFFFFFFFF;
	(pc) =	sbr.abs _section_cstart, $3  }
0xc0: {  	[dreg:$0x1] =	wrdreg $0xFFFFFFFF  }
0xc1: {  	_ =	task.clear_ibuf [dreg:s7], $0x2FFFF;
	_ =	strace $0x9FFFFFFF  }
0xc2: {  	(tm) =	ssettm $0x7FFFFFFF  }
0xc3: {  	_ =	shalt  }
tec
execute0_lowered:
.L_overlay_start_1:
0x0: {  	(tag) =	ssettag $0x1  }
0x1: {  	s0 =	rddreg [dreg:$0x0]  }
0x2: {  	s1 =	rddreg [dreg:$0x1]  }
0x3: {  	s3 =	srdreg.scid;
	s4 =	stileid.u32;
	s2 =	simm.s32 $0x0  }
0x4: {  	s10 =	simm.s32 $0x80;
	s11 =	simm.s32 $0x1;
	s12 =	simm.s32 $0x2  }
0x5: {  	s13 =	simm.s32 $0x300;
	s14 =	simm.s32 $0x13B00;
	s15 =	simm.s32 $0x14300  }
0x6: {  	v10 =	vlaneseq.u32;
	s16 =	simm.s32 $0x14B00;
	s17 =	simm.s32 $0x15300;
	s18 =	simm.s32 $0x15B00  }
0x7: {  	s19 =	simm.s32 $0x16300;
	s20 =	simm.s32 $0x16B00;
	s21 =	simm.s32 $0x17300;
	v0 =	vmul.u32 $0x2, v10  }
0x8: {  	s22 =	simm.s32 $0x17B00;
	s23 =	simm.s32 $0x200;
	s24 =	simm.s32 $0x280  }
0x9: {  	s25 =	simm.s32 $0x3;
	s26 =	simm.s32 $0x0;
	[smem:$0x7FF] =	sst s2;
	v1 =	vor.u32 $0x1, v0  }
0xa: {  	s3 =	sand.u32 $0x1, s3;
	s4 =	sshll.u32 s4, $0x1;
	_ =	strace $0x8000004D;
	[tilespmem:$0x1FFA0] =	vst v1;
	v1 =	vor.u32 $0x20, v0  }
0xb: {  	s5 =	sor.u32 s3, s4;
	s6 =	ssub.s32 $0x2, s3;
	s3 =	sadd.s32 $0x61A00, s0;
	[tilespmem:$0x1FFB0] =	vst v1;
	v1 =	vor.u32 $0x21, v0  }
0xc: {  	s4 =	sshll.u32 s5, $0x4;
	s31 =	sshrl.u32 s6, $0x1;
	s8 =	smul.u32 $0x1800, s5;
	[tilespmem:$0x1FFC0] =	vst v1;
	v1 =	vor.u32 $0x40, v0  }
0xd: {  	vm0 =	vmmov $0xffff;
	s7 =	sadd.s32 s4, s0;
	s9 =	ssub.s32 s6, s31;
	s6 =	sadd.s32 $0x61B00, s0;
	[tilespmem:$0x1FFD0] =	vst v1;
	v1 =	vor.u32 $0x41, v0  }
0xe: {  	v9 =	vshrl.u32 v10, $0x3;
	v8 =	vand.u32 $0x7, v10;
	s4 =	sadd.s32 $0x61600, s7;
	s5 =	sadd.s32 $0x61800, s7;
	s7 =	sadd.s32 $0x61C00, s0;
	[tilespmem:$0x1FFE0] =	vst v1;
	v1 =	vor.u32 $0x60, v0  }
0xf: {  	v10 =	vor.u32 $0x8, v10;
	v9 =	vmul.u32 $0x8, v9;
	v7 =	vor.u32 $0x61, v0;
	s8 =	sadd.s32 s1, s8;
	s9 =	smax.u32 s9, $0x1;
	s1 =	simm.s32 $0x13300;
	[tilespmem:$0x1FFF0] =	vst v1  }
.LBB2_1:
0x10: {  	[tilespmem:s2], [sflag:$0x1] =	stream.linear.gather [hbm4b:s4+s2], $0x80, $0x38;
	[tilespmem:$0x18300] =	vst v63  }
0x11: {  	_ = 	snop  }
0x12: {  	[tilespmem:s10], [sflag:$0x2] =	stream.linear.gather [hbm4b:s5+s2], $0x80, $0x38;
	[tilespmem:$0x18300] =	vst v63  }
0x13: {  	_ =	swait.ge [sflag:s11], $0x80  }
0x14: {  	[sflag:s11] =	ssyncset.done $0x0  }
0x15: {  	[sflag:s11] =	ssyncadd.s32 $0xFFFFFF80  }
0x16: {  	_ =	swait.ge [sflag:s12], $0x80  }
0x17: {  	[sflag:s12] =	ssyncset.done $0x0;
	v1 =	vld [tilespmem:$0x1FFA0]  }
0x18: {  	[sflag:s12] =	ssyncadd.s32 $0xFFFFFF80  }
0x19: {  	v11 =	vld.idx.msk [tilespmem:v0+s2+$0x0], $0xffff;
	_ =	sdelay $0x4  }
0x1a: {  	[tilespmem:$0x100] =	vst v11  }
0x1b: {  	v11 =	vld.idx.msk [tilespmem:v1+s2+$0x0], $0xffff;
	_ =	sdelay $0x4  }
0x1c: {  	[tilespmem:$0x180] =	vst v11  }
0x1d: {  	v11 =	vld.idx.msk [tilespmem:v0+s10+$0x0], $0xffff;
	_ =	sdelay $0x4  }
0x1e: {  	[tilespmem:$0x200] =	vst v11  }
0x1f: {  	v11 =	vld.idx.msk [tilespmem:v1+s10+$0x0], $0xffff  }
0x20: {  	v1 =	vld [tilespmem:$0x1FFB0];
	_ =	sdelay $0x5  }
0x21: {  	v2 =	vld [tilespmem:$0x1FFC0]  }
0x22: {  	[tilespmem:$0x280] =	vst v11  }
0x23: {  	v11 =	vld.idx.msk [tilespmem:v1+s2+$0x0], $0xffff;
	_ =	sdelay $0x4  }
0x24: {  	[tilespmem:$0x110] =	vst v11  }
0x25: {  	v11 =	vld.idx.msk [tilespmem:v2+s2+$0x0], $0xffff;
	_ =	sdelay $0x4  }
0x26: {  	[tilespmem:$0x190] =	vst v11  }
0x27: {  	v11 =	vld.idx.msk [tilespmem:v1+s10+$0x0], $0xffff;
	_ =	sdelay $0x3  }
0x28: {  	v1 =	vld [tilespmem:$0x1FFD0]  }
0x29: {  	[tilespmem:$0x210] =	vst v11  }
0x2a: {  	v11 =	vld.idx.msk [tilespmem:v2+s10+$0x0], $0xffff;
	_ =	sdelay $0x3  }
0x2b: {  	v2 =	vld [tilespmem:$0x1FFE0]  }
0x2c: {  	[tilespmem:$0x290] =	vst v11  }
0x2d: {  	v11 =	vld.idx.msk [tilespmem:v1+s2+$0x0], $0xffff;
	_ =	sdelay $0x4  }
0x2e: {  	[tilespmem:$0x120] =	vst v11  }
0x2f: {  	v11 =	vld.idx.msk [tilespmem:v2+s2+$0x0], $0xffff;
	_ =	sdelay $0x4  }
0x30: {  	[tilespmem:$0x1A0] =	vst v11  }
0x31: {  	v11 =	vld.idx.msk [tilespmem:v1+s10+$0x0], $0xffff;
	_ =	sdelay $0x3  }
0x32: {  	v1 =	vld [tilespmem:$0x1FFF0]  }
0x33: {  	[tilespmem:$0x220] =	vst v11  }
0x34: {  	v11 =	vld.idx.msk [tilespmem:v2+s10+$0x0], $0xffff;
	_ =	sdelay $0x4  }
0x35: {  	[tilespmem:$0x2A0] =	vst v11  }
0x36: {  	v11 =	vld.idx.msk [tilespmem:v1+s2+$0x0], $0xffff;
	_ =	sdelay $0x4  }
0x37: {  	[tilespmem:$0x130] =	vst v11  }
0x38: {  	v11 =	vld.idx.msk [tilespmem:v7+s2+$0x0], $0xffff;
	_ =	sdelay $0x1  }
0x39: {  	v12 =	vld [tilespmem:$0x100];
	_ =	sdelay $0x2  }
0x3a: {  	[tilespmem:$0x1B0] =	vst v11  }
0x3b: {  	v11 =	vld.idx.msk [tilespmem:v1+s10+$0x0], $0xffff  }
0x3c: {  	v13 =	vshrl.u32 v12, $0x3  }
0x3d: {  	v13 =	vmul.u32 $0x30, v13  }
0x3e: {  	v12 =	vand.u32 $0x7, v12  }
0x3f: {  	v12 =	vor.u32 v12, v13  }
0x40: {  	[tilespmem:$0x230] =	vst v11;
	v11 =	vperm.xlane v12, v8  }
0x41: {  	v13 =	vld.idx.msk [tilespmem:v7+s10+$0x0], $0xffff  }
0x42: {  	v11 =	vadd.s32 v9, v11;
	_ =	sdelay $0x3  }
0x43: {  	v12 =	vperm.xlane v12, v10;
	[tilespmem:$0x2B0] =	vst v13  }
0x44: {  	[tilespmem:s13], [sflag:$0x1] =	stream.indirect_vreg.gather [hbm4b:s3+s2], $0x80, v11, vm0, $0xb8;
	[tilespmem:$0x18300] =	vst v63  }
0x45: {  	s0 =	simm.s32 $0xB00;
	v12 =	vadd.s32 v9, v12  }
0x46: {  	[tilespmem:s0], [sflag:$0x1] =	stream.indirect_vreg.gather [hbm4b:s6+s2], $0x80, v11, vm0, $0xb8;
	[tilespmem:$0x18300] =	vst v63  }
0x47: {  	s31 =	simm.s32 $0x1300  }
0x48: {  	[tilespmem:s31], [sflag:$0x1] =	stream.indirect_vreg.gather [hbm4b:s7+s2], $0x80, v11, vm0, $0xb8;
	[tilespmem:$0x18300] =	vst v63  }
0x49: {  	s31 =	simm.s32 $0x1B00  }
0x4a: {  	[tilespmem:s31], [sflag:$0x1] =	stream.indirect_vreg.gather [hbm4b:s3+s2], $0x80, v12, vm0, $0xb8;
	[tilespmem:$0x18300] =	vst v63  }
0x4b: {  	s31 =	simm.s32 $0x2300  }
0x4c: {  	[tilespmem:s31], [sflag:$0x1] =	stream.indirect_vreg.gather [hbm4b:s6+s2], $0x80, v12, vm0, $0xb8;
	[tilespmem:$0x18300] =	vst v63  }
0x4d: {  	s31 =	simm.s32 $0x2B00  }
0x4e: {  	[tilespmem:s31], [sflag:$0x1] =	stream.indirect_vreg.gather [hbm4b:s7+s2], $0x80, v12, vm0, $0xb8;
	[tilespmem:$0x18300] =	vst v63  }
0x4f: {  	v11 =	vld [tilespmem:$0x110];
	_ =	sdelay $0x4  }
0x50: {  	v12 =	vshrl.u32 v11, $0x3  }
0x51: {  	v12 =	vmul.u32 $0x30, v12  }
0x52: {  	v11 =	vand.u32 $0x7, v11  }
0x53: {  	v11 =	vor.u32 v11, v12  }
0x54: {  	v12 =	vperm.xlane v11, v8;
	_ =	sdelay $0x1  }
0x55: {  	v12 =	vadd.s32 v9, v12;
	_ =	sdelay $0x3  }
0x56: {  	s31 =	simm.s32 $0x3300;
	v11 =	vperm.xlane v11, v10  }
0x57: {  	[tilespmem:s31], [sflag:$0x1] =	stream.indirect_vreg.gather [hbm4b:s3+s2], $0x80, v12, vm0, $0xb8;
	[tilespmem:$0x18300] =	vst v63  }
0x58: {  	v11 =	vadd.s32 v9, v11;
	s31 =	simm.s32 $0x3B00  }
0x59: {  	[tilespmem:s31], [sflag:$0x1] =	stream.indirect_vreg.gather [hbm4b:s6+s2], $0x80, v12, vm0, $0xb8;
	[tilespmem:$0x18300] =	vst v63  }
0x5a: {  	s31 =	simm.s32 $0x4300  }
0x5b: {  	[tilespmem:s31], [sflag:$0x1] =	stream.indirect_vreg.gather [hbm4b:s7+s2], $0x80, v12, vm0, $0xb8;
	[tilespmem:$0x18300] =	vst v63  }
0x5c: {  	s31 =	simm.s32 $0x4B00  }
0x5d: {  	[tilespmem:s31], [sflag:$0x1] =	stream.indirect_vreg.gather [hbm4b:s3+s2], $0x80, v11, vm0, $0xb8;
	[tilespmem:$0x18300] =	vst v63  }
0x5e: {  	s31 =	simm.s32 $0x5300  }
0x5f: {  	[tilespmem:s31], [sflag:$0x1] =	stream.indirect_vreg.gather [hbm4b:s6+s2], $0x80, v11, vm0, $0xb8;
	[tilespmem:$0x18300] =	vst v63  }
0x60: {  	s31 =	simm.s32 $0x5B00  }
0x61: {  	[tilespmem:s31], [sflag:$0x1] =	stream.indirect_vreg.gather [hbm4b:s7+s2], $0x80, v11, vm0, $0xb8;
	[tilespmem:$0x18300] =	vst v63  }
0x62: {  	v11 =	vld [tilespmem:$0x120];
	_ =	sdelay $0x4  }
0x63: {  	v12 =	vshrl.u32 v11, $0x3  }
0x64: {  	v12 =	vmul.u32 $0x30, v12  }
0x65: {  	v11 =	vand.u32 $0x7, v11  }
0x66: {  	v11 =	vor.u32 v11, v12  }
0x67: {  	v12 =	vperm.xlane v11, v8;
	_ =	sdelay $0x1  }
0x68: {  	v12 =	vadd.s32 v9, v12;
	_ =	sdelay $0x3  }
0x69: {  	s31 =	simm.s32 $0x6300;
	v11 =	vperm.xlane v11, v10  }
0x6a: {  	[tilespmem:s31], [sflag:$0x1] =	stream.indirect_vreg.gather [hbm4b:s3+s2], $0x80, v12, vm0, $0xb8;
	[tilespmem:$0x18300] =	vst v63  }
0x6b: {  	v11 =	vadd.s32 v9, v11;
	s31 =	simm.s32 $0x6B00  }
0x6c: {  	[tilespmem:s31], [sflag:$0x1] =	stream.indirect_vreg.gather [hbm4b:s6+s2], $0x80, v12, vm0, $0xb8;
	[tilespmem:$0x18300] =	vst v63  }
0x6d: {  	s31 =	simm.s32 $0x7300  }
0x6e: {  	[tilespmem:s31], [sflag:$0x1] =	stream.indirect_vreg.gather [hbm4b:s7+s2], $0x80, v12, vm0, $0xb8;
	[tilespmem:$0x18300] =	vst v63  }
0x6f: {  	s31 =	simm.s32 $0x7B00  }
0x70: {  	[tilespmem:s31], [sflag:$0x1] =	stream.indirect_vreg.gather [hbm4b:s3+s2], $0x80, v11, vm0, $0xb8;
	[tilespmem:$0x18300] =	vst v63  }
0x71: {  	s31 =	simm.s32 $0x8300  }
0x72: {  	[tilespmem:s31], [sflag:$0x1] =	stream.indirect_vreg.gather [hbm4b:s6+s2], $0x80, v11, vm0, $0xb8;
	[tilespmem:$0x18300] =	vst v63  }
0x73: {  	s31 =	simm.s32 $0x8B00  }
0x74: {  	[tilespmem:s31], [sflag:$0x1] =	stream.indirect_vreg.gather [hbm4b:s7+s2], $0x80, v11, vm0, $0xb8;
	[tilespmem:$0x18300] =	vst v63  }
0x75: {  	v11 =	vld [tilespmem:$0x130];
	_ =	sdelay $0x4  }
0x76: {  	v12 =	vshrl.u32 v11, $0x3  }
0x77: {  	v12 =	vmul.u32 $0x30, v12  }
0x78: {  	v11 =	vand.u32 $0x7, v11  }
0x79: {  	v11 =	vor.u32 v11, v12  }
0x7a: {  	v12 =	vperm.xlane v11, v8;
	_ =	sdelay $0x1  }
0x7b: {  	v12 =	vadd.s32 v9, v12;
	_ =	sdelay $0x3  }
0x7c: {  	s31 =	simm.s32 $0x9300;
	v11 =	vperm.xlane v11, v10  }
0x7d: {  	[tilespmem:s31], [sflag:$0x1] =	stream.indirect_vreg.gather [hbm4b:s3+s2], $0x80, v12, vm0, $0xb8;
	[tilespmem:$0x18300] =	vst v63  }
0x7e: {  	v11 =	vadd.s32 v9, v11;
	s31 =	simm.s32 $0x9B00  }
0x7f: {  	[tilespmem:s31], [sflag:$0x1] =	stream.indirect_vreg.gather [hbm4b:s6+s2], $0x80, v12, vm0, $0xb8;
	[tilespmem:$0x18300] =	vst v63  }
0x80: {  	s31 =	simm.s32 $0xA300  }
0x81: {  	[tilespmem:s31], [sflag:$0x1] =	stream.indirect_vreg.gather [hbm4b:s7+s2], $0x80, v12, vm0, $0xb8;
	[tilespmem:$0x18300] =	vst v63  }
0x82: {  	s31 =	simm.s32 $0xAB00  }
0x83: {  	[tilespmem:s31], [sflag:$0x1] =	stream.indirect_vreg.gather [hbm4b:s3+s2], $0x80, v11, vm0, $0xb8;
	[tilespmem:$0x18300] =	vst v63  }
0x84: {  	s31 =	simm.s32 $0xB300  }
0x85: {  	[tilespmem:s31], [sflag:$0x1] =	stream.indirect_vreg.gather [hbm4b:s6+s2], $0x80, v11, vm0, $0xb8;
	[tilespmem:$0x18300] =	vst v63  }
0x86: {  	s31 =	simm.s32 $0xBB00  }
0x87: {  	[tilespmem:s31], [sflag:$0x1] =	stream.indirect_vreg.gather [hbm4b:s7+s2], $0x80, v11, vm0, $0xb8;
	[tilespmem:$0x18300] =	vst v63  }
0x88: {  	v11 =	vld [tilespmem:$0x180];
	_ =	sdelay $0x4  }
0x89: {  	v12 =	vshrl.u32 v11, $0x3  }
0x8a: {  	v12 =	vmul.u32 $0x30, v12  }
0x8b: {  	v11 =	vand.u32 $0x7, v11  }
0x8c: {  	v11 =	vor.u32 v11, v12  }
0x8d: {  	v12 =	vperm.xlane v11, v8;
	_ =	sdelay $0x1  }
0x8e: {  	v12 =	vadd.s32 v9, v12;
	_ =	sdelay $0x3  }
0x8f: {  	s31 =	simm.s32 $0xC300;
	v11 =	vperm.xlane v11, v10  }
0x90: {  	[tilespmem:s31], [sflag:$0x2] =	stream.indirect_vreg.gather [hbm4b:s3+s2], $0x80, v12, vm0, $0xb8;
	[tilespmem:$0x18300] =	vst v63  }
0x91: {  	v11 =	vadd.s32 v9, v11;
	s31 =	simm.s32 $0xCB00  }
0x92: {  	[tilespmem:s31], [sflag:$0x2] =	stream.indirect_vreg.gather [hbm4b:s6+s2], $0x80, v12, vm0, $0xb8;
	[tilespmem:$0x18300] =	vst v63  }
0x93: {  	s31 =	simm.s32 $0xD300  }
0x94: {  	[tilespmem:s31], [sflag:$0x2] =	stream.indirect_vreg.gather [hbm4b:s7+s2], $0x80, v12, vm0, $0xb8;
	[tilespmem:$0x18300] =	vst v63  }
0x95: {  	s31 =	simm.s32 $0xDB00  }
0x96: {  	[tilespmem:s31], [sflag:$0x2] =	stream.indirect_vreg.gather [hbm4b:s3+s2], $0x80, v11, vm0, $0xb8;
	[tilespmem:$0x18300] =	vst v63  }
0x97: {  	s31 =	simm.s32 $0xE300  }
0x98: {  	[tilespmem:s31], [sflag:$0x2] =	stream.indirect_vreg.gather [hbm4b:s6+s2], $0x80, v11, vm0, $0xb8;
	[tilespmem:$0x18300] =	vst v63  }
0x99: {  	s31 =	simm.s32 $0xEB00  }
0x9a: {  	[tilespmem:s31], [sflag:$0x2] =	stream.indirect_vreg.gather [hbm4b:s7+s2], $0x80, v11, vm0, $0xb8;
	[tilespmem:$0x18300] =	vst v63  }
0x9b: {  	v11 =	vld [tilespmem:$0x190];
	_ =	sdelay $0x4  }
0x9c: {  	v12 =	vshrl.u32 v11, $0x3  }
0x9d: {  	v12 =	vmul.u32 $0x30, v12  }
0x9e: {  	v11 =	vand.u32 $0x7, v11  }
0x9f: {  	v11 =	vor.u32 v11, v12  }
0xa0: {  	v12 =	vperm.xlane v11, v8;
	_ =	sdelay $0x1  }
0xa1: {  	v12 =	vadd.s32 v9, v12;
	_ =	sdelay $0x3  }
0xa2: {  	s31 =	simm.s32 $0xF300;
	v11 =	vperm.xlane v11, v10  }
0xa3: {  	[tilespmem:s31], [sflag:$0x2] =	stream.indirect_vreg.gather [hbm4b:s3+s2], $0x80, v12, vm0, $0xb8;
	[tilespmem:$0x18300] =	vst v63  }
0xa4: {  	v11 =	vadd.s32 v9, v11;
	s31 =	simm.s32 $0xFB00  }
0xa5: {  	[tilespmem:s31], [sflag:$0x2] =	stream.indirect_vreg.gather [hbm4b:s6+s2], $0x80, v12, vm0, $0xb8;
	[tilespmem:$0x18300] =	vst v63  }
0xa6: {  	s31 =	simm.s32 $0x10300  }
0xa7: {  	[tilespmem:s31], [sflag:$0x2] =	stream.indirect_vreg.gather [hbm4b:s7+s2], $0x80, v12, vm0, $0xb8;
	[tilespmem:$0x18300] =	vst v63  }
0xa8: {  	s31 =	simm.s32 $0x10B00  }
0xa9: {  	[tilespmem:s31], [sflag:$0x2] =	stream.indirect_vreg.gather [hbm4b:s3+s2], $0x80, v11, vm0, $0xb8;
	[tilespmem:$0x18300] =	vst v63  }
0xaa: {  	s31 =	simm.s32 $0x11300  }
0xab: {  	[tilespmem:s31], [sflag:$0x2] =	stream.indirect_vreg.gather [hbm4b:s6+s2], $0x80, v11, vm0, $0xb8;
	[tilespmem:$0x18300] =	vst v63  }
0xac: {  	s31 =	simm.s32 $0x11B00  }
0xad: {  	[tilespmem:s31], [sflag:$0x2] =	stream.indirect_vreg.gather [hbm4b:s7+s2], $0x80, v11, vm0, $0xb8;
	[tilespmem:$0x18300] =	vst v63  }
0xae: {  	v11 =	vld [tilespmem:$0x1A0];
	_ =	sdelay $0x4  }
0xaf: {  	v12 =	vshrl.u32 v11, $0x3  }
0xb0: {  	v12 =	vmul.u32 $0x30, v12  }
0xb1: {  	v11 =	vand.u32 $0x7, v11  }
0xb2: {  	v11 =	vor.u32 v11, v12  }
0xb3: {  	v12 =	vperm.xlane v11, v8;
	_ =	sdelay $0x1  }
0xb4: {  	v12 =	vadd.s32 v9, v12;
	_ =	sdelay $0x3  }
0xb5: {  	s31 =	simm.s32 $0x12300;
	v11 =	vperm.xlane v11, v10  }
0xb6: {  	[tilespmem:s31], [sflag:$0x2] =	stream.indirect_vreg.gather [hbm4b:s3+s2], $0x80, v12, vm0, $0xb8;
	[tilespmem:$0x18300] =	vst v63  }
0xb7: {  	v11 =	vadd.s32 v9, v11;
	s31 =	simm.s32 $0x12B00  }
0xb8: {  	[tilespmem:s31], [sflag:$0x2] =	stream.indirect_vreg.gather [hbm4b:s6+s2], $0x80, v12, vm0, $0xb8;
	[tilespmem:$0x18300] =	vst v63  }
0xb9: {  	_ = 	snop  }
0xba: {  	[tilespmem:s1], [sflag:$0x2] =	stream.indirect_vreg.gather [hbm4b:s7+s2], $0x80, v12, vm0, $0xb8;
	[tilespmem:$0x18300] =	vst v63  }
0xbb: {  	_ = 	snop  }
0xbc: {  	[tilespmem:s14], [sflag:$0x2] =	stream.indirect_vreg.gather [hbm4b:s3+s2], $0x80, v11, vm0, $0xb8;
	[tilespmem:$0x18300] =	vst v63  }
0xbd: {  	_ = 	snop  }
0xbe: {  	[tilespmem:s15], [sflag:$0x2] =	stream.indirect_vreg.gather [hbm4b:s6+s2], $0x80, v11, vm0, $0xb8;
	[tilespmem:$0x18300] =	vst v63  }
0xbf: {  	_ = 	snop  }
0xc0: {  	[tilespmem:s16], [sflag:$0x2] =	stream.indirect_vreg.gather [hbm4b:s7+s2], $0x80, v11, vm0, $0xb8;
	[tilespmem:$0x18300] =	vst v63  }
0xc1: {  	v11 =	vld [tilespmem:$0x1B0];
	_ =	sdelay $0x4  }
0xc2: {  	v12 =	vshrl.u32 v11, $0x3  }
0xc3: {  	v12 =	vmul.u32 $0x30, v12  }
0xc4: {  	v11 =	vand.u32 $0x7, v11  }
0xc5: {  	v11 =	vor.u32 v11, v12  }
0xc6: {  	v12 =	vperm.xlane v11, v8;
	_ =	sdelay $0x1  }
0xc7: {  	v12 =	vadd.s32 v9, v12;
	_ =	sdelay $0x3  }
0xc8: {  	v11 =	vperm.xlane v11, v10  }
0xc9: {  	[tilespmem:s17], [sflag:$0x2] =	stream.indirect_vreg.gather [hbm4b:s3+s2], $0x80, v12, vm0, $0xb8;
	[tilespmem:$0x18300] =	vst v63  }
0xca: {  	v11 =	vadd.s32 v9, v11  }
0xcb: {  	[tilespmem:s18], [sflag:$0x2] =	stream.indirect_vreg.gather [hbm4b:s6+s2], $0x80, v12, vm0, $0xb8;
	[tilespmem:$0x18300] =	vst v63  }
0xcc: {  	_ = 	snop  }
0xcd: {  	[tilespmem:s19], [sflag:$0x2] =	stream.indirect_vreg.gather [hbm4b:s7+s2], $0x80, v12, vm0, $0xb8;
	[tilespmem:$0x18300] =	vst v63  }
0xce: {  	_ = 	snop  }
0xcf: {  	[tilespmem:s20], [sflag:$0x2] =	stream.indirect_vreg.gather [hbm4b:s3+s2], $0x80, v11, vm0, $0xb8;
	[tilespmem:$0x18300] =	vst v63  }
0xd0: {  	_ = 	snop  }
0xd1: {  	[tilespmem:s21], [sflag:$0x2] =	stream.indirect_vreg.gather [hbm4b:s6+s2], $0x80, v11, vm0, $0xb8;
	[tilespmem:$0x18300] =	vst v63  }
0xd2: {  	_ = 	snop  }
0xd3: {  	[tilespmem:s22], [sflag:$0x2] =	stream.indirect_vreg.gather [hbm4b:s7+s2], $0x80, v11, vm0, $0xb8;
	[tilespmem:$0x18300] =	vst v63  }
0xd4: {  	_ =	swait.ge [sflag:s11], $0xC000  }
0xd5: {  	[sflag:s11] =	ssyncset.done $0x0  }
0xd6: {  	s28 =	simm.s32 $0x0;
	[sflag:s11] =	ssyncadd.s32 $0xFFFF4000  }
0xd7: {  	s28 =	smul.u32 $0x1800, s28;
	_ =	swait.ge [sflag:s12], $0xC000  }
0xd8: {  	s29 =	sand.u32 $0x380, s2;
	[sflag:s12] =	ssyncset.done $0x0  }
0xd9: {  	s28 =	sor.u32 s29, s28;
	[sflag:s12] =	ssyncadd.s32 $0xFFFF4000  }
0xda: {  	v12 =	vld [tilespmem:s28+$0x310]  }
0xdb: {  	v11 =	vld [tilespmem:s28+$0xC310]  }
0xdc: {  	v14 =	vld [tilespmem:s28+$0x320]  }
0xdd: {  	v13 =	vld [tilespmem:s28+$0xC320]  }
0xde: {  	v16 =	vld [tilespmem:s28+$0x330]  }
0xdf: {  	v15 =	vld [tilespmem:s28+$0xC330]  }
0xe0: {  	v18 =	vld [tilespmem:s28+$0x340]  }
0xe1: {  	v17 =	vld [tilespmem:s28+$0xC340]  }
0xe2: {  	v20 =	vld [tilespmem:s28+$0x350]  }
0xe3: {  	v19 =	vld [tilespmem:s28+$0xC350]  }
0xe4: {  	v21 =	vld [tilespmem:s28+$0x360]  }
0xe5: {  	v22 =	vld [tilespmem:s28+$0x370]  }
0xe6: {  	v23 =	vld [tilespmem:s28+$0x700]  }
0xe7: {  	v24 =	vld [tilespmem:s28+$0x710]  }
0xe8: {  	v25 =	vld [tilespmem:s28+$0x720]  }
0xe9: {  	v26 =	vld [tilespmem:s28+$0x730]  }
0xea: {  	v27 =	vld [tilespmem:s28+$0x740]  }
0xeb: {  	v28 =	vld [tilespmem:s28+$0x750]  }
0xec: {  	v29 =	vld [tilespmem:s28+$0x760]  }
0xed: {  	v30 =	vld [tilespmem:s28+$0x770]  }
0xee: {  	v31 =	vld [tilespmem:s28+$0xB00]  }
0xef: {  	v32 =	vld [tilespmem:s28+$0xB10]  }
0xf0: {  	v33 =	vld [tilespmem:s28+$0xB20]  }
0xf1: {  	v34 =	vld [tilespmem:s28+$0xB30]  }
0xf2: {  	v35 =	vld [tilespmem:s28+$0xB40]  }
0xf3: {  	v36 =	vld [tilespmem:s28+$0xB50]  }
0xf4: {  	v37 =	vld [tilespmem:s28+$0xB60]  }
0xf5: {  	v38 =	vld [tilespmem:s28+$0xB70]  }
0xf6: {  	v40 =	vld [tilespmem:s28+$0xF00]  }
0xf7: {  	v42 =	vld [tilespmem:s28+$0xF10]  }
0xf8: {  	v43 =	vld [tilespmem:s28+$0xF20]  }
0xf9: {  	v44 =	vld [tilespmem:s28+$0xF30]  }
0xfa: {  	v45 =	vld [tilespmem:s28+$0xF40]  }
0xfb: {  	v46 =	vld [tilespmem:s28+$0xF50]  }
0xfc: {  	v47 =	vld [tilespmem:s28+$0xF60]  }
0xfd: {  	v48 =	vld [tilespmem:s28+$0xF70]  }
0xfe: {  	v49 =	vld [tilespmem:s28+$0x1300]  }
0xff: {  	v50 =	vld [tilespmem:s28+$0x1310]  }
0x100: {  	v51 =	vld [tilespmem:s28+$0x1320]  }
0x101: {  	v52 =	vld [tilespmem:s28+$0x1330]  }
0x102: {  	v53 =	vld [tilespmem:s28+$0x1340]  }
0x103: {  	v54 =	vld [tilespmem:s28+$0x1350]  }
0x104: {  	v55 =	vld [tilespmem:s28+$0x1360]  }
0x105: {  	v58 =	vmov s2;
	v56 =	vld [tilespmem:s28+$0x1700]  }
0x106: {  	s30 =	simm.s32 $0x0;
	s29 =	simm.s32 $0x1;
	v57 =	vld [tilespmem:s28+$0x1710]  }
.LBB2_2:
0x107: {  	p0 =	sne.s32 s29, $0x3F;
	v59 =	vld [tilespmem:s28+$0xD710]  }
0x108: {  	v60 =	vld [tilespmem:s28+$0xD730]  }
0x109: {  	v61 =	vld [tilespmem:s28+$0x1720]  }
0x10a: {  	v41 =	vld.idx.msk [tilespmem:v58+s23+$0x0], $0xffff  }
0x10b: {  	v39 =	vld.idx.msk [tilespmem:v58+s24+$0x0], $0xffff  }
0x10c: {  	v58 =	vld [tilespmem:s28+$0x1730]  }
0x10d: {  	v62 =	vld [tilespmem:s28+$0xD720]  }
0x10e: {  	v63 =	vld [tilespmem:s28+$0xD700]  }
0x10f: {  	v1 =	vld [tilespmem:s28+$0x1370]  }
0x110: {  	v57 =	vmul.f32 v57, v41;
	v61 =	vmul.f32 v61, v41;
	v2 =	vld [tilespmem:s28+$0xD370]  }
0x111: {  	v60 =	vmul.f32 v60, v39;
	v3 =	vld [tilespmem:s28+$0xD360];
	v58 =	vmul.f32 v58, v41  }
0x112: {  	v59 =	vmul.f32 v59, v39;
	v4 =	vld [tilespmem:s28+$0xD350];
	v62 =	vmul.f32 v62, v39  }
0x113: {  	v56 =	vmul.f32 v56, v41;
	v5 =	vld [tilespmem:s28+$0xD340];
	v63 =	vmul.f32 v63, v39;
	v58 =	vadd.f32 v60, v58  }
0x114: {  	v57 =	vadd.f32 v59, v57;
	v60 =	vld [tilespmem:s28+$0xD330];
	v1 =	vmul.f32 v1, v41;
	v59 =	vadd.f32 v62, v61  }
0x115: {  	v55 =	vmul.f32 v55, v41;
	v61 =	vld [tilespmem:s28+$0xD320];
	v2 =	vmul.f32 v2, v39;
	v56 =	vadd.f32 v63, v56;
	[tilespmem:s28+$0x1730] =	vst v58  }
0x116: {  	v54 =	vmul.f32 v54, v41;
	v58 =	vld [tilespmem:s28+$0xD310];
	v3 =	vmul.f32 v3, v39;
	[tilespmem:s28+$0x1720] =	vst v59  }
0x117: {  	v53 =	vmul.f32 v53, v41;
	v59 =	vld [tilespmem:s28+$0xD300];
	v4 =	vmul.f32 v4, v39;
	v1 =	vadd.f32 v2, v1;
	[tilespmem:s28+$0x1710] =	vst v57  }
0x118: {  	v52 =	vmul.f32 v52, v41;
	v2 =	vld [tilespmem:s28+$0xCF70];
	v5 =	vmul.f32 v5, v39;
	v3 =	vadd.f32 v3, v55;
	[tilespmem:s28+$0x1700] =	vst v56  }
0x119: {  	v51 =	vmul.f32 v51, v41;
	v55 =	vld [tilespmem:s28+$0xCF60];
	v56 =	vmul.f32 v60, v39;
	v4 =	vadd.f32 v4, v54;
	[tilespmem:s28+$0x1370] =	vst v1  }
0x11a: {  	v50 =	vmul.f32 v50, v41;
	v1 =	vld [tilespmem:s28+$0xCF50];
	v54 =	vmul.f32 v61, v39;
	v5 =	vadd.f32 v5, v53;
	[tilespmem:s28+$0x1360] =	vst v3  }
0x11b: {  	v49 =	vmul.f32 v49, v41;
	v3 =	vld [tilespmem:s28+$0xCF40];
	v53 =	vmul.f32 v58, v39;
	v52 =	vadd.f32 v56, v52;
	[tilespmem:s28+$0x1350] =	vst v4  }
0x11c: {  	v48 =	vmul.f32 v48, v41;
	v4 =	vld [tilespmem:s28+$0xCF30];
	v56 =	vmul.f32 v59, v39;
	v51 =	vadd.f32 v54, v51;
	[tilespmem:s28+$0x1340] =	vst v5  }
0x11d: {  	v47 =	vmul.f32 v47, v41;
	v5 =	vld [tilespmem:s28+$0xCF20];
	v2 =	vmul.f32 v2, v39;
	v50 =	vadd.f32 v53, v50;
	[tilespmem:s28+$0x1330] =	vst v52  }
0x11e: {  	v46 =	vmul.f32 v46, v41;
	v52 =	vld [tilespmem:s28+$0xCF10];
	v53 =	vmul.f32 v55, v39;
	v49 =	vadd.f32 v56, v49;
	[tilespmem:s28+$0x1320] =	vst v51  }
0x11f: {  	v45 =	vmul.f32 v45, v41;
	v51 =	vld [tilespmem:s28+$0xCF00];
	v1 =	vmul.f32 v1, v39;
	v2 =	vadd.f32 v2, v48;
	[tilespmem:s28+$0x1310] =	vst v50  }
0x120: {  	v44 =	vmul.f32 v44, v41;
	v48 =	vld [tilespmem:s28+$0xCB70];
	v3 =	vmul.f32 v3, v39;
	v47 =	vadd.f32 v53, v47;
	[tilespmem:s28+$0x1300] =	vst v49  }
0x121: {  	v43 =	vmul.f32 v43, v41;
	v49 =	vld [tilespmem:s28+$0xCB60];
	v4 =	vmul.f32 v4, v39;
	v1 =	vadd.f32 v1, v46;
	[tilespmem:s28+$0xF70] =	vst v2  }
0x122: {  	v42 =	vmul.f32 v42, v41;
	v2 =	vld [tilespmem:s28+$0xCB50];
	v5 =	vmul.f32 v5, v39;
	v3 =	vadd.f32 v3, v45;
	[tilespmem:s28+$0xF60] =	vst v47  }
0x123: {  	v40 =	vmul.f32 v40, v41;
	v45 =	vld [tilespmem:s28+$0xCB40];
	v46 =	vmul.f32 v52, v39;
	v4 =	vadd.f32 v4, v44;
	[tilespmem:s28+$0xF50] =	vst v1  }
0x124: {  	v38 =	vmul.f32 v38, v41;
	v1 =	vld [tilespmem:s28+$0xCB30];
	v44 =	vmul.f32 v51, v39;
	v5 =	vadd.f32 v5, v43;
	[tilespmem:s28+$0xF40] =	vst v3  }
0x125: {  	v37 =	vmul.f32 v37, v41;
	v3 =	vld [tilespmem:s28+$0xCB20];
	v43 =	vmul.f32 v48, v39;
	v42 =	vadd.f32 v46, v42;
	[tilespmem:s28+$0xF30] =	vst v4  }
0x126: {  	v36 =	vmul.f32 v36, v41;
	v4 =	vld [tilespmem:s28+$0xCB10];
	v46 =	vmul.f32 v49, v39;
	v40 =	vadd.f32 v44, v40;
	[tilespmem:s28+$0xF20] =	vst v5  }
0x127: {  	v35 =	vmul.f32 v35, v41;
	v5 =	vld [tilespmem:s28+$0xCB00];
	v2 =	vmul.f32 v2, v39;
	v38 =	vadd.f32 v43, v38;
	[tilespmem:s28+$0xF10] =	vst v42  }
0x128: {  	v34 =	vmul.f32 v34, v41;
	v42 =	vld [tilespmem:s28+$0xC770];
	v43 =	vmul.f32 v45, v39;
	v37 =	vadd.f32 v46, v37;
	[tilespmem:s28+$0xF00] =	vst v40  }
0x129: {  	v33 =	vmul.f32 v33, v41;
	v40 =	vld [tilespmem:s28+$0xC760];
	v1 =	vmul.f32 v1, v39;
	v2 =	vadd.f32 v2, v36;
	[tilespmem:s28+$0xB70] =	vst v38  }
0x12a: {  	v32 =	vmul.f32 v32, v41;
	v36 =	vld [tilespmem:s28+$0xC750];
	v3 =	vmul.f32 v3, v39;
	v35 =	vadd.f32 v43, v35;
	[tilespmem:s28+$0xB60] =	vst v37  }
0x12b: {  	v31 =	vmul.f32 v31, v41;
	v37 =	vld [tilespmem:s28+$0xC740];
	v4 =	vmul.f32 v4, v39;
	v1 =	vadd.f32 v1, v34;
	[tilespmem:s28+$0xB50] =	vst v2  }
0x12c: {  	v30 =	vmul.f32 v30, v41;
	v2 =	vld [tilespmem:s28+$0xC730];
	v5 =	vmul.f32 v5, v39;
	v3 =	vadd.f32 v3, v33;
	[tilespmem:s28+$0xB40] =	vst v35  }
0x12d: {  	v29 =	vmul.f32 v29, v41;
	v33 =	vld [tilespmem:s28+$0xC720];
	v34 =	vmul.f32 v42, v39;
	v4 =	vadd.f32 v4, v32;
	[tilespmem:s28+$0xB30] =	vst v1  }
0x12e: {  	v28 =	vmul.f32 v28, v41;
	v1 =	vld [tilespmem:s28+$0xC710];
	v32 =	vmul.f32 v40, v39;
	v5 =	vadd.f32 v5, v31;
	[tilespmem:s28+$0xB20] =	vst v3  }
0x12f: {  	v27 =	vmul.f32 v27, v41;
	v3 =	vld [tilespmem:s28+$0xC700];
	v31 =	vmul.f32 v36, v39;
	v30 =	vadd.f32 v34, v30;
	[tilespmem:s28+$0xB10] =	vst v4  }
0x130: {  	v26 =	vmul.f32 v26, v41;
	v4 =	vld [tilespmem:s28+$0xC370];
	v34 =	vmul.f32 v37, v39;
	v29 =	vadd.f32 v32, v29;
	[tilespmem:s28+$0xB00] =	vst v5  }
0x131: {  	v25 =	vmul.f32 v25, v41;
	v5 =	vld [tilespmem:s28+$0xC360];
	v2 =	vmul.f32 v2, v39;
	v28 =	vadd.f32 v31, v28;
	[tilespmem:s28+$0x770] =	vst v30  }
0x132: {  	v24 =	vmul.f32 v24, v41;
	v30 =	vmul.f32 v33, v39;
	v27 =	vadd.f32 v34, v27;
	[tilespmem:s28+$0x760] =	vst v29;
	v29 =	vld [tilespmem:s28+$0xD740]  }
0x133: {  	v23 =	vmul.f32 v23, v41;
	v1 =	vmul.f32 v1, v39;
	v2 =	vadd.f32 v2, v26;
	[tilespmem:s28+$0x750] =	vst v28;
	v26 =	vld [tilespmem:s28+$0xD750]  }
0x134: {  	v22 =	vmul.f32 v22, v41;
	v3 =	vmul.f32 v3, v39;
	v25 =	vadd.f32 v30, v25;
	[tilespmem:s28+$0x740] =	vst v27;
	v27 =	vld [tilespmem:s28+$0xD760]  }
0x135: {  	v21 =	vmul.f32 v21, v41;
	v4 =	vmul.f32 v4, v39;
	v1 =	vadd.f32 v1, v24;
	[tilespmem:s28+$0x730] =	vst v2;
	v2 =	vld [tilespmem:s28+$0xD770]  }
0x136: {  	v20 =	vmul.f32 v20, v41;
	v5 =	vmul.f32 v5, v39;
	v3 =	vadd.f32 v3, v23;
	[tilespmem:s28+$0x720] =	vst v25;
	v23 =	vld [tilespmem:s28+$0x1740]  }
0x137: {  	v18 =	vmul.f32 v18, v41;
	v19 =	vmul.f32 v19, v39;
	v4 =	vadd.f32 v4, v22;
	[tilespmem:s28+$0x710] =	vst v1;
	v1 =	vld [tilespmem:s28+$0x1750]  }
0x138: {  	v16 =	vmul.f32 v16, v41;
	v17 =	vmul.f32 v17, v39;
	v5 =	vadd.f32 v5, v21;
	[tilespmem:s28+$0x700] =	vst v3;
	v3 =	vld [tilespmem:s28+$0x1760]  }
0x139: {  	v14 =	vmul.f32 v14, v41;
	v15 =	vmul.f32 v15, v39;
	v19 =	vadd.f32 v19, v20;
	[tilespmem:s28+$0x370] =	vst v4;
	v4 =	vld [tilespmem:s28+$0x1770]  }
0x13a: {  	v12 =	vmul.f32 v12, v41;
	v13 =	vmul.f32 v13, v39;
	v17 =	vadd.f32 v17, v18;
	v20 =	vld [tilespmem:s28+$0x300];
	[tilespmem:s28+$0x360] =	vst v5  }
0x13b: {  	v11 =	vmul.f32 v11, v39;
	v15 =	vadd.f32 v15, v16;
	v5 =	vld [tilespmem:s28+$0xC300];
	[tilespmem:s28+$0x350] =	vst v19;
	v16 =	vmul.f32 v23, v41  }
0x13c: {  	s31 =	sshrl.u32 s29, $0x3;
	v13 =	vadd.f32 v13, v14;
	v14 =	vmul.f32 v29, v39;
	[tilespmem:s28+$0x340] =	vst v17;
	v1 =	vmul.f32 v1, v41  }
0x13d: {  	s30 =	sadd.s32 $0x80, s30;
	s31 =	smul.u32 $0x1800, s31;
	v11 =	vadd.f32 v11, v12;
	v12 =	vmul.f32 v26, v39;
	[tilespmem:s28+$0x330] =	vst v15;
	v3 =	vmul.f32 v3, v41  }
0x13e: {  	s0 =	sand.u32 $0x380, s30;
	[tilespmem:s28+$0x320] =	vst v13;
	v13 =	vadd.f32 v14, v16;
	v14 =	vmul.f32 v27, v39;
	v4 =	vmul.f32 v4, v41  }
0x13f: {  	s0 =	sor.u32 s0, s31;
	v2 =	vmul.f32 v2, v39;
	v1 =	vadd.f32 v12, v1;
	v15 =	vmul.f32 v20, v41;
	[tilespmem:s28+$0x310] =	vst v11  }
0x140: {  	v12 =	vld [tilespmem:s0+$0x310];
	v5 =	vmul.f32 v5, v39;
	[tilespmem:s28+$0x1740] =	vst v13;
	v3 =	vadd.f32 v14, v3  }
0x141: {  	v11 =	vld [tilespmem:s0+$0xC310];
	[tilespmem:s28+$0x1750] =	vst v1;
	v1 =	vadd.f32 v2, v4  }
0x142: {  	v14 =	vld [tilespmem:s0+$0x320];
	v2 =	vadd.f32 v5, v15;
	[tilespmem:s28+$0x1760] =	vst v3  }
0x143: {  	v13 =	vld [tilespmem:s0+$0xC320];
	[tilespmem:s28+$0x1770] =	vst v1  }
0x144: {  	v16 =	vld [tilespmem:s0+$0x330];
	[tilespmem:s28+$0x300] =	vst v2;
	s28 =	smov.u32 s0  }
0x145: {  	v15 =	vld [tilespmem:s28+$0xC330]  }
0x146: {  	v18 =	vld [tilespmem:s28+$0x340]  }
0x147: {  	v17 =	vld [tilespmem:s28+$0xC340]  }
0x148: {  	v20 =	vld [tilespmem:s28+$0x350]  }
0x149: {  	v19 =	vld [tilespmem:s28+$0xC350]  }
0x14a: {  	v21 =	vld [tilespmem:s28+$0x360]  }
0x14b: {  	v22 =	vld [tilespmem:s28+$0x370]  }
0x14c: {  	v23 =	vld [tilespmem:s28+$0x700]  }
0x14d: {  	v24 =	vld [tilespmem:s28+$0x710]  }
0x14e: {  	v25 =	vld [tilespmem:s28+$0x720]  }
0x14f: {  	v26 =	vld [tilespmem:s28+$0x730]  }
0x150: {  	v27 =	vld [tilespmem:s28+$0x740]  }
0x151: {  	v28 =	vld [tilespmem:s28+$0x750]  }
0x152: {  	v29 =	vld [tilespmem:s28+$0x760]  }
0x153: {  	v30 =	vld [tilespmem:s28+$0x770]  }
0x154: {  	v31 =	vld [tilespmem:s28+$0xB00]  }
0x155: {  	v32 =	vld [tilespmem:s28+$0xB10]  }
0x156: {  	v33 =	vld [tilespmem:s28+$0xB20]  }
0x157: {  	v34 =	vld [tilespmem:s28+$0xB30]  }
0x158: {  	v35 =	vld [tilespmem:s28+$0xB40]  }
0x159: {  	v36 =	vld [tilespmem:s28+$0xB50]  }
0x15a: {  	v37 =	vld [tilespmem:s28+$0xB60]  }
0x15b: {  	v38 =	vld [tilespmem:s28+$0xB70]  }
0x15c: {  	v40 =	vld [tilespmem:s28+$0xF00]  }
0x15d: {  	v42 =	vld [tilespmem:s28+$0xF10]  }
0x15e: {  	v43 =	vld [tilespmem:s28+$0xF20]  }
0x15f: {  	v44 =	vld [tilespmem:s28+$0xF30]  }
0x160: {  	v45 =	vld [tilespmem:s28+$0xF40]  }
0x161: {  	v46 =	vld [tilespmem:s28+$0xF50]  }
0x162: {  	v47 =	vld [tilespmem:s28+$0xF60]  }
0x163: {  	v48 =	vld [tilespmem:s28+$0xF70]  }
0x164: {  	v49 =	vld [tilespmem:s28+$0x1300]  }
0x165: {  	v50 =	vld [tilespmem:s28+$0x1310]  }
0x166: {  	v51 =	vld [tilespmem:s28+$0x1320]  }
0x167: {  	v52 =	vld [tilespmem:s28+$0x1330]  }
.Ltmp0:
0x168: {  	v53 =	vld [tilespmem:s28+$0x1340];
	(pc) =	sbr.rel @p0 .LBB2_2-.Ltmp0, $4  }
0x169: {  	v54 =	vld [tilespmem:s28+$0x1350]  }
0x16a: {  	v55 =	vld [tilespmem:s28+$0x1360]  }
0x16b: {  	v58 =	vmov s29;
	v56 =	vld [tilespmem:s28+$0x1700]  }
0x16c: {  	s29 =	sadd.s32 $0x1, s29;
	v57 =	vld [tilespmem:s28+$0x1710]  }
0x16d: {  	_ = 	snop  }
0x16e: {  	v1 =	vld [tilespmem:s28+$0xD710]  }
0x16f: {  	v2 =	vld [tilespmem:s28+$0xD730]  }
0x170: {  	v3 =	vld [tilespmem:s28+$0x1720]  }
0x171: {  	v39 =	vld.idx.msk [tilespmem:v58+s23+$0x0], $0xffff  }
0x172: {  	v4 =	vld [tilespmem:s28+$0x1730]  }
0x173: {  	v41 =	vld.idx.msk [tilespmem:v58+s24+$0x0], $0xffff  }
0x174: {  	v5 =	vld [tilespmem:s28+$0xD720]  }
0x175: {  	v60 =	vld [tilespmem:s28+$0xD370]  }
0x176: {  	v61 =	vld [tilespmem:s28+$0xD360]  }
0x177: {  	v62 =	vld [tilespmem:s28+$0xD350];
	v4 =	vmul.f32 v4, v39  }
0x178: {  	v2 =	vmul.f32 v2, v41;
	v3 =	vmul.f32 v3, v39  }
0x179: {  	v6 =	vld [tilespmem:s28+$0xD320];
	v5 =	vmul.f32 v5, v41;
	v1 =	vmul.f32 v1, v41  }
0x17a: {  	v59 =	vld [tilespmem:s28+$0x1370];
	v56 =	vmul.f32 v56, v39;
	v60 =	vmul.f32 v60, v41  }
0x17b: {  	v58 =	vld [tilespmem:s28+$0xD700];
	v55 =	vmul.f32 v55, v39;
	v61 =	vmul.f32 v61, v41;
	v2 =	vadd.f32 v2, v4  }
0x17c: {  	v54 =	vmul.f32 v54, v39;
	v62 =	vmul.f32 v62, v41;
	v4 =	vld [tilespmem:s28+$0xD330];
	v3 =	vadd.f32 v5, v3  }
0x17d: {  	v63 =	vld [tilespmem:s28+$0xD340];
	v53 =	vmul.f32 v53, v39;
	v5 =	vmul.f32 v57, v39;
	v55 =	vadd.f32 v61, v55;
	[tilespmem:s28+$0x1730] =	vst v2  }
0x17e: {  	v51 =	vmul.f32 v51, v39;
	v6 =	vmul.f32 v6, v41;
	v54 =	vadd.f32 v62, v54;
	v61 =	vld [tilespmem:s28+$0xCF40];
	[tilespmem:s28+$0x1720] =	vst v3  }
0x17f: {  	v52 =	vmul.f32 v52, v39;
	v2 =	vld [tilespmem:s28+$0xD310];
	v1 =	vadd.f32 v1, v5;
	v5 =	vmul.f32 v59, v39;
	[tilespmem:s28+$0x1360] =	vst v55  }
0x180: {  	v20 =	vmul.f32 v20, v39;
	v19 =	vmul.f32 v19, v41;
	v6 =	vadd.f32 v6, v51;
	v3 =	vld [tilespmem:s28+$0xD300];
	[tilespmem:s28+$0x1350] =	vst v54  }
0x181: {  	v50 =	vmul.f32 v50, v39;
	[tilespmem:s28+$0x1710] =	vst v1;
	v1 =	vld [tilespmem:s28+$0xCF70];
	v5 =	vadd.f32 v60, v5;
	v4 =	vmul.f32 v4, v41  }
0x182: {  	v16 =	vmul.f32 v16, v39;
	v15 =	vmul.f32 v15, v41;
	v62 =	vld [tilespmem:s28+$0xCF30];
	v19 =	vadd.f32 v19, v20;
	[tilespmem:s28+$0x1320] =	vst v6  }
0x183: {  	v49 =	vmul.f32 v49, v39;
	v57 =	vmul.f32 v58, v41;
	[tilespmem:s28+$0x1370] =	vst v5;
	v5 =	vld [tilespmem:s28+$0xCF50];
	v4 =	vadd.f32 v4, v52  }
0x184: {  	v48 =	vmul.f32 v48, v39;
	v58 =	vld [tilespmem:s28+$0xCB40];
	v15 =	vadd.f32 v15, v16;
	[tilespmem:s28+$0x350] =	vst v19;
	v2 =	vmul.f32 v2, v41  }
0x185: {  	v47 =	vmul.f32 v47, v39;
	v56 =	vadd.f32 v57, v56;
	v3 =	vmul.f32 v3, v41;
	[tilespmem:s28+$0x1330] =	vst v4;
	v4 =	vld [tilespmem:s28+$0xCF10]  }
0x186: {  	v46 =	vmul.f32 v46, v39;
	v51 =	vld [tilespmem:s28+$0xC370];
	[tilespmem:s28+$0x330] =	vst v15;
	v2 =	vadd.f32 v2, v50;
	v1 =	vmul.f32 v1, v41  }
0x187: {  	v14 =	vmul.f32 v14, v39;
	v13 =	vmul.f32 v13, v41;
	[tilespmem:s28+$0x1700] =	vst v56;
	v56 =	vld [tilespmem:s28+$0xCF60];
	v3 =	vadd.f32 v3, v49  }
0x188: {  	v45 =	vmul.f32 v45, v39;
	[tilespmem:s28+$0x1310] =	vst v2;
	v2 =	vld [tilespmem:s28+$0xCB70];
	v1 =	vadd.f32 v1, v48;
	v5 =	vmul.f32 v5, v41  }
0x189: {  	v44 =	vmul.f32 v44, v39;
	v13 =	vadd.f32 v13, v14;
	v60 =	vmul.f32 v63, v41;
	[tilespmem:s28+$0x1300] =	vst v3;
	v3 =	vld [tilespmem:s28+$0xCB60]  }
0x18a: {  	v42 =	vmul.f32 v42, v39;
	[tilespmem:s28+$0xF70] =	vst v1;
	v1 =	vld [tilespmem:s28+$0xCB50];
	v5 =	vadd.f32 v5, v46;
	v4 =	vmul.f32 v4, v41  }
0x18b: {  	v43 =	vmul.f32 v43, v39;
	v6 =	vld [tilespmem:s28+$0xCF00];
	[tilespmem:s28+$0x320] =	vst v13;
	v57 =	vmul.f32 v61, v41;
	v53 =	vadd.f32 v60, v53  }
0x18c: {  	v38 =	vmul.f32 v38, v39;
	v56 =	vmul.f32 v56, v41;
	[tilespmem:s28+$0xF50] =	vst v5;
	v5 =	vld [tilespmem:s28+$0xCB30];
	v4 =	vadd.f32 v4, v42  }
0x18d: {  	v37 =	vmul.f32 v37, v39;
	v63 =	vld [tilespmem:s28+$0xCF20];
	v45 =	vadd.f32 v57, v45;
	[tilespmem:s28+$0x1340] =	vst v53;
	v2 =	vmul.f32 v2, v41  }
0x18e: {  	v36 =	vmul.f32 v36, v39;
	v47 =	vadd.f32 v56, v47;
	v3 =	vmul.f32 v3, v41;
	[tilespmem:s28+$0xF10] =	vst v4;
	v4 =	vld [tilespmem:s28+$0xC770]  }
0x18f: {  	v59 =	vmul.f32 v62, v41;
	v62 =	vld [tilespmem:s28+$0xCB10];
	[tilespmem:s28+$0xF40] =	vst v45;
	v2 =	vadd.f32 v2, v38;
	v1 =	vmul.f32 v1, v41  }
0x190: {  	v40 =	vmul.f32 v40, v39;
	v35 =	vmul.f32 v35, v39;
	[tilespmem:s28+$0xF60] =	vst v47;
	v47 =	vld [tilespmem:s28+$0xC720];
	v3 =	vadd.f32 v3, v37  }
0x191: {  	v34 =	vmul.f32 v34, v39;
	[tilespmem:s28+$0xB70] =	vst v2;
	v2 =	vld [tilespmem:s28+$0xC750];
	v1 =	vadd.f32 v1, v36;
	v5 =	vmul.f32 v5, v41  }
0x192: {  	v32 =	vmul.f32 v32, v39;
	v44 =	vadd.f32 v59, v44;
	v60 =	vmul.f32 v63, v41;
	[tilespmem:s28+$0xB60] =	vst v3;
	v3 =	vld [tilespmem:s28+$0xC740]  }
0x193: {  	v30 =	vmul.f32 v30, v39;
	[tilespmem:s28+$0xB50] =	vst v1;
	v1 =	vld [tilespmem:s28+$0xC730];
	v5 =	vadd.f32 v5, v34;
	v4 =	vmul.f32 v4, v41  }
0x194: {  	v28 =	vmul.f32 v28, v39;
	v55 =	vld [tilespmem:s28+$0xD770];
	v6 =	vmul.f32 v6, v41;
	[tilespmem:s28+$0xF30] =	vst v44;
	v43 =	vadd.f32 v60, v43  }
0x195: {  	v26 =	vmul.f32 v26, v39;
	v48 =	vmul.f32 v62, v41;
	[tilespmem:s28+$0xB30] =	vst v5;
	v5 =	vld [tilespmem:s28+$0xC710];
	v4 =	vadd.f32 v4, v30  }
0x196: {  	v61 =	vld [tilespmem:s28+$0xCB20];
	v6 =	vadd.f32 v6, v40;
	[tilespmem:s28+$0xF20] =	vst v43;
	v43 =	vmul.f32 v58, v41;
	v2 =	vmul.f32 v2, v41  }
0x197: {  	v50 =	vld [tilespmem:s28+$0xC700];
	v32 =	vadd.f32 v48, v32;
	v3 =	vmul.f32 v3, v41;
	[tilespmem:s28+$0x770] =	vst v4;
	v4 =	vmul.f32 v27, v39  }
0x198: {  	[tilespmem:s28+$0xF00] =	vst v6;
	v6 =	vld [tilespmem:s28+$0xC760];
	v35 =	vadd.f32 v43, v35;
	v53 =	vmul.f32 v47, v41;
	v1 =	vmul.f32 v1, v41  }
0x199: {  	v52 =	vld [tilespmem:s28+$0xC360];
	[tilespmem:s28+$0xB10] =	vst v32;
	v2 =	vadd.f32 v2, v28;
	v3 =	vadd.f32 v3, v4;
	v4 =	vmul.f32 v25, v39  }
0x19a: {  	v24 =	vmul.f32 v24, v39;
	v57 =	vld [tilespmem:s28+$0x1740];
	[tilespmem:s28+$0xB40] =	vst v35;
	v1 =	vadd.f32 v1, v26;
	v5 =	vmul.f32 v5, v41  }
0x19b: {  	v59 =	vld [tilespmem:s28+$0x1770];
	[tilespmem:s28+$0x750] =	vst v2;
	v4 =	vadd.f32 v53, v4  }
0x19c: {  	v63 =	vld [tilespmem:s28+$0xCB00];
	v54 =	vmul.f32 v50, v41;
	[tilespmem:s28+$0x730] =	vst v1;
	v1 =	vmul.f32 v23, v39;
	v5 =	vadd.f32 v5, v24  }
0x19d: {  	v29 =	vmul.f32 v29, v39;
	v6 =	vmul.f32 v6, v41;
	v2 =	vld [tilespmem:s28+$0xD750];
	[tilespmem:s28+$0x720] =	vst v4  }
0x19e: {  	v56 =	vmul.f32 v51, v41;
	v4 =	vmul.f32 v22, v39;
	v1 =	vadd.f32 v54, v1;
	[tilespmem:s28+$0x710] =	vst v5;
	v5 =	vld [tilespmem:s28+$0x1750]  }
0x19f: {  	v33 =	vmul.f32 v33, v39;
	v46 =	vmul.f32 v61, v41;
	v6 =	vadd.f32 v6, v29;
	[tilespmem:s28+$0x740] =	vst v3;
	v3 =	vld [tilespmem:s28+$0xD760]  }
0x1a0: {  	v21 =	vmul.f32 v21, v39;
	v58 =	vmul.f32 v52, v41;
	v4 =	vadd.f32 v56, v4;
	[tilespmem:s28+$0x700] =	vst v1;
	v1 =	vld [tilespmem:s28+$0x1760]  }
0x1a1: {  	v31 =	vmul.f32 v31, v39;
	v49 =	vmul.f32 v63, v41;
	v33 =	vadd.f32 v46, v33;
	[tilespmem:s28+$0x760] =	vst v6;
	v6 =	vld [tilespmem:s28+$0xD740]  }
0x1a2: {  	v17 =	vmul.f32 v17, v41;
	v60 =	vld [tilespmem:s28+$0xC300];
	v21 =	vadd.f32 v58, v21;
	[tilespmem:s28+$0x370] =	vst v4;
	v4 =	vmul.f32 v18, v39  }
0x1a3: {  	v61 =	vld [tilespmem:s28+$0x300];
	v31 =	vadd.f32 v49, v31;
	[tilespmem:s28+$0xB20] =	vst v33;
	v2 =	vmul.f32 v2, v41;
	v5 =	vmul.f32 v5, v39  }
0x1a4: {  	v12 =	vmul.f32 v12, v39;
	v11 =	vmul.f32 v11, v41;
	[tilespmem:s28+$0x360] =	vst v21;
	v4 =	vadd.f32 v17, v4  }
0x1a5: {  	[tilespmem:s28+$0xB00] =	vst v31;
	v3 =	vmul.f32 v3, v41;
	v1 =	vmul.f32 v1, v39;
	v2 =	vadd.f32 v2, v5  }
0x1a6: {  	v62 =	vmul.f32 v57, v39;
	[tilespmem:s28+$0x340] =	vst v4;
	v4 =	vmul.f32 v6, v41;
	v6 =	vadd.f32 v11, v12  }
0x1a7: {  	v5 =	vmul.f32 v55, v41;
	v11 =	vmul.f32 v59, v39;
	v1 =	vadd.f32 v3, v1;
	[tilespmem:s28+$0x1750] =	vst v2  }
0x1a8: {  	v63 =	vmul.f32 v60, v41;
	v4 =	vadd.f32 v4, v62;
	[tilespmem:s28+$0x310] =	vst v6;
	v6 =	vmul.f32 v61, v39  }
0x1a9: {  	v2 =	vadd.f32 v5, v11;
	[tilespmem:s28+$0x1760] =	vst v1  }
0x1aa: {  	s26 =	sadd.s32 $0x1, s26;
	[tilespmem:s28+$0x1740] =	vst v4;
	v3 =	vadd.f32 v63, v6  }
0x1ab: {  	p0 =	sne.s32 s26, s9;
	[tilespmem:s28+$0x1770] =	vst v2  }
.Ltmp1:
0x1ac: {  	[tilespmem:s28+$0x300] =	vst v3;
	(pc) =	sbr.rel @p0 .LBB2_1-.Ltmp1, $4  }
0x1ad: {  	[hbm4b:s8+s2] =	stream.linear.scatter [tilespmem:s13], [sflag:$0x3], $0xC000, $0x38;
	[tilespmem:$0x18300] =	vst v63  }
0x1ae: {  	_ =	swait.ge [sflag:s25], $0xC000  }
0x1af: {  	[sflag:s25] =	ssyncset.done $0x0  }
0x1b0: {  	[sflag:s25] =	ssyncadd.s32 $0xFFFF4000  }
0x1b1: {  	_ =	sfence.sel $0x180000  }
0x1b2: {  	[bflag:$0x0] =	sbarrier.arrive $0xFFFF  }
0x1b3: {  	_ =	strace $0x9000004D  }
0x1b4: {  	s0 =	stileid.u32;
	[bflag:$0x2] =	sbarrier.arrive $0xFFFF  }
0x1b5: {  	p0 =	sne.s32 s0, $0x0;
	s0 =	rddreg [dreg:$0x2]  }
0x1b6: {  	s0 =	sadd.s32 @!p0 $0x100000, s0  }
0x1b7: {  	[sflag:s0] =	ssyncadd.tile.s32 @!p0 $0x1;
	_ =	shalt  }
.Lfunc_end2:
_tile_overlayer_lowered:
.L_overlay_start_2:
0x1b8: {  	(tag) =	ssettag $0x2  }
0x1b9: {  	s0 =	rddreg [dreg:$0x0];
	s2 =	stileid.u32  }
0x1ba: {  	s1 =	rddreg [dreg:$0x1];
	p0 =	sne.s32 s2, $0x0  }
0x1bb: {  	s3 =	rddreg [dreg:$0x2];
	[bflag:$0x3] =	sbarrier.arrive $0xFFFF;
	s2 =	simm.s32 @!p0 $0x1C03  }
0x1bc: {  	[timem:s3], [sflag:s2] =	dma.local @!p0 [hbm:s0], s1  }
0x1bd: {  	s0 =	simm.s32 @!p0 $0x3  }
0x1be: {  	_ =	swait.ge @!p0 [sflag:s0], s1  }
0x1bf: {  	s1 =	ssub.s32 @!p0 $0x0, s1;
	[sflag:s0] =	ssyncset.done @!p0 $0x0  }
0x1c0: {  	[sflag:s0] =	ssyncadd.s32 @!p0 s1  }
0x1c1: {  	[bflag:$0x3] =	sbarrier.arrive $0xFFFF  }
0x1c2: {  	_ =	shalt  }

// kernel: kernel.6.cloned.1.call-start
scs
__scs_entry_jumppad:
0x0: {  	(pc) =	sbr.rel $0x88, $3  }
0x1: {  	(tag) =	ssettag $0x0;
	lr =	simm.s32 $0x1  }
0x2: {  	[smem:$0x3F9C] =	sst lr;
	_ =	strace $0xD0000000  }
0x3: {  	_ = 	snop  }
0x4: {  	_ = 	snop  }
0x5: {  	_ = 	snop  }
0x6: {  	_ = 	snop  }
0x7: {  	_ = 	snop  }
__scs_overlays_trampoline_lowered:
0x8: {  	[smem:$0x3FAB] =	sst s0  }
0x9: {  	[smem:$0x3FAC] =	sst s1  }
0xa: {  	[smem:$0x3FAD] =	sst s2  }
0xb: {  	[smem:$0x3FAE] =	sst s3  }
0xc: {  	[smem:$0x3FAF] =	sst s4  }
0xd: {  	[smem:$0x3FB0] =	sst s5  }
0xe: {  	[smem:$0x3FB1] =	sst s6  }
0xf: {  	[smem:$0x3FB2] =	sst s7  }
0x10: {  	[smem:$0x3FB3] =	sst s8  }
0x11: {  	[smem:$0x3FB4] =	sst s9;
	s0 =	simm.s32 @!p0 $0x0  }
0x12: {  	s1 =	sld [smem:$0x3F9A];
	s0 =	simm.s32 @p0 $0x1  }
0x13: {  	[smem:$0x3FB5] =	sst s0;
	s0 =	simm.s32 @!p1 $0x0  }
0x14: {  	s2 =	sld [smem:$0x3F99];
	s0 =	simm.s32 @p1 $0x1  }
0x15: {  	[smem:$0x3FB6] =	sst s0;
	s0 =	simm.s32 @!p2 $0x0  }
0x16: {  	s3 =	sld [smem:$0x3FDB];
	s0 =	simm.s32 @p2 $0x1  }
0x17: {  	s4 =	simm.s32 $0x1BF5;
	[smem:$0x3FB8] =	sst s0  }
0x18: {  	s0 =	sld [smem:$0x3F9B];
	_ =	swait.ge [sflag:s4], $0x0  }
0x19: {  	s7 =	sld [smem:$0x3F9C]  }
0x1a: {  	s8 =	sadd.s32 $0xFFFFE003, lr  }
0x1b: {  	s9 =	sadd.s32 $0xFFFFFEF7, lr;
	s5 =	simm.s32 $0xFFFFFFFF;
	p2 =	slt.u32 s8, $0xFFFFF086  }
0x1c: {  	p1 =	slt.u32 s9, $0xF7A;
	s5 =	simm.s32 @!p2 $0x0  }
0x1d: {  	s5 =	simm.s32 @p1 $0x1;
	p0 =	seq.s32 s7, s2  }
0x1e: {  	s7 =	smul.u32 @!p0 $0xF7A, s2;
	p2 =	seq.s32 @!p0 s5, $0x0  }
0x1f: {  	s9 =	smul.u32 $0xF7A, s1;
	s8 =	simm.s32 @!p0 $0x1BF5;
	p2 =	por !p2, p0  }
0x20: {  	[sflag:s8] =	ssyncset.s32 @!p0 $0xFFFFF086;
	s6 =	sadd.s32 @!p0 s3, s7;
	s7 =	simm.s32 @!p0 $0x108  }
0x21: {  	s3 =	sadd.s32 s3, s9;
	s6 =	sadd.s32 @!p0 $0x88, s6;
	s7 =	simm.s32 @p2 $0x1082  }
0x22: {  	[simem:s7], [sflag:s8] =	dma.local @!p0 [hbm:s6], $0xF7A  }
0x23: {  	s9 =	sor.u32 $0xD0000000, s2;
	s6 =	simm.s32 $0x108;
	_ =	swait.ge @!p0 [sflag:s8], $0x0  }
0x24: {  	s3 =	sadd.s32 $0x88, s3;
	s6 =	simm.s32 @!p1 $0x1082;
	[sflag:s4] =	ssyncset.s32 $0xFFFFF086  }
0x25: {  	[simem:s6], [sflag:s4] =	dma.local [hbm:s3], $0xF7A  }
0x26: {  	[smem:$0x3F9C] =	sst s1;
	(tag) =	ssettag s2;
	_ =	strace s9  }
0x27: {  	s1 =	sld [smem:$0x3FAC]  }
0x28: {  	s2 =	sld [smem:$0x3FAD]  }
0x29: {  	s4 =	sld [smem:$0x3FAF]  }
0x2a: {  	p0 =	seq.s32 s5, $0x0;
	s5 =	sld [smem:$0x3FB0]  }
0x2b: {  	s6 =	sld [smem:$0x3FB1]  }
0x2c: {  	s7 =	sld [smem:$0x3FB2]  }
0x2d: {  	s3 =	simm.s32 $0x108;
	s8 =	sld [smem:$0x3FB3]  }
0x2e: {  	s3 =	simm.s32 @!p0 $0x1082;
	s9 =	sld [smem:$0x3FB4]  }
0x2f: {  	lr =	sadd.s32 s0, s3;
	s0 =	sld [smem:$0x3FAB]  }
0x30: {  	s3 =	sld [smem:$0x3FAE]  }
0x31: {  	[smem:$0x3FB7] =	sst s10  }
0x32: {  	s10 =	sld [smem:$0x3FB5];
	_ =	sdelay $0x3  }
0x33: {  	p0 =	seq.s32 s10, $0x1;
	s10 =	sld [smem:$0x3FB7];
	_ =	sdelay $0x3  }
0x34: {  	[smem:$0x3FB7] =	sst s10  }
0x35: {  	s10 =	sld [smem:$0x3FB6];
	_ =	sdelay $0x3  }
0x36: {  	p1 =	seq.s32 s10, $0x1;
	s10 =	sld [smem:$0x3FB7];
	_ =	sdelay $0x3  }
0x37: {  	[smem:$0x3FB7] =	sst s10  }
0x38: {  	s10 =	sld [smem:$0x3FB8]  }
0x39: {  	_ = 	snop;
	(pc) =	sbr.ind lr, $3  }
0x3a: {  	_ = 	snop  }
0x3b: {  	_ = 	snop  }
0x3c: {  	p2 =	seq.s32 s10, $0x1;
	s10 =	sld [smem:$0x3FB7]  }
0x3d: {  	_ =	shalt  }
0x3e: {  	_ =	shalt  }
0x3f: {  	_ =	shalt  }
0x40: {  	_ =	shalt  }
0x41: {  	_ =	shalt  }
0x42: {  	_ =	shalt  }
0x43: {  	_ =	shalt  }
0x44: {  	_ =	shalt  }
0x45: {  	_ =	shalt  }
0x46: {  	_ =	shalt  }
0x47: {  	_ =	shalt  }
0x48: {  	_ =	shalt  }
0x49: {  	_ =	shalt  }
0x4a: {  	_ =	shalt  }
0x4b: {  	_ =	shalt  }
0x4c: {  	_ =	shalt  }
0x4d: {  	_ =	shalt  }
0x4e: {  	_ =	shalt  }
0x4f: {  	_ =	shalt  }
0x50: {  	_ =	shalt  }
0x51: {  	_ =	shalt  }
0x52: {  	_ =	shalt  }
0x53: {  	_ =	shalt  }
0x54: {  	_ =	shalt  }
0x55: {  	_ =	shalt  }
0x56: {  	_ =	shalt  }
0x57: {  	_ =	shalt  }
0x58: {  	_ =	shalt  }
0x59: {  	_ =	shalt  }
0x5a: {  	_ =	shalt  }
0x5b: {  	_ =	shalt  }
0x5c: {  	_ =	shalt  }
0x5d: {  	_ =	shalt  }
0x5e: {  	_ =	shalt  }
0x5f: {  	_ =	shalt  }
0x60: {  	_ =	shalt  }
0x61: {  	_ =	shalt  }
0x62: {  	_ =	shalt  }
0x63: {  	_ =	shalt  }
0x64: {  	_ =	shalt  }
0x65: {  	_ =	shalt  }
0x66: {  	_ =	shalt  }
0x67: {  	_ =	shalt  }
0x68: {  	_ =	shalt  }
0x69: {  	_ =	shalt  }
0x6a: {  	_ =	shalt  }
0x6b: {  	_ =	shalt  }
0x6c: {  	_ =	shalt  }
0x6d: {  	_ =	shalt  }
0x6e: {  	_ =	shalt  }
0x6f: {  	_ =	shalt  }
0x70: {  	_ =	shalt  }
0x71: {  	_ =	shalt  }
0x72: {  	_ =	shalt  }
0x73: {  	_ =	shalt  }
0x74: {  	_ =	shalt  }
0x75: {  	_ =	shalt  }
0x76: {  	_ =	shalt  }
0x77: {  	_ =	shalt  }
0x78: {  	_ =	shalt  }
0x79: {  	_ =	shalt  }
0x7a: {  	_ =	shalt  }
0x7b: {  	_ =	shalt  }
0x7c: {  	_ =	shalt  }
0x7d: {  	_ =	shalt  }
0x7e: {  	_ =	shalt  }
0x7f: {  	_ =	shalt  }
0x80: {  	_ =	shalt  }
0x81: {  	_ =	shalt  }
0x82: {  	_ =	shalt  }
0x83: {  	_ =	shalt  }
0x84: {  	_ =	shalt  }
0x85: {  	_ =	shalt  }
0x86: {  	_ =	shalt  }
0x87: {  	_ =	shalt  }
.Lfunc_end0:
.L_simem_size_0:
called_computation_lowered:
.L_overlay_start_0:
0x88: {  	s2 =	sld [smem:$0x3FD9]  }
0x89: {  	s3 =	sld [smem:$0x3FFE];
	_ =	sdelay $0x1  }
0x8a: {  	s1 =	srdreg.scid  }
0x8b: {  	s0 =	sand.u32 $0x1, s1  }
0x8c: {  	s16 =	sshll.u32 s0, $0xA;
	s2 =	sadd.s32 s3, s2  }
0x8d: {  	s2 =	sadd.s32 s2, s16  }
0x8e: {  	[smem:$0x3FC3] =	sst s2  }
0x8f: {  	_ = 	snop  }
0x90: {  	(tm) =	ssettm $0x1  }
0x91: {  	s17 =	sld [smem:$0x3FFB];
	_ =	sdelay $0x3  }
0x92: {  	_ =	strace s17  }
0x93: {  	s2 =	sld [smem:$0x3FFC];
	_ =	sdelay $0x3  }
0x94: {  	_ =	strace s2  }
0x95: {  	s2 =	sld [smem:$0x3FFD];
	_ =	sdelay $0x3  }
0x96: {  	_ =	strace s2  }
0x97: {  	_ =	strace $0x8FFFFFFF  }
0x98: {  	s18 =	sld [smem:$0x3FDB];
	_ =	sdelay $0x1  }
0x99: {  	s19 =	simm.s32 $_scs_section_size  }
0x9a: {  	s4 =	simm.s32 $_size__tile_overlayer_lowered;
	s5 =	simm.s32 $_tile_overlayer_lowered  }
0x9b: {  	s22 =	simm.s32 $0x1BFF;
	s21 =	sshll.u32 s5, $0x1;
	s2 =	sadd.s32 s19, s18  }
0x9c: {  	s6 =	simm.s32 $0x0;
	s20 =	sshll.u32 s4, $0x1;
	s4 =	sadd.s32 s21, s2  }
0x9d: {  	[timem:s6], [sflag:s22] =	dma.local [hbm:s4], s20  }
0x9e: {  	_ =	swait.ge [sflag:s22], s20  }
0x9f: {  	s3 =	ssub.s32 $0x0, s20;
	[sflag:s22] =	ssyncset.done $0x0  }
0xa0: {  	[sflag:s22] =	ssyncadd.s32 s3;
	_ =	sdelay $0x1  }
0xa1: {  	s23 =	simm.s32 $0x1B8B  }
0xa2: {  	_ =	swait.ge [sflag:s23], $0x1  }
0xa3: {  	[sflag:s23] =	ssyncset.done $0x0  }
0xa4: {  	s25 =	simm.s32 $0x1B8E;
	s24 =	sld [smem:$0x3FFE];
	[sflag:s23] =	ssyncadd.s32 $0xFFFFFFFF  }
0xa5: {  	s26 =	simm.s32 $execute0_lowered;
	[smem:$0x3FD2] =	sst s25  }
0xa6: {  	s4 =	sshll.u32 s26, $0x1;
	_ =	strace $0x80000046;
	[dreg:$0x1] =	wrdreg $0xFFFFFFFF  }
0xa7: {  	s28 =	simm.s32 $_size_execute0_lowered;
	s2 =	sadd.s32 s2, s4;
	[dreg:$0x0] =	wrdreg $0x0  }
0xa8: {  	s4 =	sshll.u32 s28, $0x1;
	[dreg:$0x2] =	wrdreg s2  }
0xa9: {  	[dreg:$0x3] =	wrdreg s4  }
0xaa: {  	[dreg:$0x4] =	wrdreg $0xC0  }
0xab: {  	_ =	task [dreg:s6], $0x5FFFF  }
0xac: {  	[dreg:$0x1] =	wrdreg $0xFFFFFFFF  }
0xad: {  	[dreg:$0x0] =	wrdreg $0x60  }
0xae: {  	[dreg:$0x2] =	wrdreg s24  }
0xaf: {  	[dreg:$0x3] =	wrdreg $0x9  }
0xb0: {  	_ =	task.clear_ibuf [dreg:s6], $0x4FFFF;
	_ =	strace $0x90000046  }
0xb1: {  	s29 =	simm.s32 $0x9;
	_ =	strace $0x80000048  }
0xb2: {  	_ =	swait.ge [sflag:s29], $0x1  }
0xb3: {  	[sflag:s29] =	ssyncadd.s32 $0xFFFFFFFF  }
0xb4: {  	_ =	strace $0x90000048  }
0xb5: {  	_ =	sfence  }
0xb6: {  	s30 =	sld [smem:$0x0];
	_ =	sdelay $0x2  }
0xb7: {  	s31 =	sshll.u32 s1, $0xD;
	s1 =	sshrl.u32 s1, $0x2  }
0xb8: {  	s3 =	sand.u32 $0x4000, s31;
	s1 =	sadd.s32 s1, s30  }
0xb9: {  	s0 =	sor.u32 s3, s0;
	s1 =	sshll.u32 s1, $0x11  }
0xba: {  	s0 =	sor.u32 s1, s0  }
0xbb: {  	s0 =	sadd.s32 $0x8F2B, s0  }
0xbc: {  	[sflag:s0] =	ssyncadd.remote.s32 $0x1  }
0xbd: {  	_ =	sfence.sel $0xFFFF  }
0xbe: {  	[dreg:$0x0] =	wrdreg $0xFFFFFFFF;
	(pc) =	sbr.abs _section_cstart, $3  }
0xbf: {  	[dreg:$0x1] =	wrdreg $0xFFFFFFFF  }
0xc0: {  	_ =	task.clear_ibuf [dreg:s6], $0x2FFFF;
	_ =	strace $0x9FFFFFFF  }
0xc1: {  	(tm) =	ssettm $0x7FFFFFFF  }
tec
execute0_lowered:
.L_overlay_start_1:
0x0: {  	(tag) =	ssettag $0x1  }
0x1: {  	s3 =	rddreg [dreg:$0x0]  }
0x2: {  	s0 =	rddreg [dreg:$0x1];
	s4 =	srdreg.scid  }
0x3: {  	s2 =	simm.s32 $0x0;
	s1 =	stileid.u32;
	s4 =	sand.u32 $0x1, s4  }
0x4: {  	s7 =	simm.s32 $0x80;
	s5 =	sshll.u32 s1, $0x5;
	s6 =	sshll.u32 s4, $0x4  }
0x5: {  	s8 =	simm.s32 $0x0;
	s4 =	ssub.s32 $0x2, s4;
	s5 =	sor.u32 s6, s5  }
0x6: {  	[smem:$0x7FF] =	sst s2;
	s31 =	sshrl.u32 s4, $0x1;
	s5 =	sadd.s32 s5, s3  }
0x7: {  	_ =	strace $0x80000047;
	s6 =	ssub.s32 s4, s31;
	s3 =	sadd.s32 $0x1000, s5  }
0x8: {  	v0 =	vlaneseq.u32;
	s4 =	sadd.s32 $0x1200, s5;
	s5 =	smax.u32 s6, $0x1;
	s6 =	simm.s32 $0x1  }
.LBB2_1:
0x9: {  	[tilespmem:s2], [sflag:$0x1] =	stream.linear.gather [hbm4b:s3+s2], $0x80, $0x38;
	[tilespmem:$0x100] =	vst v63  }
0xa: {  	_ =	swait.ge [sflag:s6], $0x80  }
0xb: {  	[sflag:s6] =	ssyncset.done $0x0  }
0xc: {  	v1 =	vimm.s32 $0x0;
	s9 =	simm.s32 $0x0;
	[sflag:s6] =	ssyncadd.s32 $0xFFFFFF80  }
.LBB2_2:
0xd: {  	s10 =	sshll.u32 s9, $0x4  }
0xe: {  	s10 =	sand.u32 $0x3FFFFFF0, s10  }
0xf: {  	v2 =	vld [tilespmem:s10+$0x0];
	_ =	sdelay $0x3  }
0x10: {  	s31 =	simm.s32 $0x0  }
0x11: {  	vm0 =	veq.s32 v2, s31  }
0x12: {  	v3 =	vmov s31;
	v4 =	vmpcnt.ones.xlane vm0  }
0x13: {  	vm15 =	veq.s32 v3, v0  }
0x14: {  	s10 =	simm.s32 $0x1;
	v3 =	vnsel vm15, $0x0, v4  }
.LBB2_3:
0x15: {  	p0 =	sne.s32 s10, $0x7;
	v1 =	vadd.s32 v1, v3;
	s11 =	smov.u32 s10;
	s10 =	sadd.s32 $0x1, s10  }
.Ltmp0:
0x16: {  	(pc) =	sbr.rel @p0 .LBB2_3-.Ltmp0, $4  }
0x17: {  	vm0 =	veq.s32 v2, s11  }
0x18: {  	v3 =	vmov s11;
	v4 =	vmpcnt.ones.xlane vm0  }
0x19: {  	vm0 =	veq.s32 v3, v0  }
0x1a: {  	v3 =	vnsel vm0, $0x0, v4  }
0x1b: {  	s9 =	sadd.s32 $0x1, s9  }
0x1c: {  	p0 =	sne.s32 s9, $0x8  }
.Ltmp1:
0x1d: {  	_ = 	snop;
	(pc) =	sbr.rel @p0 .LBB2_2-.Ltmp1, $2  }
0x1e: {  	_ =	sdelay $0x2  }
0x1f: {  	v1 =	vadd.s32 v1, v3  }
0x20: {  	s8 =	sadd.s32 $0x1, s8  }
0x21: {  	p0 =	sne.s32 s8, s5  }
.Ltmp2:
0x22: {  	[tilespmem:$0x80] =	vst v1;
	(pc) =	sbr.rel @p0 .LBB2_1-.Ltmp2, $4  }
0x23: {  	[hbm4b:s4+s2] =	stream.linear.scatter [tilespmem:s7], [sflag:$0x1], $0x80, $0x38;
	[tilespmem:$0x100] =	vst v63  }
0x24: {  	_ =	swait.ge [sflag:s6], $0x80  }
0x25: {  	[sflag:s6] =	ssyncset.done $0x0  }
0x26: {  	[sflag:s6] =	ssyncadd.s32 $0xFFFFFF80  }
0x27: {  	_ =	sfence.sel $0x180000  }
0x28: {  	[bflag:$0x0] =	sbarrier.arrive $0xFFFF  }
0x29: {  	p0 =	sne.s32 s1, $0x0;
	_ =	strace $0x90000047  }
0x2a: {  	s0 =	sadd.s32 @!p0 $0x100000, s0;
	[bflag:$0x2] =	sbarrier.arrive $0xFFFF  }
0x2b: {  	[sflag:s0] =	ssyncadd.tile.s32 @!p0 $0x1;
	_ =	shalt  }
.Lfunc_end2:
_tile_overlayer_lowered:
.L_overlay_start_2:
0x2c: {  	(tag) =	ssettag $0x2  }
0x2d: {  	s0 =	rddreg [dreg:$0x0];
	s2 =	stileid.u32  }
0x2e: {  	s1 =	rddreg [dreg:$0x1];
	p0 =	sne.s32 s2, $0x0  }
0x2f: {  	s3 =	rddreg [dreg:$0x2];
	[bflag:$0x3] =	sbarrier.arrive $0xFFFF;
	s2 =	simm.s32 @!p0 $0x1C01  }
0x30: {  	[timem:s3], [sflag:s2] =	dma.local @!p0 [hbm:s0], s1  }
0x31: {  	s0 =	simm.s32 @!p0 $0x1  }
0x32: {  	_ =	swait.ge @!p0 [sflag:s0], s1  }
0x33: {  	s1 =	ssub.s32 @!p0 $0x0, s1;
	[sflag:s0] =	ssyncset.done @!p0 $0x0  }
0x34: {  	[sflag:s0] =	ssyncadd.s32 @!p0 s1  }
0x35: {  	[bflag:$0x3] =	sbarrier.arrive $0xFFFF  }
0x36: {  	_ =	shalt  }

// kernel: kernel.9.cloned.1.call-start
scs
__scs_entry_jumppad:
0x0: {  	(pc) =	sbr.rel $0x88, $3  }
0x1: {  	(tag) =	ssettag $0x0;
	lr =	simm.s32 $0x1  }
0x2: {  	[smem:$0x3F9C] =	sst lr;
	_ =	strace $0xD0000000  }
0x3: {  	_ = 	snop  }
0x4: {  	_ = 	snop  }
0x5: {  	_ = 	snop  }
0x6: {  	_ = 	snop  }
0x7: {  	_ = 	snop  }
__scs_overlays_trampoline_lowered:
0x8: {  	[smem:$0x3FAB] =	sst s0  }
0x9: {  	[smem:$0x3FAC] =	sst s1  }
0xa: {  	[smem:$0x3FAD] =	sst s2  }
0xb: {  	[smem:$0x3FAE] =	sst s3  }
0xc: {  	[smem:$0x3FAF] =	sst s4  }
0xd: {  	[smem:$0x3FB0] =	sst s5  }
0xe: {  	[smem:$0x3FB1] =	sst s6  }
0xf: {  	[smem:$0x3FB2] =	sst s7  }
0x10: {  	[smem:$0x3FB3] =	sst s8  }
0x11: {  	[smem:$0x3FB4] =	sst s9;
	s0 =	simm.s32 @!p0 $0x0  }
0x12: {  	s1 =	sld [smem:$0x3F9A];
	s0 =	simm.s32 @p0 $0x1  }
0x13: {  	[smem:$0x3FB5] =	sst s0;
	s0 =	simm.s32 @!p1 $0x0  }
0x14: {  	s2 =	sld [smem:$0x3F99];
	s0 =	simm.s32 @p1 $0x1  }
0x15: {  	[smem:$0x3FB6] =	sst s0;
	s0 =	simm.s32 @!p2 $0x0  }
0x16: {  	s3 =	sld [smem:$0x3FDB];
	s0 =	simm.s32 @p2 $0x1  }
0x17: {  	s4 =	simm.s32 $0x1BF5;
	[smem:$0x3FB8] =	sst s0  }
0x18: {  	s0 =	sld [smem:$0x3F9B];
	_ =	swait.ge [sflag:s4], $0x0  }
0x19: {  	s7 =	sld [smem:$0x3F9C]  }
0x1a: {  	s8 =	sadd.s32 $0xFFFFE003, lr  }
0x1b: {  	s9 =	sadd.s32 $0xFFFFFEF7, lr;
	s5 =	simm.s32 $0xFFFFFFFF;
	p2 =	slt.u32 s8, $0xFFFFF086  }
0x1c: {  	p1 =	slt.u32 s9, $0xF7A;
	s5 =	simm.s32 @!p2 $0x0  }
0x1d: {  	s5 =	simm.s32 @p1 $0x1;
	p0 =	seq.s32 s7, s2  }
0x1e: {  	s7 =	smul.u32 @!p0 $0xF7A, s2;
	p2 =	seq.s32 @!p0 s5, $0x0  }
0x1f: {  	s9 =	smul.u32 $0xF7A, s1;
	s8 =	simm.s32 @!p0 $0x1BF5;
	p2 =	por !p2, p0  }
0x20: {  	[sflag:s8] =	ssyncset.s32 @!p0 $0xFFFFF086;
	s6 =	sadd.s32 @!p0 s3, s7;
	s7 =	simm.s32 @!p0 $0x108  }
0x21: {  	s3 =	sadd.s32 s3, s9;
	s6 =	sadd.s32 @!p0 $0x88, s6;
	s7 =	simm.s32 @p2 $0x1082  }
0x22: {  	[simem:s7], [sflag:s8] =	dma.local @!p0 [hbm:s6], $0xF7A  }
0x23: {  	s9 =	sor.u32 $0xD0000000, s2;
	s6 =	simm.s32 $0x108;
	_ =	swait.ge @!p0 [sflag:s8], $0x0  }
0x24: {  	s3 =	sadd.s32 $0x88, s3;
	s6 =	simm.s32 @!p1 $0x1082;
	[sflag:s4] =	ssyncset.s32 $0xFFFFF086  }
0x25: {  	[simem:s6], [sflag:s4] =	dma.local [hbm:s3], $0xF7A  }
0x26: {  	[smem:$0x3F9C] =	sst s1;
	(tag) =	ssettag s2;
	_ =	strace s9  }
0x27: {  	s1 =	sld [smem:$0x3FAC]  }
0x28: {  	s2 =	sld [smem:$0x3FAD]  }
0x29: {  	s4 =	sld [smem:$0x3FAF]  }
0x2a: {  	p0 =	seq.s32 s5, $0x0;
	s5 =	sld [smem:$0x3FB0]  }
0x2b: {  	s6 =	sld [smem:$0x3FB1]  }
0x2c: {  	s7 =	sld [smem:$0x3FB2]  }
0x2d: {  	s3 =	simm.s32 $0x108;
	s8 =	sld [smem:$0x3FB3]  }
0x2e: {  	s3 =	simm.s32 @!p0 $0x1082;
	s9 =	sld [smem:$0x3FB4]  }
0x2f: {  	lr =	sadd.s32 s0, s3;
	s0 =	sld [smem:$0x3FAB]  }
0x30: {  	s3 =	sld [smem:$0x3FAE]  }
0x31: {  	[smem:$0x3FB7] =	sst s10  }
0x32: {  	s10 =	sld [smem:$0x3FB5];
	_ =	sdelay $0x3  }
0x33: {  	p0 =	seq.s32 s10, $0x1;
	s10 =	sld [smem:$0x3FB7];
	_ =	sdelay $0x3  }
0x34: {  	[smem:$0x3FB7] =	sst s10  }
0x35: {  	s10 =	sld [smem:$0x3FB6];
	_ =	sdelay $0x3  }
0x36: {  	p1 =	seq.s32 s10, $0x1;
	s10 =	sld [smem:$0x3FB7];
	_ =	sdelay $0x3  }
0x37: {  	[smem:$0x3FB7] =	sst s10  }
0x38: {  	s10 =	sld [smem:$0x3FB8]  }
0x39: {  	_ = 	snop;
	(pc) =	sbr.ind lr, $3  }
0x3a: {  	_ = 	snop  }
0x3b: {  	_ = 	snop  }
0x3c: {  	p2 =	seq.s32 s10, $0x1;
	s10 =	sld [smem:$0x3FB7]  }
0x3d: {  	_ =	shalt  }
0x3e: {  	_ =	shalt  }
0x3f: {  	_ =	shalt  }
0x40: {  	_ =	shalt  }
0x41: {  	_ =	shalt  }
0x42: {  	_ =	shalt  }
0x43: {  	_ =	shalt  }
0x44: {  	_ =	shalt  }
0x45: {  	_ =	shalt  }
0x46: {  	_ =	shalt  }
0x47: {  	_ =	shalt  }
0x48: {  	_ =	shalt  }
0x49: {  	_ =	shalt  }
0x4a: {  	_ =	shalt  }
0x4b: {  	_ =	shalt  }
0x4c: {  	_ =	shalt  }
0x4d: {  	_ =	shalt  }
0x4e: {  	_ =	shalt  }
0x4f: {  	_ =	shalt  }
0x50: {  	_ =	shalt  }
0x51: {  	_ =	shalt  }
0x52: {  	_ =	shalt  }
0x53: {  	_ =	shalt  }
0x54: {  	_ =	shalt  }
0x55: {  	_ =	shalt  }
0x56: {  	_ =	shalt  }
0x57: {  	_ =	shalt  }
0x58: {  	_ =	shalt  }
0x59: {  	_ =	shalt  }
0x5a: {  	_ =	shalt  }
0x5b: {  	_ =	shalt  }
0x5c: {  	_ =	shalt  }
0x5d: {  	_ =	shalt  }
0x5e: {  	_ =	shalt  }
0x5f: {  	_ =	shalt  }
0x60: {  	_ =	shalt  }
0x61: {  	_ =	shalt  }
0x62: {  	_ =	shalt  }
0x63: {  	_ =	shalt  }
0x64: {  	_ =	shalt  }
0x65: {  	_ =	shalt  }
0x66: {  	_ =	shalt  }
0x67: {  	_ =	shalt  }
0x68: {  	_ =	shalt  }
0x69: {  	_ =	shalt  }
0x6a: {  	_ =	shalt  }
0x6b: {  	_ =	shalt  }
0x6c: {  	_ =	shalt  }
0x6d: {  	_ =	shalt  }
0x6e: {  	_ =	shalt  }
0x6f: {  	_ =	shalt  }
0x70: {  	_ =	shalt  }
0x71: {  	_ =	shalt  }
0x72: {  	_ =	shalt  }
0x73: {  	_ =	shalt  }
0x74: {  	_ =	shalt  }
0x75: {  	_ =	shalt  }
0x76: {  	_ =	shalt  }
0x77: {  	_ =	shalt  }
0x78: {  	_ =	shalt  }
0x79: {  	_ =	shalt  }
0x7a: {  	_ =	shalt  }
0x7b: {  	_ =	shalt  }
0x7c: {  	_ =	shalt  }
0x7d: {  	_ =	shalt  }
0x7e: {  	_ =	shalt  }
0x7f: {  	_ =	shalt  }
0x80: {  	_ =	shalt  }
0x81: {  	_ =	shalt  }
0x82: {  	_ =	shalt  }
0x83: {  	_ =	shalt  }
0x84: {  	_ =	shalt  }
0x85: {  	_ =	shalt  }
0x86: {  	_ =	shalt  }
0x87: {  	_ =	shalt  }
.Lfunc_end0:
.L_simem_size_0:
called_computation.1_lowered:
.L_overlay_start_0:
0x88: {  	s2 =	sld [smem:$0x3FD9]  }
0x89: {  	s3 =	sld [smem:$0x3FFE];
	_ =	sdelay $0x1  }
0x8a: {  	s1 =	srdreg.scid  }
0x8b: {  	s0 =	sand.u32 $0x1, s1  }
0x8c: {  	s17 =	sshll.u32 s0, $0xA;
	s2 =	sadd.s32 s3, s2  }
0x8d: {  	s2 =	sadd.s32 s2, s17  }
0x8e: {  	[smem:$0x3FC3] =	sst s2  }
0x8f: {  	_ = 	snop  }
0x90: {  	s2 =	sld [smem:$0x3FD0];
	(tm) =	ssettm $0x1  }
0x91: {  	s18 =	sld [smem:$0x3FFB];
	_ =	sdelay $0x3  }
0x92: {  	_ =	strace s18  }
0x93: {  	s3 =	sld [smem:$0x3FFC];
	_ =	sdelay $0x3  }
0x94: {  	_ =	strace s3  }
0x95: {  	s3 =	sld [smem:$0x3FFD];
	_ =	sdelay $0x3  }
0x96: {  	_ =	strace s3  }
0x97: {  	_ =	strace $0x8FFFFFFF  }
0x98: {  	s19 =	sld [smem:$0x3FDB];
	_ =	sdelay $0x1  }
0x99: {  	s4 =	simm.s32 $_scs_section_size  }
0x9a: {  	s5 =	simm.s32 $_size__tile_overlayer_lowered;
	s6 =	simm.s32 $_tile_overlayer_lowered  }
0x9b: {  	s22 =	simm.s32 $0x1BFF;
	s21 =	sshll.u32 s6, $0x1;
	s3 =	sadd.s32 s4, s19  }
0x9c: {  	s7 =	simm.s32 $0x0;
	s20 =	sshll.u32 s5, $0x1;
	s5 =	sadd.s32 s21, s3  }
0x9d: {  	[timem:s7], [sflag:s22] =	dma.local [hbm:s5], s20  }
0x9e: {  	_ =	swait.ge [sflag:s22], s20  }
0x9f: {  	s4 =	ssub.s32 $0x0, s20;
	[sflag:s22] =	ssyncset.done $0x0  }
0xa0: {  	[sflag:s22] =	ssyncadd.s32 s4;
	_ =	sdelay $0x1  }
0xa1: {  	s23 =	simm.s32 $0x1B8B  }
0xa2: {  	_ =	swait.ge [sflag:s23], $0x1  }
0xa3: {  	[sflag:s23] =	ssyncset.done $0x0  }
0xa4: {  	s25 =	simm.s32 $0x1B8E;
	s24 =	sld [smem:$0x3FFE];
	[sflag:s23] =	ssyncadd.s32 $0xFFFFFFFF  }
0xa5: {  	s26 =	simm.s32 $execute0_lowered;
	[smem:$0x3FD2] =	sst s25  }
0xa6: {  	s5 =	sshll.u32 s26, $0x1;
	_ =	strace $0x80000049;
	[dreg:$0x1] =	wrdreg $0xFFFFFFFF  }
0xa7: {  	s28 =	simm.s32 $_size_execute0_lowered;
	s3 =	sadd.s32 s3, s5;
	[dreg:$0x0] =	wrdreg $0x0  }
0xa8: {  	s5 =	sshll.u32 s28, $0x1;
	[dreg:$0x2] =	wrdreg s3  }
0xa9: {  	[dreg:$0x3] =	wrdreg s5  }
0xaa: {  	[dreg:$0x4] =	wrdreg $0xC0  }
0xab: {  	_ =	task [dreg:s7], $0x5FFFF  }
0xac: {  	[dreg:$0x1] =	wrdreg $0xFFFFFFFF  }
0xad: {  	[dreg:$0x0] =	wrdreg $0x60  }
0xae: {  	[dreg:$0x2] =	wrdreg s24  }
0xaf: {  	[dreg:$0x3] =	wrdreg s2  }
0xb0: {  	[dreg:$0x4] =	wrdreg $0x9  }
0xb1: {  	_ =	task.clear_ibuf [dreg:s7], $0x5FFFF;
	_ =	strace $0x90000049  }
0xb2: {  	s29 =	simm.s32 $0x9;
	_ =	strace $0x8000004B  }
0xb3: {  	_ =	swait.ge [sflag:s29], $0x1  }
0xb4: {  	[sflag:s29] =	ssyncadd.s32 $0xFFFFFFFF  }
0xb5: {  	_ =	strace $0x9000004B  }
0xb6: {  	_ =	sfence  }
0xb7: {  	s30 =	sld [smem:$0x0];
	_ =	sdelay $0x2  }
0xb8: {  	s31 =	sshll.u32 s1, $0xD;
	s1 =	sshrl.u32 s1, $0x2  }
0xb9: {  	s3 =	sand.u32 $0x4000, s31;
	s1 =	sadd.s32 s1, s30  }
0xba: {  	s0 =	sor.u32 s3, s0;
	s1 =	sshll.u32 s1, $0x11  }
0xbb: {  	s0 =	sor.u32 s1, s0  }
0xbc: {  	s0 =	sadd.s32 $0x8F2B, s0  }
0xbd: {  	[sflag:s0] =	ssyncadd.remote.s32 $0x1  }
0xbe: {  	_ =	sfence.sel $0xFFFF  }
0xbf: {  	[dreg:$0x0] =	wrdreg $0xFFFFFFFF;
	(pc) =	sbr.abs _section_cstart, $3  }
0xc0: {  	[dreg:$0x1] =	wrdreg $0xFFFFFFFF  }
0xc1: {  	_ =	task.clear_ibuf [dreg:s7], $0x2FFFF;
	_ =	strace $0x9FFFFFFF  }
0xc2: {  	(tm) =	ssettm $0x7FFFFFFF  }
0xc3: {  	_ =	shalt  }
tec
execute0_lowered:
.L_overlay_start_1:
0x0: {  	(tag) =	ssettag $0x1  }
0x1: {  	s0 =	rddreg [dreg:$0x0]  }
0x2: {  	s2 =	rddreg [dreg:$0x1];
	s3 =	simm.s32 $0x0;
	s1 =	srdreg.scid  }
0x3: {  	s4 =	stileid.u32;
	s14 =	simm.s32 $0x7180;
	s15 =	simm.s32 $0x7980  }
0x4: {  	s16 =	simm.s32 $0x7D80;
	s17 =	simm.s32 $0x8580;
	s18 =	simm.s32 $0x8980  }
0x5: {  	s19 =	simm.s32 $0x9180;
	s20 =	simm.s32 $0x9D80;
	s29 =	simm.s32 $0x2580  }
0x6: {  	s30 =	simm.s32 $0x3180;
	s31 =	simm.s32 $0x3580;
	[smem:$0x7FF] =	sst s3  }
0x7: {  	s1 =	sand.u32 $0x1, s1;
	s4 =	sshll.u32 s4, $0x1;
	s5 =	sadd.s32 $0x1200, s0  }
0x8: {  	v0 =	vlaneseq.u32;
	s6 =	sadd.s32 $0x1400, s0;
	s8 =	sadd.s32 $0x61400, s0;
	s4 =	sor.u32 s1, s4  }
0x9: {  	vm0 =	vmmov $0xffff;
	vm1 =	vmmov $0xff;
	v15 =	vimm.s32 $0x0;
	s11 =	sadd.s32 $0x1500, s0;
	_ =	strace $0x8000004A;
	s22 =	sshll.u32 s4, $0x7  }
0xa: {  	vm2 =	vmmov $0x7fff;
	v16 =	vadd.s32 $0x11, v0;
	v17 =	vor.u32 $0x10, v0;
	[dreg:$0x3] =	wrdreg s5;
	s1 =	ssub.s32 $0x2, s1;
	s24 =	sor.u32 $0x10, s22  }
0xb: {  	s25 =	sor.u32 $0x20, s22;
	s26 =	sor.u32 $0x30, s22;
	s28 =	sor.u32 $0x40, s22;
	v1 =	vmov s22;
	v2 =	vor.u32 s22, v0;
	v3 =	vor.u32 s24, v0  }
0xc: {  	[dreg:$0x4] =	wrdreg s8;
	s10 =	sor.u32 $0x50, s22;
	s12 =	sor.u32 $0x60, s22;
	v4 =	vor.u32 s25, v0;
	v5 =	vor.u32 s26, v0;
	v6 =	vor.u32 s28, v0  }
0xd: {  	s8 =	sadd.s32 $0x100, s2;
	s2 =	simm.s32 $0xA180;
	s13 =	sor.u32 $0x70, s22;
	v9 =	vor.u32 s10, v0;
	v10 =	vor.u32 s12, v0;
	v7 =	vshrl.u32 v1, $0x4  }
0xe: {  	s21 =	sshll.u32 s4, $0x4;
	s7 =	sshrl.u32 s1, $0x1;
	p0 =	sne.s32 s4, $0x0;
	v1 =	vshrl.u32 v2, $0x1;
	v11 =	vor.u32 s13, v0;
	v7 =	vmul.u32 $0x18, v7  }
0xf: {  	s5 =	sadd.s32 s21, s0;
	s1 =	ssub.s32 s1, s7;
	s7 =	simm.s32 $0x4D80;
	v2 =	vshrl.u32 v3, $0x1;
	v3 =	vshrl.u32 v4, $0x1;
	v8 =	vand.u32 $0x7, v1  }
0x10: {  	s21 =	simm.s32 $0x9580;
	s9 =	sadd.s32 $0x1000, s5;
	s5 =	sadd.s32 $0x61600, s5;
	v4 =	vshrl.u32 v5, $0x1;
	v5 =	vshrl.u32 v6, $0x1;
	v6 =	vand.u32 $0x7, v0  }
0x11: {  	s23 =	smax.u32 s1, $0x1;
	s1 =	simm.s32 $0x4980;
	[dreg:$0x5] =	wrdreg s9;
	v12 =	vor.u32 v8, v7;
	v8 =	vshrl.u32 v0, $0x3;
	v7 =	vor.u32 $0x8, v0  }
0x12: {  	s10 =	simm.s32 $0x6180;
	s12 =	simm.s32 $0x6580;
	[dreg:$0x6] =	wrdreg s5;
	v13 =	vperm.xlane v12, v6;
	v8 =	vmul.u32 $0x8, v8;
	v14 =	vperm.xlane v12, v7  }
0x13: {  	s13 =	simm.s32 $0x6D80;
	s25 =	simm.s32 $0x0;
	[dreg:$0x7] =	wrdreg s23;
	v9 =	vshrl.u32 v9, $0x1;
	v10 =	vshrl.u32 v10, $0x1;
	v11 =	vshrl.u32 v11, $0x1  }
0x14: {  	s23 =	simm.s32 $0x2980;
	s5 =	simm.s32 $0x5580;
	s9 =	simm.s32 $0x5980;
	v12 =	vadd.s32 v8, v13;
	v13 =	vadd.s32 v8, v14;
	v14 =	vadd.s32 $0x1, v0  }
.LBB2_1:
0x15: {  	[tilespmem:$0x1100] =	vst v1  }
0x16: {  	[tilespmem:$0x1110] =	vst v2  }
0x17: {  	[tilespmem:$0x1120] =	vst v3  }
0x18: {  	[tilespmem:$0x1130] =	vst v4  }
0x19: {  	[tilespmem:$0x1140] =	vst v5  }
0x1a: {  	[tilespmem:$0x1150] =	vst v9  }
0x1b: {  	[tilespmem:$0x1160] =	vst v10  }
0x1c: {  	[tilespmem:$0x1170] =	vst v11;
	s22 =	rddreg [dreg:$0x1];
	s24 =	simm.s32 $0x1180  }
0x1d: {  	[tilespmem:s24], [sflag:$0x1] =	stream.indirect_vreg.gather [hbm4b:s22+s3], $0x80, v12, vm0, $0xb8;
	[tilespmem:$0xD200] =	vst v63  }
0x1e: {  	s26 =	simm.s32 $0x1980  }
0x1f: {  	[tilespmem:s26], [sflag:$0x1] =	stream.indirect_vreg.gather [hbm4b:s8+s3], $0x80, v12, vm1, $0xb8;
	[tilespmem:$0xD200] =	vst v63  }
0x20: {  	s28 =	simm.s32 $0x1D80  }
0x21: {  	[tilespmem:s28], [sflag:$0x1] =	stream.indirect_vreg.gather [hbm4b:s22+s3], $0x80, v13, vm0, $0xb8;
	[tilespmem:$0xD200] =	vst v63  }
0x22: {  	_ = 	snop  }
0x23: {  	[tilespmem:s29], [sflag:$0x1] =	stream.indirect_vreg.gather [hbm4b:s8+s3], $0x80, v13, vm1, $0xb8;
	[tilespmem:$0xD200] =	vst v63  }
0x24: {  	v18 =	vld [tilespmem:$0x1110];
	_ =	sdelay $0x4  }
0x25: {  	v19 =	vshrl.u32 v18, $0x3  }
0x26: {  	v19 =	vmul.u32 $0x18, v19  }
0x27: {  	v18 =	vand.u32 $0x7, v18  }
0x28: {  	v18 =	vor.u32 v18, v19  }
0x29: {  	v19 =	vperm.xlane v18, v6;
	_ =	sdelay $0x1  }
0x2a: {  	v19 =	vadd.s32 v8, v19;
	_ =	sdelay $0x1  }
0x2b: {  	v18 =	vperm.xlane v18, v7;
	_ =	sdelay $0x1  }
0x2c: {  	v18 =	vadd.s32 v8, v18  }
0x2d: {  	[tilespmem:s23], [sflag:$0x1] =	stream.indirect_vreg.gather [hbm4b:s22+s3], $0x80, v19, vm0, $0xb8;
	[tilespmem:$0xD200] =	vst v63  }
0x2e: {  	_ = 	snop  }
0x2f: {  	[tilespmem:s30], [sflag:$0x1] =	stream.indirect_vreg.gather [hbm4b:s8+s3], $0x80, v19, vm1, $0xb8;
	[tilespmem:$0xD200] =	vst v63  }
0x30: {  	_ = 	snop  }
0x31: {  	[tilespmem:s31], [sflag:$0x1] =	stream.indirect_vreg.gather [hbm4b:s22+s3], $0x80, v18, vm0, $0xb8;
	[tilespmem:$0xD200] =	vst v63  }
0x32: {  	s0 =	simm.s32 $0x3D80  }
0x33: {  	[tilespmem:s0], [sflag:$0x1] =	stream.indirect_vreg.gather [hbm4b:s8+s3], $0x80, v18, vm1, $0xb8;
	[tilespmem:$0xD200] =	vst v63  }
0x34: {  	v18 =	vld [tilespmem:$0x1120];
	_ =	sdelay $0x4  }
0x35: {  	v19 =	vshrl.u32 v18, $0x3  }
0x36: {  	v19 =	vmul.u32 $0x18, v19  }
0x37: {  	v18 =	vand.u32 $0x7, v18  }
0x38: {  	v18 =	vor.u32 v18, v19  }
0x39: {  	v19 =	vperm.xlane v18, v6;
	_ =	sdelay $0x1  }
0x3a: {  	v19 =	vadd.s32 v8, v19;
	_ =	sdelay $0x1  }
0x3b: {  	v18 =	vperm.xlane v18, v7;
	_ =	sdelay $0x1  }
0x3c: {  	s28 =	simm.s32 $0x4180;
	v18 =	vadd.s32 v8, v18  }
0x3d: {  	[tilespmem:s28], [sflag:$0x1] =	stream.indirect_vreg.gather [hbm4b:s22+s3], $0x80, v19, vm0, $0xb8;
	[tilespmem:$0xD200] =	vst v63  }
0x3e: {  	_ = 	snop  }
0x3f: {  	[tilespmem:s1], [sflag:$0x1] =	stream.indirect_vreg.gather [hbm4b:s8+s3], $0x80, v19, vm1, $0xb8;
	[tilespmem:$0xD200] =	vst v63  }
0x40: {  	_ = 	snop  }
0x41: {  	[tilespmem:s7], [sflag:$0x1] =	stream.indirect_vreg.gather [hbm4b:s22+s3], $0x80, v18, vm0, $0xb8;
	[tilespmem:$0xD200] =	vst v63  }
0x42: {  	_ = 	snop  }
0x43: {  	[tilespmem:s5], [sflag:$0x1] =	stream.indirect_vreg.gather [hbm4b:s8+s3], $0x80, v18, vm1, $0xb8;
	[tilespmem:$0xD200] =	vst v63  }
0x44: {  	v18 =	vld [tilespmem:$0x1130];
	_ =	sdelay $0x4  }
0x45: {  	v19 =	vshrl.u32 v18, $0x3  }
0x46: {  	v19 =	vmul.u32 $0x18, v19  }
0x47: {  	v18 =	vand.u32 $0x7, v18  }
0x48: {  	v18 =	vor.u32 v18, v19  }
0x49: {  	v19 =	vperm.xlane v18, v6;
	_ =	sdelay $0x1  }
0x4a: {  	v19 =	vadd.s32 v8, v19;
	_ =	sdelay $0x1  }
0x4b: {  	v18 =	vperm.xlane v18, v7;
	_ =	sdelay $0x1  }
0x4c: {  	v18 =	vadd.s32 v8, v18  }
0x4d: {  	[tilespmem:s9], [sflag:$0x1] =	stream.indirect_vreg.gather [hbm4b:s22+s3], $0x80, v19, vm0, $0xb8;
	[tilespmem:$0xD200] =	vst v63  }
0x4e: {  	_ = 	snop  }
0x4f: {  	[tilespmem:s10], [sflag:$0x1] =	stream.indirect_vreg.gather [hbm4b:s8+s3], $0x80, v19, vm1, $0xb8;
	[tilespmem:$0xD200] =	vst v63  }
0x50: {  	_ = 	snop  }
0x51: {  	[tilespmem:s12], [sflag:$0x1] =	stream.indirect_vreg.gather [hbm4b:s22+s3], $0x80, v18, vm0, $0xb8;
	[tilespmem:$0xD200] =	vst v63  }
0x52: {  	_ = 	snop  }
0x53: {  	[tilespmem:s13], [sflag:$0x1] =	stream.indirect_vreg.gather [hbm4b:s8+s3], $0x80, v18, vm1, $0xb8;
	[tilespmem:$0xD200] =	vst v63  }
0x54: {  	v18 =	vld [tilespmem:$0x1140];
	_ =	sdelay $0x4  }
0x55: {  	v19 =	vshrl.u32 v18, $0x3  }
0x56: {  	v19 =	vmul.u32 $0x18, v19  }
0x57: {  	v18 =	vand.u32 $0x7, v18  }
0x58: {  	v18 =	vor.u32 v18, v19  }
0x59: {  	v19 =	vperm.xlane v18, v6;
	_ =	sdelay $0x1  }
0x5a: {  	v19 =	vadd.s32 v8, v19;
	_ =	sdelay $0x1  }
0x5b: {  	v18 =	vperm.xlane v18, v7;
	_ =	sdelay $0x1  }
0x5c: {  	v18 =	vadd.s32 v8, v18  }
0x5d: {  	[tilespmem:s14], [sflag:$0x1] =	stream.indirect_vreg.gather [hbm4b:s22+s3], $0x80, v19, vm0, $0xb8;
	[tilespmem:$0xD200] =	vst v63  }
0x5e: {  	_ = 	snop  }
0x5f: {  	[tilespmem:s15], [sflag:$0x1] =	stream.indirect_vreg.gather [hbm4b:s8+s3], $0x80, v19, vm1, $0xb8;
	[tilespmem:$0xD200] =	vst v63  }
0x60: {  	_ = 	snop  }
0x61: {  	[tilespmem:s16], [sflag:$0x1] =	stream.indirect_vreg.gather [hbm4b:s22+s3], $0x80, v18, vm0, $0xb8;
	[tilespmem:$0xD200] =	vst v63  }
0x62: {  	_ = 	snop  }
0x63: {  	[tilespmem:s17], [sflag:$0x1] =	stream.indirect_vreg.gather [hbm4b:s8+s3], $0x80, v18, vm1, $0xb8;
	[tilespmem:$0xD200] =	vst v63  }
0x64: {  	v18 =	vld [tilespmem:$0x1150];
	_ =	sdelay $0x4  }
0x65: {  	v19 =	vshrl.u32 v18, $0x3  }
0x66: {  	v19 =	vmul.u32 $0x18, v19  }
0x67: {  	v18 =	vand.u32 $0x7, v18  }
0x68: {  	v18 =	vor.u32 v18, v19  }
0x69: {  	v19 =	vperm.xlane v18, v6;
	_ =	sdelay $0x1  }
0x6a: {  	v19 =	vadd.s32 v8, v19;
	_ =	sdelay $0x1  }
0x6b: {  	v18 =	vperm.xlane v18, v7;
	_ =	sdelay $0x1  }
0x6c: {  	v18 =	vadd.s32 v8, v18  }
0x6d: {  	[tilespmem:s18], [sflag:$0x1] =	stream.indirect_vreg.gather [hbm4b:s22+s3], $0x80, v19, vm0, $0xb8;
	[tilespmem:$0xD200] =	vst v63  }
0x6e: {  	_ = 	snop  }
0x6f: {  	[tilespmem:s19], [sflag:$0x1] =	stream.indirect_vreg.gather [hbm4b:s8+s3], $0x80, v19, vm1, $0xb8;
	[tilespmem:$0xD200] =	vst v63  }
0x70: {  	_ = 	snop  }
0x71: {  	[tilespmem:s21], [sflag:$0x1] =	stream.indirect_vreg.gather [hbm4b:s22+s3], $0x80, v18, vm0, $0xb8;
	[tilespmem:$0xD200] =	vst v63  }
0x72: {  	_ = 	snop  }
0x73: {  	[tilespmem:s20], [sflag:$0x1] =	stream.indirect_vreg.gather [hbm4b:s8+s3], $0x80, v18, vm1, $0xb8;
	[tilespmem:$0xD200] =	vst v63  }
0x74: {  	v18 =	vld [tilespmem:$0x1160];
	_ =	sdelay $0x4  }
0x75: {  	v19 =	vshrl.u32 v18, $0x3  }
0x76: {  	v19 =	vmul.u32 $0x18, v19  }
0x77: {  	v18 =	vand.u32 $0x7, v18  }
0x78: {  	v18 =	vor.u32 v18, v19  }
0x79: {  	v19 =	vperm.xlane v18, v6;
	_ =	sdelay $0x1  }
0x7a: {  	v19 =	vadd.s32 v8, v19;
	_ =	sdelay $0x1  }
0x7b: {  	v18 =	vperm.xlane v18, v7;
	_ =	sdelay $0x1  }
0x7c: {  	v18 =	vadd.s32 v8, v18  }
0x7d: {  	[tilespmem:s2], [sflag:$0x1] =	stream.indirect_vreg.gather [hbm4b:s22+s3], $0x80, v19, vm0, $0xb8;
	[tilespmem:$0xD200] =	vst v63  }
0x7e: {  	s16 =	simm.s32 $0xA980  }
0x7f: {  	[tilespmem:s16], [sflag:$0x1] =	stream.indirect_vreg.gather [hbm4b:s8+s3], $0x80, v19, vm1, $0xb8;
	[tilespmem:$0xD200] =	vst v63  }
0x80: {  	s17 =	simm.s32 $0xAD80  }
0x81: {  	[tilespmem:s17], [sflag:$0x1] =	stream.indirect_vreg.gather [hbm4b:s22+s3], $0x80, v18, vm0, $0xb8;
	[tilespmem:$0xD200] =	vst v63  }
0x82: {  	s18 =	simm.s32 $0xB580  }
0x83: {  	[tilespmem:s18], [sflag:$0x1] =	stream.indirect_vreg.gather [hbm4b:s8+s3], $0x80, v18, vm1, $0xb8;
	[tilespmem:$0xD200] =	vst v63  }
0x84: {  	v18 =	vld [tilespmem:$0x1170];
	_ =	sdelay $0x4  }
0x85: {  	v19 =	vshrl.u32 v18, $0x3  }
0x86: {  	v19 =	vmul.u32 $0x18, v19  }
0x87: {  	v18 =	vand.u32 $0x7, v18  }
0x88: {  	v18 =	vor.u32 v18, v19  }
0x89: {  	v19 =	vperm.xlane v18, v6;
	_ =	sdelay $0x1  }
0x8a: {  	v19 =	vadd.s32 v8, v19;
	_ =	sdelay $0x1  }
0x8b: {  	v18 =	vperm.xlane v18, v7;
	_ =	sdelay $0x1  }
0x8c: {  	s19 =	simm.s32 $0xB980;
	v18 =	vadd.s32 v8, v18  }
0x8d: {  	[tilespmem:s19], [sflag:$0x1] =	stream.indirect_vreg.gather [hbm4b:s22+s3], $0x80, v19, vm0, $0xb8;
	[tilespmem:$0xD200] =	vst v63  }
0x8e: {  	s20 =	simm.s32 $0xC180  }
0x8f: {  	[tilespmem:s20], [sflag:$0x1] =	stream.indirect_vreg.gather [hbm4b:s8+s3], $0x80, v19, vm1, $0xb8;
	[tilespmem:$0xD200] =	vst v63  }
0x90: {  	s21 =	simm.s32 $0xC580  }
0x91: {  	[tilespmem:s21], [sflag:$0x1] =	stream.indirect_vreg.gather [hbm4b:s22+s3], $0x80, v18, vm0, $0xb8;
	[tilespmem:$0xD200] =	vst v63  }
0x92: {  	[dreg:$0x8] =	wrdreg s25;
	s23 =	simm.s32 $0xCD80  }
0x93: {  	[tilespmem:s23], [sflag:$0x1] =	stream.indirect_vreg.gather [hbm4b:s8+s3], $0x80, v18, vm1, $0xb8;
	[tilespmem:$0xD200] =	vst v63  }
0x94: {  	s24 =	rddreg [dreg:$0x5]  }
0x95: {  	[tilespmem:s3], [sflag:$0x2] =	stream.linear.gather [hbm4b:s24+s3], $0x80, $0x38;
	[tilespmem:$0xD200] =	vst v63  }
0x96: {  	s25 =	simm.s32 $0x2;
	s26 =	simm.s32 $0x80;
	s28 =	rddreg [dreg:$0x3]  }
0x97: {  	[tilespmem:s26], [sflag:$0x2] =	stream.linear.gather [hbm4b:s28+s3], $0x1000, $0x38;
	[tilespmem:$0xD200] =	vst v63  }
0x98: {  	_ =	swait.ge [sflag:s25], $0x80  }
0x99: {  	[sflag:s25] =	ssyncset.done $0x0  }
0x9a: {  	[sflag:s25] =	ssyncadd.s32 $0xFFFFFF80  }
0x9b: {  	_ =	swait.ge [sflag:s25], $0x1000  }
0x9c: {  	[sflag:s25] =	ssyncset.done $0x0  }
0x9d: {  	[sflag:s25] =	ssyncadd.s32 $0xFFFFF000  }
0x9e: {  	v18 =	vld [tilespmem:s26+$0x0];
	_ =	sdelay $0x3  }
0x9f: {  	p1 =	sgt.u32 s4, $0x0  }
0xa0: {  	s23 =	simm.s32 $0x1;
	s24 =	simm.s32 $0x100;
	v21 =	vpsel !p1, $0x0, v18;
	v19 =	vadd.s32 v15, v18;
	v18 =	vimm.s32 $0x0  }
.LBB2_2:
0xa1: {  	v20 =	vld [tilespmem:s24+$0x0];
	p1 =	sne.s32 s23, $0x1F;
	v18 =	vadd.s32 v18, v21;
	s25 =	smov.u32 s23;
	s23 =	sadd.s32 $0x1, s23  }
.Ltmp0:
0xa2: {  	(pc) =	sbr.rel @p1 .LBB2_2-.Ltmp0, $3  }
0xa3: {  	_ =	sdelay $0x1  }
0xa4: {  	p2 =	slt.u32 s25, s4  }
0xa5: {  	s24 =	sadd.s32 $0x80, s24;
	v21 =	vpsel !p2, $0x0, v20;
	v19 =	vadd.s32 v19, v20  }
0xa6: {  	v19 =	vadd.s32 $0x1FF, v19  }
0xa7: {  	v19 =	vshra.s32 v19, $0x9  }
0xa8: {  	(xrf0) =	vadd.scan.msk.s32 $0xffff, v19;
	_ =	sdelay $0x2  }
.Ltmp1:
0xa9: {  	_ = 	snop;
	(pc) =	sbr.rel @p0 .LBB2_9-.Ltmp1, $3  }
0xaa: {  	_ =	sdelay $0x1  }
0xab: {  	v20, _, _ =	vpop (xrf0)  }
0xac: {  	v18 =	vadd.s32 v18, v21;
	s22 =	simm.s32 $0xA980;
	v19 =	vsub.s32 v20, v19  }
0xad: {  	s23 =	simm.s32 $0x0  }
0xae: {  	v21 =	vmov s23  }
0xaf: {  	vm3 =	veq.s32 v21, v0  }
0xb0: {  	v21 =	vnsel vm3, $0x0, v19  }
0xb1: {  	(xrf0) =	vadd.scan.msk.s32 $0xffff, v21;
	_ =	sdelay $0x1  }
0xb2: {  	s28 =	simm.s32 $0x1  }
0xb3: {  	v21 =	vmov s28  }
0xb4: {  	vm3 =	veq.s32 v21, v0  }
0xb5: {  	v23 =	vnsel vm3, $0x0, v19  }
0xb6: {  	v24, _, _ =	vpop (xrf0);
	(xrf0) =	vadd.scan.msk.s32 $0xffff, v23  }
0xb7: {  	v22 =	vimm.s32 $0x0;
	s23 =	simm.s32 $0x2;
	v21 =	vbroadcast v20, $0xF;
	v23 =	vbroadcast v24, $0xF  }
.LBB2_5:
0xb8: {  	p1 =	sne.s32 s23, $0x7  }
.Ltmp2:
0xb9: {  	v24 =	vmov s23;
	s23 =	sadd.s32 $0x1, s23;
	vm3 =	vlt.s32 v23, v14;
	(pc) =	sbr.rel @p1 .LBB2_5-.Ltmp2, $4  }
0xba: {  	vm4 =	veq.s32 v24, v0;
	v25 =	vsel vm3, $0x1, v15  }
0xbb: {  	v24 =	vnsel vm4, $0x0, v19;
	v22 =	vadd.s32 v25, v22  }
0xbc: {  	(xrf0) =	vadd.scan.msk.s32 $0xffff, v24;
	v23, _, _ =	vpop (xrf0)  }
0xbd: {  	v23 =	vbroadcast v23, $0xF  }
0xbe: {  	_ =	sdelay $0x1  }
0xbf: {  	s23 =	simm.s32 $0x0  }
0xc0: {  	v24 =	vmov s23  }
0xc1: {  	vm3 =	veq.s32 v24, v0;
	v62, _, _ =	vpop (xrf0)  }
0xc2: {  	v25 =	vnsel vm3, $0x0, v19;
	v24 =	vbroadcast v62, $0xF  }
0xc3: {  	vm3 =	vlt.s32 v23, v14;
	(xrf0) =	vadd.scan.msk.s32 $0xffff, v25  }
0xc4: {  	v23 =	vsel vm3, $0x1, v15;
	vm3 =	vlt.s32 v24, v14  }
0xc5: {  	s28 =	simm.s32 $0x1;
	v22 =	vadd.s32 v23, v22;
	v23 =	vsel vm3, $0x1, v15  }
0xc6: {  	v22 =	vadd.s32 v23, v22;
	v23 =	vmov s28  }
0xc7: {  	v22 =	vadd.s32 $0xFFFFFFFF, v22;
	vm4 =	veq.s32 v23, v0  }
0xc8: {  	vm3 =	vgt.s32 v21, v0;
	[tilespmem:$0xD180] =	vst v22;
	v22 =	vnsel vm4, $0x0, v19  }
0xc9: {  	v23 =	vsel vm3, $0x1, v15;
	v63, _, _ =	vpop (xrf0);
	(xrf0) =	vadd.scan.msk.s32 $0xffff, v22  }
0xca: {  	s23 =	simm.s32 $0x2;
	[tilespmem:$0xD1A0] =	vst v23;
	v23 =	vbroadcast v63, $0xF;
	v22 =	vimm.s32 $0x0  }
.LBB2_7:
0xcb: {  	p1 =	sne.s32 s23, $0x7  }
.Ltmp3:
0xcc: {  	v24 =	vmov s23;
	s23 =	sadd.s32 $0x1, s23;
	vm3 =	vlt.s32 v23, v16;
	(pc) =	sbr.rel @p1 .LBB2_7-.Ltmp3, $4  }
0xcd: {  	vm4 =	veq.s32 v24, v0;
	v25 =	vsel vm3, $0x1, v15  }
0xce: {  	v24 =	vnsel vm4, $0x0, v19;
	v22 =	vadd.s32 v25, v22  }
0xcf: {  	(xrf0) =	vadd.scan.msk.s32 $0xffff, v24;
	v23, _, _ =	vpop (xrf0)  }
0xd0: {  	v23 =	vbroadcast v23, $0xF  }
0xd1: {  	_ =	sdelay $0x3  }
0xd2: {  	v24, _, _ =	vpop (xrf0)  }
0xd3: {  	v24 =	vbroadcast v24, $0xF  }
0xd4: {  	vm3 =	vlt.s32 v23, v16  }
0xd5: {  	v23 =	vsel vm3, $0x1, v15;
	vm3 =	vlt.s32 v24, v16  }
0xd6: {  	v22 =	vadd.s32 v23, v22;
	v61 =	vsel vm3, $0x1, v15  }
0xd7: {  	vm3 =	vgt.s32 v21, v17;
	v22 =	vadd.s32 v61, v22  }
0xd8: {  	v63 =	vsel vm3, $0x1, v15;
	v62 =	vadd.s32 $0xFFFFFFFF, v22  }
0xd9: {  	v20 =	vsel vm2, v63, v20;
	[tilespmem:$0xD190] =	vst v62  }
0xda: {  	s23 =	rddreg [dreg:$0x4];
	s0 =	simm.s32 $0xD180;
	s28 =	simm.s32 $0x3;
	[tilespmem:$0xD1B0] =	vst v20  }
0xdb: {  	[hbm4b:s23+s3] =	stream.linear.scatter [tilespmem:s0], [sflag:$0x3], $0x80, $0x38;
	[tilespmem:$0xD200] =	vst v63  }
0xdc: {  	_ =	swait.ge [sflag:s28], $0x80  }
0xdd: {  	[sflag:s28] =	ssyncset.done $0x0  }
0xde: {  	[sflag:s28] =	ssyncadd.s32 $0xFFFFFF80  }
.LBB2_9:
0xdf: {  	v19 =	vshll.u32 v19, $0x9  }
0xe0: {  	s23 =	simm.s32 $0x0;
	s24 =	simm.s32 $0x0;
	v18 =	vadd.s32 v18, v19  }
.LBB2_10:
0xe1: {  	s25 =	sshll.u32 s24, $0x4  }
0xe2: {  	v19 =	vld [tilespmem:s25+$0x0];
	_ =	sdelay $0x2  }
0xe3: {  	v20 =	vmov s23  }
0xe4: {  	vm3 =	veq.s32 v20, v0  }
0xe5: {  	v20 =	vnsel vm3, $0x0, v18;
	vm4 =	veq.s32 v19, s23  }
0xe6: {  	(xrf0) =	vadd.scan.msk.s32 $0xffff, v20;
	v21 =	vsel vm4, $0x1, v15  }
0xe7: {  	v20 =	vmpcnt.ones.xlane vm4;
	(xrf0) =	vadd.scan.msk.s32 $0xffff, v21  }
0xe8: {  	s26 =	simm.s32 $0x1  }
0xe9: {  	v21 =	vmov s26;
	v20 =	vnsel vm3, $0x0, v20  }
0xea: {  	vm3 =	veq.s32 v21, v0;
	v18 =	vadd.s32 v18, v20  }
0xeb: {  	vm5 =	veq.s32 v19, s26;
	v21 =	vnsel vm3, $0x0, v18  }
0xec: {  	vm4 =	vmmov vm4;
	v23 =	vsel vm5, $0x1, v15;
	v22, _, _ =	vpop (xrf0);
	(xrf0) =	vadd.scan.msk.s32 $0xffff, v21  }
0xed: {  	v24 =	vsel vm4, $0xFFFFFFFF, v15;
	v22 =	vbroadcast v22, $0xF;
	v21 =	vmpcnt.ones.xlane vm5;
	v25, _, _ =	vpop (xrf0);
	(xrf0) =	vadd.scan.msk.s32 $0xffff, v23  }
0xee: {  	s26 =	simm.s32 $0x2;
	v20 =	vimm.s32 $0x0;
	v23 =	vadd.s32 v24, v25  }
.LBB2_11:
0xef: {  	v24 =	vmov s26;
	p1 =	sne.s32 s26, $0x7;
	v21 =	vnsel vm3, $0x0, v21;
	v22 =	vadd.s32 v22, v23;
	s28 =	smov.u32 s26;
	s26 =	sadd.s32 $0x1, s26  }
.Ltmp4:
0xf0: {  	vm3 =	veq.s32 v24, v0;
	v18 =	vadd.s32 v18, v21;
	v20 =	vsel vm4, v22, v20;
	(pc) =	sbr.rel @p1 .LBB2_11-.Ltmp4, $4  }
0xf1: {  	vm4 =	vmmov vm5;
	vm5 =	veq.s32 v19, s28;
	v21 =	vnsel vm3, $0x0, v18  }
0xf2: {  	v22 =	vsel vm5, $0x1, v15;
	(xrf0) =	vadd.scan.msk.s32 $0xffff, v21;
	v23, _, _ =	vpop (xrf0)  }
0xf3: {  	v24 =	vsel vm4, $0xFFFFFFFF, v15;
	v21 =	vmpcnt.ones.xlane vm5;
	(xrf0) =	vadd.scan.msk.s32 $0xffff, v22;
	v22 =	vbroadcast v23, $0xF;
	v23, _, _ =	vpop (xrf0)  }
0xf4: {  	v23 =	vadd.s32 v24, v23  }
0xf5: {  	_ =	sdelay $0x1  }
0xf6: {  	s24 =	sadd.s32 $0x1, s24  }
0xf7: {  	vm5 =	vmmov vm5;
	p1 =	sne.s32 s24, $0x8;
	v19, _, _ =	vpop (xrf0)  }
.Ltmp5:
0xf8: {  	v24 =	vsel vm5, $0xFFFFFFFF, v15;
	v19 =	vbroadcast v19, $0xF;
	v25, _, _ =	vpop (xrf0);
	(pc) =	sbr.rel @p1 .LBB2_10-.Ltmp5, $4  }
0xf9: {  	v22 =	vadd.s32 v22, v23;
	v63 =	vadd.s32 v24, v25  }
0xfa: {  	v20 =	vsel vm4, v22, v20;
	v19 =	vadd.s32 v19, v63  }
0xfb: {  	v21 =	vnsel vm3, $0x0, v21;
	v19 =	vsel vm5, v19, v20  }
0xfc: {  	v18 =	vadd.s32 v18, v21;
	[tilespmem:s25+$0x1080] =	vst v19  }
0xfd: {  	s0 =	simm.s32 $0x1  }
0xfe: {  	_ =	swait.ge [sflag:s0], $0xC000  }
0xff: {  	[sflag:s0] =	ssyncset.done $0x0  }
0x100: {  	s15 =	simm.s32 $0x1080;
	s23 =	rddreg [dreg:$0x6];
	[sflag:s0] =	ssyncadd.s32 $0xFFFF4000  }
0x101: {  	[hbm4b:s23+s3] =	stream.linear.scatter [tilespmem:s15], [sflag:$0x2], $0x80, $0x38;
	[tilespmem:$0xD200] =	vst v63  }
0x102: {  	v18 =	vld [tilespmem:$0x1080];
	_ =	sdelay $0x4  }
0x103: {  	v19 =	vshrl.u32 v18, $0x3  }
0x104: {  	v19 =	vmul.u32 $0x18, v19  }
0x105: {  	v18 =	vand.u32 $0x7, v18  }
0x106: {  	v18 =	vor.u32 v18, v19  }
0x107: {  	v19 =	vperm.xlane v18, v6;
	_ =	sdelay $0x1  }
0x108: {  	v19 =	vadd.s32 v8, v19;
	_ =	sdelay $0x1  }
0x109: {  	v18 =	vperm.xlane v18, v7;
	_ =	sdelay $0x1  }
0x10a: {  	s16 =	simm.s32 $0x1180;
	v18 =	vadd.s32 v8, v18  }
0x10b: {  	[hbm4b:s6+s3] =	stream.indirect_vreg.scatter [tilespmem:s16], [sflag:$0x2], $0x80, v19, vm0, $0xb8;
	[tilespmem:$0xD200] =	vst v63  }
0x10c: {  	s17 =	simm.s32 $0x1980  }
0x10d: {  	[hbm4b:s11+s3] =	stream.indirect_vreg.scatter [tilespmem:s17], [sflag:$0x2], $0x80, v19, vm1, $0xb8;
	[tilespmem:$0xD200] =	vst v63  }
0x10e: {  	s18 =	simm.s32 $0x1D80  }
0x10f: {  	[hbm4b:s6+s3] =	stream.indirect_vreg.scatter [tilespmem:s18], [sflag:$0x2], $0x80, v18, vm0, $0xb8;
	[tilespmem:$0xD200] =	vst v63  }
0x110: {  	s19 =	simm.s32 $0x2580  }
0x111: {  	[hbm4b:s11+s3] =	stream.indirect_vreg.scatter [tilespmem:s19], [sflag:$0x2], $0x80, v18, vm1, $0xb8;
	[tilespmem:$0xD200] =	vst v63  }
0x112: {  	v18 =	vld [tilespmem:$0x1090];
	_ =	sdelay $0x4  }
0x113: {  	v19 =	vshrl.u32 v18, $0x3  }
0x114: {  	v19 =	vmul.u32 $0x18, v19  }
0x115: {  	v18 =	vand.u32 $0x7, v18  }
0x116: {  	v18 =	vor.u32 v18, v19  }
0x117: {  	v19 =	vperm.xlane v18, v6;
	_ =	sdelay $0x1  }
0x118: {  	v19 =	vadd.s32 v8, v19;
	_ =	sdelay $0x1  }
0x119: {  	v18 =	vperm.xlane v18, v7;
	_ =	sdelay $0x1  }
0x11a: {  	s20 =	simm.s32 $0x2980;
	v18 =	vadd.s32 v8, v18  }
0x11b: {  	[hbm4b:s6+s3] =	stream.indirect_vreg.scatter [tilespmem:s20], [sflag:$0x2], $0x80, v19, vm0, $0xb8;
	[tilespmem:$0xD200] =	vst v63  }
0x11c: {  	s21 =	simm.s32 $0x3180  }
0x11d: {  	[hbm4b:s11+s3] =	stream.indirect_vreg.scatter [tilespmem:s21], [sflag:$0x2], $0x80, v19, vm1, $0xb8;
	[tilespmem:$0xD200] =	vst v63  }
0x11e: {  	s23 =	simm.s32 $0x3580  }
0x11f: {  	[hbm4b:s6+s3] =	stream.indirect_vreg.scatter [tilespmem:s23], [sflag:$0x2], $0x80, v18, vm0, $0xb8;
	[tilespmem:$0xD200] =	vst v63  }
0x120: {  	s24 =	simm.s32 $0x3D80  }
0x121: {  	[hbm4b:s11+s3] =	stream.indirect_vreg.scatter [tilespmem:s24], [sflag:$0x2], $0x80, v18, vm1, $0xb8;
	[tilespmem:$0xD200] =	vst v63  }
0x122: {  	v18 =	vld [tilespmem:$0x10A0];
	_ =	sdelay $0x4  }
0x123: {  	v19 =	vshrl.u32 v18, $0x3  }
0x124: {  	v19 =	vmul.u32 $0x18, v19  }
0x125: {  	v18 =	vand.u32 $0x7, v18  }
0x126: {  	v18 =	vor.u32 v18, v19  }
0x127: {  	v19 =	vperm.xlane v18, v6;
	_ =	sdelay $0x1  }
0x128: {  	v19 =	vadd.s32 v8, v19;
	_ =	sdelay $0x1  }
0x129: {  	v18 =	vperm.xlane v18, v7;
	_ =	sdelay $0x1  }
0x12a: {  	s25 =	simm.s32 $0x4180;
	v18 =	vadd.s32 v8, v18  }
0x12b: {  	[hbm4b:s6+s3] =	stream.indirect_vreg.scatter [tilespmem:s25], [sflag:$0x2], $0x80, v19, vm0, $0xb8;
	[tilespmem:$0xD200] =	vst v63  }
0x12c: {  	s1 =	simm.s32 $0x4980  }
0x12d: {  	[hbm4b:s11+s3] =	stream.indirect_vreg.scatter [tilespmem:s1], [sflag:$0x2], $0x80, v19, vm1, $0xb8;
	[tilespmem:$0xD200] =	vst v63  }
0x12e: {  	s7 =	simm.s32 $0x4D80  }
0x12f: {  	[hbm4b:s6+s3] =	stream.indirect_vreg.scatter [tilespmem:s7], [sflag:$0x2], $0x80, v18, vm0, $0xb8;
	[tilespmem:$0xD200] =	vst v63  }
0x130: {  	s5 =	simm.s32 $0x5580  }
0x131: {  	[hbm4b:s11+s3] =	stream.indirect_vreg.scatter [tilespmem:s5], [sflag:$0x2], $0x80, v18, vm1, $0xb8;
	[tilespmem:$0xD200] =	vst v63  }
0x132: {  	v18 =	vld [tilespmem:$0x10B0];
	_ =	sdelay $0x4  }
0x133: {  	v19 =	vshrl.u32 v18, $0x3  }
0x134: {  	v19 =	vmul.u32 $0x18, v19  }
0x135: {  	v18 =	vand.u32 $0x7, v18  }
0x136: {  	v18 =	vor.u32 v18, v19  }
0x137: {  	v19 =	vperm.xlane v18, v6;
	_ =	sdelay $0x1  }
0x138: {  	v19 =	vadd.s32 v8, v19;
	_ =	sdelay $0x1  }
0x139: {  	v18 =	vperm.xlane v18, v7;
	_ =	sdelay $0x1  }
0x13a: {  	s9 =	simm.s32 $0x5980;
	v18 =	vadd.s32 v8, v18  }
0x13b: {  	[hbm4b:s6+s3] =	stream.indirect_vreg.scatter [tilespmem:s9], [sflag:$0x2], $0x80, v19, vm0, $0xb8;
	[tilespmem:$0xD200] =	vst v63  }
0x13c: {  	s10 =	simm.s32 $0x6180  }
0x13d: {  	[hbm4b:s11+s3] =	stream.indirect_vreg.scatter [tilespmem:s10], [sflag:$0x2], $0x80, v19, vm1, $0xb8;
	[tilespmem:$0xD200] =	vst v63  }
0x13e: {  	s12 =	simm.s32 $0x6580  }
0x13f: {  	[hbm4b:s6+s3] =	stream.indirect_vreg.scatter [tilespmem:s12], [sflag:$0x2], $0x80, v18, vm0, $0xb8;
	[tilespmem:$0xD200] =	vst v63  }
0x140: {  	s13 =	simm.s32 $0x6D80  }
0x141: {  	[hbm4b:s11+s3] =	stream.indirect_vreg.scatter [tilespmem:s13], [sflag:$0x2], $0x80, v18, vm1, $0xb8;
	[tilespmem:$0xD200] =	vst v63  }
0x142: {  	v18 =	vld [tilespmem:$0x10C0];
	_ =	sdelay $0x4  }
0x143: {  	v19 =	vshrl.u32 v18, $0x3  }
0x144: {  	v19 =	vmul.u32 $0x18, v19  }
0x145: {  	v18 =	vand.u32 $0x7, v18  }
0x146: {  	v18 =	vor.u32 v18, v19  }
0x147: {  	v19 =	vperm.xlane v18, v6;
	_ =	sdelay $0x1  }
0x148: {  	v19 =	vadd.s32 v8, v19;
	_ =	sdelay $0x1  }
0x149: {  	v18 =	vperm.xlane v18, v7;
	_ =	sdelay $0x1  }
0x14a: {  	s14 =	simm.s32 $0x7180;
	v18 =	vadd.s32 v8, v18  }
0x14b: {  	[hbm4b:s6+s3] =	stream.indirect_vreg.scatter [tilespmem:s14], [sflag:$0x2], $0x80, v19, vm0, $0xb8;
	[tilespmem:$0xD200] =	vst v63  }
0x14c: {  	s15 =	simm.s32 $0x7980  }
0x14d: {  	[hbm4b:s11+s3] =	stream.indirect_vreg.scatter [tilespmem:s15], [sflag:$0x2], $0x80, v19, vm1, $0xb8;
	[tilespmem:$0xD200] =	vst v63  }
0x14e: {  	s16 =	simm.s32 $0x7D80  }
0x14f: {  	[hbm4b:s6+s3] =	stream.indirect_vreg.scatter [tilespmem:s16], [sflag:$0x2], $0x80, v18, vm0, $0xb8;
	[tilespmem:$0xD200] =	vst v63  }
0x150: {  	s17 =	simm.s32 $0x8580  }
0x151: {  	[hbm4b:s11+s3] =	stream.indirect_vreg.scatter [tilespmem:s17], [sflag:$0x2], $0x80, v18, vm1, $0xb8;
	[tilespmem:$0xD200] =	vst v63  }
0x152: {  	v18 =	vld [tilespmem:$0x10D0];
	_ =	sdelay $0x4  }
0x153: {  	v19 =	vshrl.u32 v18, $0x3  }
0x154: {  	v19 =	vmul.u32 $0x18, v19  }
0x155: {  	v18 =	vand.u32 $0x7, v18  }
0x156: {  	v18 =	vor.u32 v18, v19  }
0x157: {  	v19 =	vperm.xlane v18, v6;
	_ =	sdelay $0x1  }
0x158: {  	v19 =	vadd.s32 v8, v19;
	_ =	sdelay $0x1  }
0x159: {  	v18 =	vperm.xlane v18, v7;
	_ =	sdelay $0x1  }
0x15a: {  	s18 =	simm.s32 $0x8980;
	v18 =	vadd.s32 v8, v18  }
0x15b: {  	[hbm4b:s6+s3] =	stream.indirect_vreg.scatter [tilespmem:s18], [sflag:$0x2], $0x80, v19, vm0, $0xb8;
	[tilespmem:$0xD200] =	vst v63  }
0x15c: {  	s19 =	simm.s32 $0x9180  }
0x15d: {  	[hbm4b:s11+s3] =	stream.indirect_vreg.scatter [tilespmem:s19], [sflag:$0x2], $0x80, v19, vm1, $0xb8;
	[tilespmem:$0xD200] =	vst v63  }
0x15e: {  	s21 =	simm.s32 $0x9580  }
0x15f: {  	[hbm4b:s6+s3] =	stream.indirect_vreg.scatter [tilespmem:s21], [sflag:$0x2], $0x80, v18, vm0, $0xb8;
	[tilespmem:$0xD200] =	vst v63  }
0x160: {  	s20 =	simm.s32 $0x9D80  }
0x161: {  	[hbm4b:s11+s3] =	stream.indirect_vreg.scatter [tilespmem:s20], [sflag:$0x2], $0x80, v18, vm1, $0xb8;
	[tilespmem:$0xD200] =	vst v63  }
0x162: {  	v18 =	vld [tilespmem:$0x10E0];
	_ =	sdelay $0x4  }
0x163: {  	v19 =	vshrl.u32 v18, $0x3  }
0x164: {  	v19 =	vmul.u32 $0x18, v19  }
0x165: {  	v18 =	vand.u32 $0x7, v18  }
0x166: {  	v18 =	vor.u32 v18, v19  }
0x167: {  	v19 =	vperm.xlane v18, v6;
	_ =	sdelay $0x1  }
0x168: {  	v19 =	vadd.s32 v8, v19;
	_ =	sdelay $0x1  }
0x169: {  	v18 =	vperm.xlane v18, v7;
	_ =	sdelay $0x1  }
0x16a: {  	s2 =	simm.s32 $0xA180;
	v18 =	vadd.s32 v8, v18  }
0x16b: {  	[hbm4b:s6+s3] =	stream.indirect_vreg.scatter [tilespmem:s2], [sflag:$0x2], $0x80, v19, vm0, $0xb8;
	[tilespmem:$0xD200] =	vst v63  }
0x16c: {  	_ = 	snop  }
0x16d: {  	[hbm4b:s11+s3] =	stream.indirect_vreg.scatter [tilespmem:s22], [sflag:$0x2], $0x80, v19, vm1, $0xb8;
	[tilespmem:$0xD200] =	vst v63  }
0x16e: {  	s26 =	simm.s32 $0xAD80  }
0x16f: {  	[hbm4b:s6+s3] =	stream.indirect_vreg.scatter [tilespmem:s26], [sflag:$0x2], $0x80, v18, vm0, $0xb8;
	[tilespmem:$0xD200] =	vst v63  }
0x170: {  	s28 =	simm.s32 $0xB580  }
0x171: {  	[hbm4b:s11+s3] =	stream.indirect_vreg.scatter [tilespmem:s28], [sflag:$0x2], $0x80, v18, vm1, $0xb8;
	[tilespmem:$0xD200] =	vst v63  }
0x172: {  	v18 =	vld [tilespmem:$0x10F0];
	_ =	sdelay $0x4  }
0x173: {  	v19 =	vshrl.u32 v18, $0x3  }
0x174: {  	v19 =	vmul.u32 $0x18, v19  }
0x175: {  	v18 =	vand.u32 $0x7, v18  }
0x176: {  	v18 =	vor.u32 v18, v19  }
0x177: {  	v19 =	vperm.xlane v18, v6;
	_ =	sdelay $0x1  }
0x178: {  	v19 =	vadd.s32 v8, v19;
	_ =	sdelay $0x1  }
0x179: {  	v18 =	vperm.xlane v18, v7;
	_ =	sdelay $0x1  }
0x17a: {  	s0 =	simm.s32 $0xB980;
	v18 =	vadd.s32 v8, v18  }
0x17b: {  	[hbm4b:s6+s3] =	stream.indirect_vreg.scatter [tilespmem:s0], [sflag:$0x2], $0x80, v19, vm0, $0xb8;
	[tilespmem:$0xD200] =	vst v63  }
0x17c: {  	s23 =	simm.s32 $0xC180  }
0x17d: {  	[hbm4b:s11+s3] =	stream.indirect_vreg.scatter [tilespmem:s23], [sflag:$0x2], $0x80, v19, vm1, $0xb8;
	[tilespmem:$0xD200] =	vst v63  }
0x17e: {  	s24 =	simm.s32 $0xC580  }
0x17f: {  	[hbm4b:s6+s3] =	stream.indirect_vreg.scatter [tilespmem:s24], [sflag:$0x2], $0x80, v18, vm0, $0xb8;
	[tilespmem:$0xD200] =	vst v63  }
0x180: {  	s25 =	simm.s32 $0xCD80;
	s26 =	simm.s32 $0x2  }
0x181: {  	[hbm4b:s11+s3] =	stream.indirect_vreg.scatter [tilespmem:s25], [sflag:$0x2], $0x80, v18, vm1, $0xb8;
	[tilespmem:$0xD200] =	vst v63  }
0x182: {  	_ =	swait.ge [sflag:s26], $0x80  }
0x183: {  	[sflag:s26] =	ssyncset.done $0x0  }
0x184: {  	[sflag:s26] =	ssyncadd.s32 $0xFFFFFF80  }
0x185: {  	_ =	swait.ge [sflag:s26], $0xC000  }
0x186: {  	s25 =	rddreg [dreg:$0x8]  }
0x187: {  	s28 =	rddreg [dreg:$0x7];
	s25 =	sadd.s32 $0x1, s25  }
0x188: {  	p1 =	sne.s32 s25, s28  }
.Ltmp6:
0x189: {  	_ = 	snop;
	(pc) =	sbr.rel @p1 .LBB2_1-.Ltmp6, $3  }
0x18a: {  	_ =	sdelay $0x1  }
0x18b: {  	[sflag:s26] =	ssyncset.done $0x0  }
0x18c: {  	s23 =	simm.s32 $0x2980;
	[sflag:s26] =	ssyncadd.s32 $0xFFFF4000  }
0x18d: {  	_ =	sfence.sel $0x180000  }
0x18e: {  	[bflag:$0x0] =	sbarrier.arrive $0xFFFF  }
0x18f: {  	_ =	strace $0x9000004A  }
0x190: {  	s0 =	stileid.u32;
	[bflag:$0x2] =	sbarrier.arrive $0xFFFF  }
0x191: {  	p0 =	sne.s32 s0, $0x0;
	s0 =	rddreg [dreg:$0x2]  }
0x192: {  	s0 =	sadd.s32 @!p0 $0x100000, s0  }
0x193: {  	[sflag:s0] =	ssyncadd.tile.s32 @!p0 $0x1;
	_ =	shalt  }
.Lfunc_end2:
_tile_overlayer_lowered:
.L_overlay_start_2:
0x194: {  	(tag) =	ssettag $0x2  }
0x195: {  	s0 =	rddreg [dreg:$0x0];
	s2 =	stileid.u32  }
0x196: {  	s1 =	rddreg [dreg:$0x1];
	p0 =	sne.s32 s2, $0x0  }
0x197: {  	s3 =	rddreg [dreg:$0x2];
	[bflag:$0x3] =	sbarrier.arrive $0xFFFF;
	s2 =	simm.s32 @!p0 $0x1C03  }
0x198: {  	[timem:s3], [sflag:s2] =	dma.local @!p0 [hbm:s0], s1  }
0x199: {  	s0 =	simm.s32 @!p0 $0x3  }
0x19a: {  	_ =	swait.ge @!p0 [sflag:s0], s1  }
0x19b: {  	s1 =	ssub.s32 @!p0 $0x0, s1;
	[sflag:s0] =	ssyncset.done @!p0 $0x0  }
0x19c: {  	[sflag:s0] =	ssyncadd.s32 @!p0 s1  }
0x19d: {  	[bflag:$0x3] =	sbarrier.arrive $0xFFFF  }
0x19e: {  	_ =	shalt  }

</sc_bundles>
